<compile_context>
chip_gen: v7x
topology: tpu7x:2x2x1
jax: 0.10.2.dev20260603
libtpu: 0.0.44.dev20260713+nightly
codegen_flags: <defaults>
</compile_context>

<pallas_src>
import functools

import jax
import jax.numpy as jnp
from jax import lax
from jax.experimental import pallas as pl
from jax.experimental.pallas import tpu as pltpu
from jax.experimental.pallas import tpu_sc as plsc

N = 10000
E = 320000
H = 128
W16 = 16

NC = 2
NS = 16
NT = NC * NS
K = 128
CH = 80
EPAD = NT * CH * K
NR = 10240
RPT = NR // NS

_mesh = plsc.VectorSubcoreMesh(
    core_axis_name="c", subcore_axis_name="s", num_cores=NC, num_subcores=NS
)


@functools.partial(
    pl.kernel,
    out_type=[jax.ShapeDtypeStruct((NC, NR, H), jnp.float32)],
    mesh=_mesh,
    scratch_types=[
        pltpu.VMEM((CH // 2, K), jnp.int32),
        pltpu.VMEM((CH // 2, K), jnp.int32),
        pltpu.VMEM((2, K, H), jnp.float32),
        pltpu.VMEM_SHARED((NR, H), jnp.float32),
        pltpu.SemaphoreType.DMA,
        pltpu.SemaphoreType.DMA,
    ],
)
def _agg(x_hbm, srcp, dstp, zacc, zrow, out_hbm, src_all, dst_all, rows, acc, sem0, sem1):
    c = lax.axis_index("c")
    s = lax.axis_index("s")
    base = (s * NC + c) * CH
    pltpu.sync_copy(zacc, acc.at[pl.ds(s * RPT, RPT)])
    plsc.subcore_barrier()

    sems = (sem0, sem1)
    CH2 = CH // 2
    for h in range(2):
        pltpu.sync_copy(srcp.at[pl.ds(base + h * CH2, CH2)], src_all)
        pltpu.sync_copy(dstp.at[pl.ds(base + h * CH2, CH2)], dst_all)
        pltpu.async_copy(x_hbm.at[src_all.at[0]], rows.at[0], sems[0])

        @pl.loop(0, CH2, step=2)
        def _chunks(g):
            for b in range(2):
                j = g + b
                nb = 1 - b

                @pl.when(j + 1 < CH2)
                def _prefetch():
                    pltpu.async_copy(
                        x_hbm.at[src_all.at[j + 1]], rows.at[nb], sems[nb]
                    )

                pltpu.make_async_copy(zrow, rows.at[b], sems[b]).wait()
                pltpu.sync_copy(rows.at[b], acc.at[dst_all.at[j]], add=True)

    plsc.subcore_barrier()
    sl = pl.ds(s * RPT, RPT)
    pltpu.sync_copy(acc.at[sl], out_hbm.at[c, sl])


@functools.partial(
    pl.kernel,
    out_type=[jax.ShapeDtypeStruct((NC, NR, H), jnp.float32)],
    mesh=_mesh,
    scratch_types=[
        pltpu.VMEM((K,), jnp.int32),
        pltpu.VMEM((K, H), jnp.float32),
        pltpu.VMEM_SHARED((NR, H), jnp.float32),
    ],
)
def _deg(dstp, zacc, o16, out_hbm, dst_v, rows, acc):
    c = lax.axis_index("c")
    s = lax.axis_index("s")
    wid = s * NC + c
    pltpu.sync_copy(zacc, acc.at[pl.ds(s * RPT, RPT)])
    plsc.subcore_barrier()
    pltpu.sync_copy(o16.at[pl.ds(0, K)], rows)

    def step(j, carry):
        pltpu.sync_copy(dstp.at[wid * CH + j], dst_v)
        pltpu.sync_copy(rows, acc.at[dst_v], add=True)
        return carry

    lax.fori_loop(0, CH, step, 0)
    plsc.subcore_barrier()
    sl = pl.ds(s * RPT, RPT)
    pltpu.sync_copy(acc.at[sl], out_hbm.at[c, sl])


def _enc_body(h_ref, w_ref, b_ref, o_ref):
    o_ref[...] = (
        jnp.dot(h_ref[...], w_ref[...], preferred_element_type=jnp.float32)
        + b_ref[...]
    )


def _layer_body(p_ref, degp_ref, x_ref, w_ref, b_ref, g_ref, be_ref, o_ref):
    agg = p_ref[0, :N, :] + p_ref[1, :N, :]
    deg = jnp.maximum(degp_ref[0, :N, :1] + degp_ref[1, :N, :1], 1.0)
    y = (
        jnp.dot(agg / deg, w_ref[...], preferred_element_type=jnp.float32)
        + b_ref[...]
    )
    mu = jnp.mean(y, axis=0, keepdims=True)
    var = jnp.mean((y - mu) ** 2, axis=0, keepdims=True)
    yn = (y - mu) * lax.rsqrt(var + 1e-5) * g_ref[...] + be_ref[...]
    o_ref[...] = x_ref[...] + jnp.maximum(yn, 0.0)


def _out_body(x_ref, w_ref, b_ref, o_ref):
    o_ref[...] = (
        jnp.dot(x_ref[...], w_ref[...], preferred_element_type=jnp.float32)
        + b_ref[...]
    )


def kernel(h, e, W_enc, b_enc, Ws, bs, gammas, betas, W_out, b_out, edge_index):
    del e
    src = edge_index[0]
    dst = edge_index[1]
    srcp = jnp.concatenate(
        [src, jnp.zeros((EPAD - E,), jnp.int32)]).reshape(NT * CH, K)
    dstp = jnp.concatenate(
        [dst, jnp.full((EPAD - E,), N, jnp.int32)]).reshape(NT * CH, K)
    zrow = jnp.zeros((K, H), jnp.float32)
    zacc = jnp.zeros((RPT, H), jnp.float32)

    x = pl.pallas_call(
        _enc_body, out_shape=jax.ShapeDtypeStruct((N, H), jnp.float32)
    )(h, W_enc, b_enc.reshape(1, H))

    (degp,) = _deg(dstp, zacc, jnp.ones((K, H), jnp.float32))
    srcp, degp = lax.optimization_barrier((srcp, degp))
    for i in range(Ws.shape[0]):
        (p,) = _agg(x, srcp, dstp, zacc, zrow)
        x = pl.pallas_call(
            _layer_body, out_shape=jax.ShapeDtypeStruct((N, H), jnp.float32)
        )(
            p, degp, x, Ws[i], bs[i].reshape(1, H),
            gammas[i].reshape(1, H), betas[i].reshape(1, H),
        )

    C = W_out.shape[1]
    return pl.pallas_call(
        _out_body, out_shape=jax.ShapeDtypeStruct((N, C), jnp.float32)
    )(x, W_out, b_out.reshape(1, C))

# --- scband reference (transcript-rebuilt; emitter-appended) ---
"""Pipeline reference for scband-gcnnet-27401891348877 (READ-ONLY COPY).

The authoritative reference and input builder live on the scoring server;
editing this copy changes nothing except your own understanding.
"""

import jax, jax.numpy as jnp
import numpy as np

N = 10000
E = 320000
D = 128
H = 128
O = 128
C = 40
L = 4

def setup_inputs(seed: int = 0):
    key = jax.random.key(seed)
    ks = jax.random.split(key, 12)
    h = jax.random.normal(ks[0], (N, D), dtype=jnp.float32)
    edge_index = jax.random.randint(ks[1], (2, E), 0, N, dtype=jnp.int32)
    e = jax.random.normal(ks[2], (E, 4), dtype=jnp.float32)
    W_enc = jax.random.normal(ks[3], (D, H), dtype=jnp.float32) * 0.05
    b_enc = jnp.zeros((H,), dtype=jnp.float32)
    Ws = jax.random.normal(ks[4], (L, H, H), dtype=jnp.float32) * 0.05
    bs = jnp.zeros((L, H), dtype=jnp.float32)
    gammas = jnp.ones((L, H), dtype=jnp.float32)
    betas = jnp.zeros((L, H), dtype=jnp.float32)
    W_out = jax.random.normal(ks[5], (O, C), dtype=jnp.float32) * 0.05
    b_out = jnp.zeros((C,), dtype=jnp.float32)
    return {"h": h, "e": e, "W_enc": W_enc, "b_enc": b_enc, "Ws": Ws, "bs": bs, "gammas": gammas, "betas": betas, "W_out": W_out, "b_out": b_out, "edge_index": edge_index}

def reference(h, e, W_enc, b_enc, Ws, bs, gammas, betas, W_out, b_out, edge_index):
    # node_encoder (LinearLayer); in_feat_dropout p=0.0 is identity
    src = edge_index[0]
    dst = edge_index[1]
    x = h @ W_enc + b_enc
    deg = jax.ops.segment_sum(jnp.ones((E,), dtype=jnp.float32), dst, num_segments=N)
    deg = jnp.clip(deg, 1.0)
    for i in range(L):
        # GCNLayer: mean neighbor aggregation -> linear transform -> BN -> ReLU -> residual
        msg = x[src]
        agg = jax.ops.segment_sum(msg, dst, num_segments=N) / deg[:, None]
        y = agg @ Ws[i] + bs[i]
        mu = jnp.mean(y, axis=0)
        var = jnp.var(y, axis=0)
        y = (y - mu) / jnp.sqrt(var + 1e-5) * gammas[i] + betas[i]
        y = jax.nn.relu(y)
        x = x + y
    # readout LinearLayer to n_classes
    return x @ W_out + b_out

if __name__ == "__main__":
    import jax
    _d = setup_inputs()
    print(jax.jit(kernel)(*tuple(_d.values())))

</pallas_src>

<mosaic_0001>
#map = affine_map<(d0, d1) -> (0, 0)>
#map1 = affine_map<(d0, d1) -> (0, 0, 0)>
module attributes {stable_mosaic.version = 14 : i64} {
  func.func @_agg(%arg0: i32, %arg1: i32, %arg2: memref<10000x128xf32, #tpu.memory_space<hbm>>, %arg3: memref<2560x128xi32, #tpu.memory_space<hbm>>, %arg4: memref<2560x128xi32, #tpu.memory_space<hbm>>, %arg5: memref<640x128xf32, #tpu.memory_space<hbm>>, %arg6: memref<128x128xf32, #tpu.memory_space<hbm>>, %arg7: memref<2x10240x128xf32, #tpu.memory_space<hbm>>, %arg8: memref<40x128xi32, #tpu.memory_space<vmem>>, %arg9: memref<40x128xi32, #tpu.memory_space<vmem>>, %arg10: memref<2x128x128xf32, #tpu.memory_space<vmem>>, %arg11: memref<10240x128xf32, #tpu.memory_space<vmem_shared>>, %arg12: memref<!tpu.dma_semaphore, #tpu.memory_space<semaphore_mem>>, %arg13: memref<!tpu.dma_semaphore, #tpu.memory_space<semaphore_mem>>) attributes {dimension_semantics = [#tpu.dimension_semantics<core_parallel>, #tpu.dimension_semantics<subcore_parallel>], iteration_bounds = array<i64: 2, 16>, scalar_prefetch = 0 : i64, scratch_operands = 6 : i64, tpu.core_type = #tpu.core_type<sc_vector_subcore>, window_params = [{transform_indices = #map}, {transform_indices = #map}, {transform_indices = #map}, {transform_indices = #map}, {transform_indices = #map}, {transform_indices = #map1}]} {
    %mul3A = arith.constant 2 : i32
    %mul3A_0 = arith.muli %arg1, %mul3A : i32
    %add3A = arith.addi %mul3A_0, %arg0 : i32
    %mul3A_1 = arith.constant 80 : i32
    %mul3A_2 = arith.muli %add3A, %mul3A_1 : i32
    %mul3A_3 = arith.constant 640 : i32
    %mul3A_4 = arith.muli %arg1, %mul3A_3 : i32
    "tpu.region"() ({
      %run_scoped3A = tpu.sem_alloc : memref<!tpu.dma_semaphore, #tpu.memory_space<semaphore_mem>>
      %dma_start3A_48 = arith.constant 0 : i32
      %dma_start3A_49 = tpu.memref_slice %arg11[%mul3A_4, %dma_start3A_48] : memref<10240x128xf32, #tpu.memory_space<vmem_shared>> -> memref<640x128xf32, #tpu.memory_space<vmem_shared>>
      tpu.enqueue_dma source(%arg5 : memref<640x128xf32, #tpu.memory_space<hbm>>) target(%dma_start3A_49 : memref<640x128xf32, #tpu.memory_space<vmem_shared>>) target_semaphore(%run_scoped3A : memref<!tpu.dma_semaphore, #tpu.memory_space<semaphore_mem>>)
      %dma_wait3A = arith.constant 0 : i32
      %dma_wait3A_50 = tpu.memref_slice %arg11[%mul3A_4, %dma_wait3A] : memref<10240x128xf32, #tpu.memory_space<vmem_shared>> -> memref<640x128xf32, #tpu.memory_space<vmem_shared>>
      tpu.wait_dma2 semaphore(%run_scoped3A : memref<!tpu.dma_semaphore, #tpu.memory_space<semaphore_mem>>) src(%arg5 : memref<640x128xf32, #tpu.memory_space<hbm>>) dst(%dma_wait3A_50 : memref<640x128xf32, #tpu.memory_space<vmem_shared>>)
      tpu.yield
    }) : () -> ()
    %barrier3A = arith.constant 0 : index
    tpu.barrier barrier_id(%barrier3A)
    %add3A_5 = arith.constant 0 : i32
    %add3A_6 = arith.addi %mul3A_2, %add3A_5 : i32
    "tpu.region"() ({
      %run_scoped3A = tpu.sem_alloc : memref<!tpu.dma_semaphore, #tpu.memory_space<semaphore_mem>>
      %dma_start3A_48 = arith.constant 0 : i32
      %dma_start3A_49 = tpu.memref_slice %arg3[%add3A_6, %dma_start3A_48] : memref<2560x128xi32, #tpu.memory_space<hbm>> -> memref<40x128xi32, #tpu.memory_space<hbm>>
      %dma_start3A_50 = arith.constant 0 : i32
      %dma_start3A_51 = tpu.memref_slice %arg3[%add3A_6, %dma_start3A_50] : memref<2560x128xi32, #tpu.memory_space<hbm>> -> memref<40x128xi32, #tpu.memory_space<hbm>>
      tpu.enqueue_dma source(%dma_start3A_51 : memref<40x128xi32, #tpu.memory_space<hbm>>) target(%arg8 : memref<40x128xi32, #tpu.memory_space<vmem>>) target_semaphore(%run_scoped3A : memref<!tpu.dma_semaphore, #tpu.memory_space<semaphore_mem>>)
      %dma_wait3A = arith.constant 0 : i32
      %dma_wait3A_52 = tpu.memref_slice %arg3[%add3A_6, %dma_wait3A] : memref<2560x128xi32, #tpu.memory_space<hbm>> -> memref<40x128xi32, #tpu.memory_space<hbm>>
      %dma_wait3A_53 = arith.constant 0 : i32
      %dma_wait3A_54 = tpu.memref_slice %arg3[%add3A_6, %dma_wait3A_53] : memref<2560x128xi32, #tpu.memory_space<hbm>> -> memref<40x128xi32, #tpu.memory_space<hbm>>
      tpu.wait_dma2 semaphore(%run_scoped3A : memref<!tpu.dma_semaphore, #tpu.memory_space<semaphore_mem>>) src(%dma_wait3A_54 : memref<40x128xi32, #tpu.memory_space<hbm>>) dst(%arg8 : memref<40x128xi32, #tpu.memory_space<vmem>>)
      tpu.yield
    }) : () -> ()
    %add3A_7 = arith.constant 0 : i32
    %add3A_8 = arith.addi %mul3A_2, %add3A_7 : i32
    "tpu.region"() ({
      %run_scoped3A = tpu.sem_alloc : memref<!tpu.dma_semaphore, #tpu.memory_space<semaphore_mem>>
      %dma_start3A_48 = arith.constant 0 : i32
      %dma_start3A_49 = tpu.memref_slice %arg4[%add3A_8, %dma_start3A_48] : memref<2560x128xi32, #tpu.memory_space<hbm>> -> memref<40x128xi32, #tpu.memory_space<hbm>>
      %dma_start3A_50 = arith.constant 0 : i32
      %dma_start3A_51 = tpu.memref_slice %arg4[%add3A_8, %dma_start3A_50] : memref<2560x128xi32, #tpu.memory_space<hbm>> -> memref<40x128xi32, #tpu.memory_space<hbm>>
      tpu.enqueue_dma source(%dma_start3A_51 : memref<40x128xi32, #tpu.memory_space<hbm>>) target(%arg9 : memref<40x128xi32, #tpu.memory_space<vmem>>) target_semaphore(%run_scoped3A : memref<!tpu.dma_semaphore, #tpu.memory_space<semaphore_mem>>)
      %dma_wait3A = arith.constant 0 : i32
      %dma_wait3A_52 = tpu.memref_slice %arg4[%add3A_8, %dma_wait3A] : memref<2560x128xi32, #tpu.memory_space<hbm>> -> memref<40x128xi32, #tpu.memory_space<hbm>>
      %dma_wait3A_53 = arith.constant 0 : i32
      %dma_wait3A_54 = tpu.memref_slice %arg4[%add3A_8, %dma_wait3A_53] : memref<2560x128xi32, #tpu.memory_space<hbm>> -> memref<40x128xi32, #tpu.memory_space<hbm>>
      tpu.wait_dma2 semaphore(%run_scoped3A : memref<!tpu.dma_semaphore, #tpu.memory_space<semaphore_mem>>) src(%dma_wait3A_54 : memref<40x128xi32, #tpu.memory_space<hbm>>) dst(%arg9 : memref<40x128xi32, #tpu.memory_space<vmem>>)
      tpu.yield
    }) : () -> ()
    %dma_start3A = arith.constant 0 : i32
    %dma_start3A_9 = arith.constant 0 : i32
    %dma_start3A_10 = arith.constant 0 : i32
    %dma_start3A_11 = arith.constant 0 : i32
    %dma_start3A_12 = tpu.memref_slice %arg10[%dma_start3A_9, %dma_start3A_10, %dma_start3A_11] : memref<2x128x128xf32, #tpu.memory_space<vmem>> -> memref<1x128x128xf32, #tpu.memory_space<vmem>>
    %dma_start3A_13 = tpu.memref_squeeze %dma_start3A_12 : memref<1x128x128xf32, #tpu.memory_space<vmem>> -> memref<128x128xf32, #tpu.memory_space<vmem>>
    %dma_start3A_14 = arith.constant 0 : i32
    %dma_start3A_15 = tpu.memref_slice %arg8[%dma_start3A, %dma_start3A_14] : memref<40x128xi32, #tpu.memory_space<vmem>> -> memref<1x128xi32, #tpu.memory_space<vmem>>
    %dma_start3A_16 = tpu.memref_squeeze %dma_start3A_15 : memref<1x128xi32, #tpu.memory_space<vmem>> -> memref<128xi32, #tpu.memory_space<vmem>>
    %dma_start3A_17 = arith.constant 0 : i32
    %dma_start3A_18 = arith.constant 0 : i32
    %dma_start3A_19 = tpu.memref_slice %arg2[%dma_start3A_17, %dma_start3A_18] : memref<10000x128xf32, #tpu.memory_space<hbm>> -> memref<10000x128xf32, #tpu.memory_space<hbm>>
    tpu.enqueue_indirect_dma source(%dma_start3A_19 : memref<10000x128xf32, #tpu.memory_space<hbm>>) target(%dma_start3A_13 : memref<128x128xf32, #tpu.memory_space<vmem>>) offsets(%dma_start3A_16 : memref<128xi32, #tpu.memory_space<vmem>>) semaphore(%arg12 : memref<!tpu.dma_semaphore, #tpu.memory_space<semaphore_mem>>)
    %scan3A = arith.constant 0 : i32
    %scan3A_20 = arith.constant 20 : i32
    %scan3A_21 = arith.addi %scan3A, %scan3A_20 : i32
    %scan3A_22 = arith.constant 1 : i32
    scf.for %scan3A_48 = %scan3A to %scan3A_21 step %scan3A_22  : i32 {
      %mul3A_49 = arith.constant 2 : i32
      %mul3A_50 = arith.muli %scan3A_48, %mul3A_49 : i32
      %add3A_51 = arith.constant 0 : i32
      %add3A_52 = arith.addi %add3A_51, %mul3A_50 : i32
      %add3A_53 = arith.constant 0 : i32
      %add3A_54 = arith.addi %add3A_52, %add3A_53 : i32
      %add3A_55 = arith.constant 1 : i32
      %add3A_56 = arith.addi %add3A_54, %add3A_55 : i32
      %lt3A = arith.constant 40 : i32
      %lt3A_57 = arith.cmpi slt, %add3A_56, %lt3A : i32
      %convert_element_type3A = arith.extui %lt3A_57 : i1 to i32
      %cond3A = arith.constant 0 : i32
      %cond3A_58 = arith.cmpi ne, %convert_element_type3A, %cond3A : i32
      scf.if %cond3A_58 {
        %add3A_86 = arith.constant 1 : i32
        %add3A_87 = arith.addi %add3A_54, %add3A_86 : i32
        %dma_start3A_88 = arith.constant 1 : i32
        %dma_start3A_89 = arith.constant 0 : i32
        %dma_start3A_90 = arith.constant 0 : i32
        %dma_start3A_91 = tpu.memref_slice %arg10[%dma_start3A_88, %dma_start3A_89, %dma_start3A_90] : memref<2x128x128xf32, #tpu.memory_space<vmem>> -> memref<1x128x128xf32, #tpu.memory_space<vmem>>
        %dma_start3A_92 = tpu.memref_squeeze %dma_start3A_91 : memref<1x128x128xf32, #tpu.memory_space<vmem>> -> memref<128x128xf32, #tpu.memory_space<vmem>>
        %dma_start3A_93 = arith.constant 0 : i32
        %dma_start3A_94 = tpu.memref_slice %arg8[%add3A_87, %dma_start3A_93] : memref<40x128xi32, #tpu.memory_space<vmem>> -> memref<1x128xi32, #tpu.memory_space<vmem>>
        %dma_start3A_95 = tpu.memref_squeeze %dma_start3A_94 : memref<1x128xi32, #tpu.memory_space<vmem>> -> memref<128xi32, #tpu.memory_space<vmem>>
        %dma_start3A_96 = arith.constant 0 : i32
        %dma_start3A_97 = arith.constant 0 : i32
        %dma_start3A_98 = tpu.memref_slice %arg2[%dma_start3A_96, %dma_start3A_97] : memref<10000x128xf32, #tpu.memory_space<hbm>> -> memref<10000x128xf32, #tpu.memory_space<hbm>>
        tpu.enqueue_indirect_dma source(%dma_start3A_98 : memref<10000x128xf32, #tpu.memory_space<hbm>>) target(%dma_start3A_92 : memref<128x128xf32, #tpu.memory_space<vmem>>) offsets(%dma_start3A_95 : memref<128xi32, #tpu.memory_space<vmem>>) semaphore(%arg13 : memref<!tpu.dma_semaphore, #tpu.memory_space<semaphore_mem>>)
      } else {
      }
      %dma_wait3A = arith.constant 0 : i32
      %dma_wait3A_59 = arith.constant 0 : i32
      %dma_wait3A_60 = arith.constant 0 : i32
      %dma_wait3A_61 = tpu.memref_slice %arg10[%dma_wait3A, %dma_wait3A_59, %dma_wait3A_60] : memref<2x128x128xf32, #tpu.memory_space<vmem>> -> memref<1x128x128xf32, #tpu.memory_space<vmem>>
      %dma_wait3A_62 = tpu.memref_squeeze %dma_wait3A_61 : memref<1x128x128xf32, #tpu.memory_space<vmem>> -> memref<128x128xf32, #tpu.memory_space<vmem>>
      %dma_wait3A_63 = arith.constant 0 : i32
      %dma_wait3A_64 = arith.constant 0 : i32
      %dma_wait3A_65 = tpu.memref_slice %arg10[%dma_wait3A, %dma_wait3A_63, %dma_wait3A_64] : memref<2x128x128xf32, #tpu.memory_space<vmem>> -> memref<1x128x128xf32, #tpu.memory_space<vmem>>
      %dma_wait3A_66 = tpu.memref_squeeze %dma_wait3A_65 : memref<1x128x128xf32, #tpu.memory_space<vmem>> -> memref<128x128xf32, #tpu.memory_space<vmem>>
      tpu.wait_dma2 semaphore(%arg12 : memref<!tpu.dma_semaphore, #tpu.memory_space<semaphore_mem>>) src(%arg6 : memref<128x128xf32, #tpu.memory_space<hbm>>) dst(%dma_wait3A_66 : memref<128x128xf32, #tpu.memory_space<vmem>>)
      %run_scoped3A = arith.constant 0 : i32
      "tpu.region"() ({
        %run_scoped3A_86 = tpu.sem_alloc : memref<!tpu.dma_semaphore, #tpu.memory_space<semaphore_mem>>
        %dma_start3A_87 = arith.constant 0 : i32
        %dma_start3A_88 = arith.constant 0 : i32
        %dma_start3A_89 = tpu.memref_slice %arg10[%run_scoped3A, %dma_start3A_87, %dma_start3A_88] : memref<2x128x128xf32, #tpu.memory_space<vmem>> -> memref<1x128x128xf32, #tpu.memory_space<vmem>>
        %dma_start3A_90 = tpu.memref_squeeze %dma_start3A_89 : memref<1x128x128xf32, #tpu.memory_space<vmem>> -> memref<128x128xf32, #tpu.memory_space<vmem>>
        %dma_start3A_91 = arith.constant 0 : i32
        %dma_start3A_92 = tpu.memref_slice %arg9[%add3A_54, %dma_start3A_91] : memref<40x128xi32, #tpu.memory_space<vmem>> -> memref<1x128xi32, #tpu.memory_space<vmem>>
        %dma_start3A_93 = tpu.memref_squeeze %dma_start3A_92 : memref<1x128xi32, #tpu.memory_space<vmem>> -> memref<128xi32, #tpu.memory_space<vmem>>
        %dma_start3A_94 = arith.constant 0 : i32
        %dma_start3A_95 = arith.constant 0 : i32
        %dma_start3A_96 = tpu.memref_slice %arg11[%dma_start3A_94, %dma_start3A_95] : memref<10240x128xf32, #tpu.memory_space<vmem_shared>> -> memref<10240x128xf32, #tpu.memory_space<vmem_shared>>
        tpu.enqueue_indirect_dma source(%dma_start3A_90 : memref<128x128xf32, #tpu.memory_space<vmem>>) target(%dma_start3A_96 : memref<10240x128xf32, #tpu.memory_space<vmem_shared>>) offsets(%dma_start3A_93 : memref<128xi32, #tpu.memory_space<vmem>>) semaphore(%run_scoped3A_86 : memref<!tpu.dma_semaphore, #tpu.memory_space<semaphore_mem>>) {add = true}
        %dma_wait3A_97 = arith.constant 0 : i32
        %dma_wait3A_98 = arith.constant 0 : i32
        %dma_wait3A_99 = tpu.memref_slice %arg10[%run_scoped3A, %dma_wait3A_97, %dma_wait3A_98] : memref<2x128x128xf32, #tpu.memory_space<vmem>> -> memref<1x128x128xf32, #tpu.memory_space<vmem>>
        %dma_wait3A_100 = tpu.memref_squeeze %dma_wait3A_99 : memref<1x128x128xf32, #tpu.memory_space<vmem>> -> memref<128x128xf32, #tpu.memory_space<vmem>>
        %dma_wait3A_101 = arith.constant 0 : i32
        %dma_wait3A_102 = tpu.memref_slice %arg9[%add3A_54, %dma_wait3A_101] : memref<40x128xi32, #tpu.memory_space<vmem>> -> memref<1x128xi32, #tpu.memory_space<vmem>>
        %dma_wait3A_103 = tpu.memref_squeeze %dma_wait3A_102 : memref<1x128xi32, #tpu.memory_space<vmem>> -> memref<128xi32, #tpu.memory_space<vmem>>
        %dma_wait3A_104 = arith.constant 0 : i32
        %dma_wait3A_105 = arith.constant 0 : i32
        %dma_wait3A_106 = tpu.memref_slice %arg11[%dma_wait3A_104, %dma_wait3A_105] : memref<10240x128xf32, #tpu.memory_space<vmem_shared>> -> memref<10240x128xf32, #tpu.memory_space<vmem_shared>>
        tpu.wait_indirect_dma semaphore(%run_scoped3A_86 : memref<!tpu.dma_semaphore, #tpu.memory_space<semaphore_mem>>) src(%dma_wait3A_100 : memref<128x128xf32, #tpu.memory_space<vmem>>) dst(%dma_wait3A_106 : memref<10240x128xf32, #tpu.memory_space<vmem_shared>>)
        tpu.yield
      }) : () -> ()
      %add3A_67 = arith.constant 1 : i32
      %add3A_68 = arith.addi %add3A_52, %add3A_67 : i32
      %add3A_69 = arith.constant 1 : i32
      %add3A_70 = arith.addi %add3A_68, %add3A_69 : i32
      %lt3A_71 = arith.constant 40 : i32
      %lt3A_72 = arith.cmpi slt, %add3A_70, %lt3A_71 : i32
      %convert_element_type3A_73 = arith.extui %lt3A_72 : i1 to i32
      %cond3A_74 = arith.constant 0 : i32
      %cond3A_75 = arith.cmpi ne, %convert_element_type3A_73, %cond3A_74 : i32
      scf.if %cond3A_75 {
        %add3A_86 = arith.constant 1 : i32
        %add3A_87 = arith.addi %add3A_68, %add3A_86 : i32
        %dma_start3A_88 = arith.constant 0 : i32
        %dma_start3A_89 = arith.constant 0 : i32
        %dma_start3A_90 = arith.constant 0 : i32
        %dma_start3A_91 = tpu.memref_slice %arg10[%dma_start3A_88, %dma_start3A_89, %dma_start3A_90] : memref<2x128x128xf32, #tpu.memory_space<vmem>> -> memref<1x128x128xf32, #tpu.memory_space<vmem>>
        %dma_start3A_92 = tpu.memref_squeeze %dma_start3A_91 : memref<1x128x128xf32, #tpu.memory_space<vmem>> -> memref<128x128xf32, #tpu.memory_space<vmem>>
        %dma_start3A_93 = arith.constant 0 : i32
        %dma_start3A_94 = tpu.memref_slice %arg8[%add3A_87, %dma_start3A_93] : memref<40x128xi32, #tpu.memory_space<vmem>> -> memref<1x128xi32, #tpu.memory_space<vmem>>
        %dma_start3A_95 = tpu.memref_squeeze %dma_start3A_94 : memref<1x128xi32, #tpu.memory_space<vmem>> -> memref<128xi32, #tpu.memory_space<vmem>>
        %dma_start3A_96 = arith.constant 0 : i32
        %dma_start3A_97 = arith.constant 0 : i32
        %dma_start3A_98 = tpu.memref_slice %arg2[%dma_start3A_96, %dma_start3A_97] : memref<10000x128xf32, #tpu.memory_space<hbm>> -> memref<10000x128xf32, #tpu.memory_space<hbm>>
        tpu.enqueue_indirect_dma source(%dma_start3A_98 : memref<10000x128xf32, #tpu.memory_space<hbm>>) target(%dma_start3A_92 : memref<128x128xf32, #tpu.memory_space<vmem>>) offsets(%dma_start3A_95 : memref<128xi32, #tpu.memory_space<vmem>>) semaphore(%arg12 : memref<!tpu.dma_semaphore, #tpu.memory_space<semaphore_mem>>)
      } else {
      }
      %dma_wait3A_76 = arith.constant 1 : i32
      %dma_wait3A_77 = arith.constant 0 : i32
      %dma_wait3A_78 = arith.constant 0 : i32
      %dma_wait3A_79 = tpu.memref_slice %arg10[%dma_wait3A_76, %dma_wait3A_77, %dma_wait3A_78] : memref<2x128x128xf32, #tpu.memory_space<vmem>> -> memref<1x128x128xf32, #tpu.memory_space<vmem>>
      %dma_wait3A_80 = tpu.memref_squeeze %dma_wait3A_79 : memref<1x128x128xf32, #tpu.memory_space<vmem>> -> memref<128x128xf32, #tpu.memory_space<vmem>>
      %dma_wait3A_81 = arith.constant 0 : i32
      %dma_wait3A_82 = arith.constant 0 : i32
      %dma_wait3A_83 = tpu.memref_slice %arg10[%dma_wait3A_76, %dma_wait3A_81, %dma_wait3A_82] : memref<2x128x128xf32, #tpu.memory_space<vmem>> -> memref<1x128x128xf32, #tpu.memory_space<vmem>>
      %dma_wait3A_84 = tpu.memref_squeeze %dma_wait3A_83 : memref<1x128x128xf32, #tpu.memory_space<vmem>> -> memref<128x128xf32, #tpu.memory_space<vmem>>
      tpu.wait_dma2 semaphore(%arg13 : memref<!tpu.dma_semaphore, #tpu.memory_space<semaphore_mem>>) src(%arg6 : memref<128x128xf32, #tpu.memory_space<hbm>>) dst(%dma_wait3A_84 : memref<128x128xf32, #tpu.memory_space<vmem>>)
      %run_scoped3A_85 = arith.constant 1 : i32
      "tpu.region"() ({
        %run_scoped3A_86 = tpu.sem_alloc : memref<!tpu.dma_semaphore, #tpu.memory_space<semaphore_mem>>
        %dma_start3A_87 = arith.constant 0 : i32
        %dma_start3A_88 = arith.constant 0 : i32
        %dma_start3A_89 = tpu.memref_slice %arg10[%run_scoped3A_85, %dma_start3A_87, %dma_start3A_88] : memref<2x128x128xf32, #tpu.memory_space<vmem>> -> memref<1x128x128xf32, #tpu.memory_space<vmem>>
        %dma_start3A_90 = tpu.memref_squeeze %dma_start3A_89 : memref<1x128x128xf32, #tpu.memory_space<vmem>> -> memref<128x128xf32, #tpu.memory_space<vmem>>
        %dma_start3A_91 = arith.constant 0 : i32
        %dma_start3A_92 = tpu.memref_slice %arg9[%add3A_68, %dma_start3A_91] : memref<40x128xi32, #tpu.memory_space<vmem>> -> memref<1x128xi32, #tpu.memory_space<vmem>>
        %dma_start3A_93 = tpu.memref_squeeze %dma_start3A_92 : memref<1x128xi32, #tpu.memory_space<vmem>> -> memref<128xi32, #tpu.memory_space<vmem>>
        %dma_start3A_94 = arith.constant 0 : i32
        %dma_start3A_95 = arith.constant 0 : i32
        %dma_start3A_96 = tpu.memref_slice %arg11[%dma_start3A_94, %dma_start3A_95] : memref<10240x128xf32, #tpu.memory_space<vmem_shared>> -> memref<10240x128xf32, #tpu.memory_space<vmem_shared>>
        tpu.enqueue_indirect_dma source(%dma_start3A_90 : memref<128x128xf32, #tpu.memory_space<vmem>>) target(%dma_start3A_96 : memref<10240x128xf32, #tpu.memory_space<vmem_shared>>) offsets(%dma_start3A_93 : memref<128xi32, #tpu.memory_space<vmem>>) semaphore(%run_scoped3A_86 : memref<!tpu.dma_semaphore, #tpu.memory_space<semaphore_mem>>) {add = true}
        %dma_wait3A_97 = arith.constant 0 : i32
        %dma_wait3A_98 = arith.constant 0 : i32
        %dma_wait3A_99 = tpu.memref_slice %arg10[%run_scoped3A_85, %dma_wait3A_97, %dma_wait3A_98] : memref<2x128x128xf32, #tpu.memory_space<vmem>> -> memref<1x128x128xf32, #tpu.memory_space<vmem>>
        %dma_wait3A_100 = tpu.memref_squeeze %dma_wait3A_99 : memref<1x128x128xf32, #tpu.memory_space<vmem>> -> memref<128x128xf32, #tpu.memory_space<vmem>>
        %dma_wait3A_101 = arith.constant 0 : i32
        %dma_wait3A_102 = tpu.memref_slice %arg9[%add3A_68, %dma_wait3A_101] : memref<40x128xi32, #tpu.memory_space<vmem>> -> memref<1x128xi32, #tpu.memory_space<vmem>>
        %dma_wait3A_103 = tpu.memref_squeeze %dma_wait3A_102 : memref<1x128xi32, #tpu.memory_space<vmem>> -> memref<128xi32, #tpu.memory_space<vmem>>
        %dma_wait3A_104 = arith.constant 0 : i32
        %dma_wait3A_105 = arith.constant 0 : i32
        %dma_wait3A_106 = tpu.memref_slice %arg11[%dma_wait3A_104, %dma_wait3A_105] : memref<10240x128xf32, #tpu.memory_space<vmem_shared>> -> memref<10240x128xf32, #tpu.memory_space<vmem_shared>>
        tpu.wait_indirect_dma semaphore(%run_scoped3A_86 : memref<!tpu.dma_semaphore, #tpu.memory_space<semaphore_mem>>) src(%dma_wait3A_100 : memref<128x128xf32, #tpu.memory_space<vmem>>) dst(%dma_wait3A_106 : memref<10240x128xf32, #tpu.memory_space<vmem_shared>>)
        tpu.yield
      }) : () -> ()
    }
    %scan3A_23 = arith.constant 20 : i32
    %add3A_24 = arith.constant 40 : i32
    %add3A_25 = arith.addi %mul3A_2, %add3A_24 : i32
    "tpu.region"() ({
      %run_scoped3A = tpu.sem_alloc : memref<!tpu.dma_semaphore, #tpu.memory_space<semaphore_mem>>
      %dma_start3A_48 = arith.constant 0 : i32
      %dma_start3A_49 = tpu.memref_slice %arg3[%add3A_25, %dma_start3A_48] : memref<2560x128xi32, #tpu.memory_space<hbm>> -> memref<40x128xi32, #tpu.memory_space<hbm>>
      %dma_start3A_50 = arith.constant 0 : i32
      %dma_start3A_51 = tpu.memref_slice %arg3[%add3A_25, %dma_start3A_50] : memref<2560x128xi32, #tpu.memory_space<hbm>> -> memref<40x128xi32, #tpu.memory_space<hbm>>
      tpu.enqueue_dma source(%dma_start3A_51 : memref<40x128xi32, #tpu.memory_space<hbm>>) target(%arg8 : memref<40x128xi32, #tpu.memory_space<vmem>>) target_semaphore(%run_scoped3A : memref<!tpu.dma_semaphore, #tpu.memory_space<semaphore_mem>>)
      %dma_wait3A = arith.constant 0 : i32
      %dma_wait3A_52 = tpu.memref_slice %arg3[%add3A_25, %dma_wait3A] : memref<2560x128xi32, #tpu.memory_space<hbm>> -> memref<40x128xi32, #tpu.memory_space<hbm>>
      %dma_wait3A_53 = arith.constant 0 : i32
      %dma_wait3A_54 = tpu.memref_slice %arg3[%add3A_25, %dma_wait3A_53] : memref<2560x128xi32, #tpu.memory_space<hbm>> -> memref<40x128xi32, #tpu.memory_space<hbm>>
      tpu.wait_dma2 semaphore(%run_scoped3A : memref<!tpu.dma_semaphore, #tpu.memory_space<semaphore_mem>>) src(%dma_wait3A_54 : memref<40x128xi32, #tpu.memory_space<hbm>>) dst(%arg8 : memref<40x128xi32, #tpu.memory_space<vmem>>)
      tpu.yield
    }) : () -> ()
    %add3A_26 = arith.constant 40 : i32
    %add3A_27 = arith.addi %mul3A_2, %add3A_26 : i32
    "tpu.region"() ({
      %run_scoped3A = tpu.sem_alloc : memref<!tpu.dma_semaphore, #tpu.memory_space<semaphore_mem>>
      %dma_start3A_48 = arith.constant 0 : i32
      %dma_start3A_49 = tpu.memref_slice %arg4[%add3A_27, %dma_start3A_48] : memref<2560x128xi32, #tpu.memory_space<hbm>> -> memref<40x128xi32, #tpu.memory_space<hbm>>
      %dma_start3A_50 = arith.constant 0 : i32
      %dma_start3A_51 = tpu.memref_slice %arg4[%add3A_27, %dma_start3A_50] : memref<2560x128xi32, #tpu.memory_space<hbm>> -> memref<40x128xi32, #tpu.memory_space<hbm>>
      tpu.enqueue_dma source(%dma_start3A_51 : memref<40x128xi32, #tpu.memory_space<hbm>>) target(%arg9 : memref<40x128xi32, #tpu.memory_space<vmem>>) target_semaphore(%run_scoped3A : memref<!tpu.dma_semaphore, #tpu.memory_space<semaphore_mem>>)
      %dma_wait3A = arith.constant 0 : i32
      %dma_wait3A_52 = tpu.memref_slice %arg4[%add3A_27, %dma_wait3A] : memref<2560x128xi32, #tpu.memory_space<hbm>> -> memref<40x128xi32, #tpu.memory_space<hbm>>
      %dma_wait3A_53 = arith.constant 0 : i32
      %dma_wait3A_54 = tpu.memref_slice %arg4[%add3A_27, %dma_wait3A_53] : memref<2560x128xi32, #tpu.memory_space<hbm>> -> memref<40x128xi32, #tpu.memory_space<hbm>>
      tpu.wait_dma2 semaphore(%run_scoped3A : memref<!tpu.dma_semaphore, #tpu.memory_space<semaphore_mem>>) src(%dma_wait3A_54 : memref<40x128xi32, #tpu.memory_space<hbm>>) dst(%arg9 : memref<40x128xi32, #tpu.memory_space<vmem>>)
      tpu.yield
    }) : () -> ()
    %dma_start3A_28 = arith.constant 0 : i32
    %dma_start3A_29 = arith.constant 0 : i32
    %dma_start3A_30 = arith.constant 0 : i32
    %dma_start3A_31 = arith.constant 0 : i32
    %dma_start3A_32 = tpu.memref_slice %arg10[%dma_start3A_29, %dma_start3A_30, %dma_start3A_31] : memref<2x128x128xf32, #tpu.memory_space<vmem>> -> memref<1x128x128xf32, #tpu.memory_space<vmem>>
    %dma_start3A_33 = tpu.memref_squeeze %dma_start3A_32 : memref<1x128x128xf32, #tpu.memory_space<vmem>> -> memref<128x128xf32, #tpu.memory_space<vmem>>
    %dma_start3A_34 = arith.constant 0 : i32
    %dma_start3A_35 = tpu.memref_slice %arg8[%dma_start3A_28, %dma_start3A_34] : memref<40x128xi32, #tpu.memory_space<vmem>> -> memref<1x128xi32, #tpu.memory_space<vmem>>
    %dma_start3A_36 = tpu.memref_squeeze %dma_start3A_35 : memref<1x128xi32, #tpu.memory_space<vmem>> -> memref<128xi32, #tpu.memory_space<vmem>>
    %dma_start3A_37 = arith.constant 0 : i32
    %dma_start3A_38 = arith.constant 0 : i32
    %dma_start3A_39 = tpu.memref_slice %arg2[%dma_start3A_37, %dma_start3A_38] : memref<10000x128xf32, #tpu.memory_space<hbm>> -> memref<10000x128xf32, #tpu.memory_space<hbm>>
    tpu.enqueue_indirect_dma source(%dma_start3A_39 : memref<10000x128xf32, #tpu.memory_space<hbm>>) target(%dma_start3A_33 : memref<128x128xf32, #tpu.memory_space<vmem>>) offsets(%dma_start3A_36 : memref<128xi32, #tpu.memory_space<vmem>>) semaphore(%arg12 : memref<!tpu.dma_semaphore, #tpu.memory_space<semaphore_mem>>)
    %scan3A_40 = arith.constant 0 : i32
    %scan3A_41 = arith.constant 20 : i32
    %scan3A_42 = arith.addi %scan3A_40, %scan3A_41 : i32
    %scan3A_43 = arith.constant 1 : i32
    scf.for %scan3A_48 = %scan3A_40 to %scan3A_42 step %scan3A_43  : i32 {
      %mul3A_49 = arith.constant 2 : i32
      %mul3A_50 = arith.muli %scan3A_48, %mul3A_49 : i32
      %add3A_51 = arith.constant 0 : i32
      %add3A_52 = arith.addi %add3A_51, %mul3A_50 : i32
      %add3A_53 = arith.constant 0 : i32
      %add3A_54 = arith.addi %add3A_52, %add3A_53 : i32
      %add3A_55 = arith.constant 1 : i32
      %add3A_56 = arith.addi %add3A_54, %add3A_55 : i32
      %lt3A = arith.constant 40 : i32
      %lt3A_57 = arith.cmpi slt, %add3A_56, %lt3A : i32
      %convert_element_type3A = arith.extui %lt3A_57 : i1 to i32
      %cond3A = arith.constant 0 : i32
      %cond3A_58 = arith.cmpi ne, %convert_element_type3A, %cond3A : i32
      scf.if %cond3A_58 {
        %add3A_86 = arith.constant 1 : i32
        %add3A_87 = arith.addi %add3A_54, %add3A_86 : i32
        %dma_start3A_88 = arith.constant 1 : i32
        %dma_start3A_89 = arith.constant 0 : i32
        %dma_start3A_90 = arith.constant 0 : i32
        %dma_start3A_91 = tpu.memref_slice %arg10[%dma_start3A_88, %dma_start3A_89, %dma_start3A_90] : memref<2x128x128xf32, #tpu.memory_space<vmem>> -> memref<1x128x128xf32, #tpu.memory_space<vmem>>
        %dma_start3A_92 = tpu.memref_squeeze %dma_start3A_91 : memref<1x128x128xf32, #tpu.memory_space<vmem>> -> memref<128x128xf32, #tpu.memory_space<vmem>>
        %dma_start3A_93 = arith.constant 0 : i32
        %dma_start3A_94 = tpu.memref_slice %arg8[%add3A_87, %dma_start3A_93] : memref<40x128xi32, #tpu.memory_space<vmem>> -> memref<1x128xi32, #tpu.memory_space<vmem>>
        %dma_start3A_95 = tpu.memref_squeeze %dma_start3A_94 : memref<1x128xi32, #tpu.memory_space<vmem>> -> memref<128xi32, #tpu.memory_space<vmem>>
        %dma_start3A_96 = arith.constant 0 : i32
        %dma_start3A_97 = arith.constant 0 : i32
        %dma_start3A_98 = tpu.memref_slice %arg2[%dma_start3A_96, %dma_start3A_97] : memref<10000x128xf32, #tpu.memory_space<hbm>> -> memref<10000x128xf32, #tpu.memory_space<hbm>>
        tpu.enqueue_indirect_dma source(%dma_start3A_98 : memref<10000x128xf32, #tpu.memory_space<hbm>>) target(%dma_start3A_92 : memref<128x128xf32, #tpu.memory_space<vmem>>) offsets(%dma_start3A_95 : memref<128xi32, #tpu.memory_space<vmem>>) semaphore(%arg13 : memref<!tpu.dma_semaphore, #tpu.memory_space<semaphore_mem>>)
      } else {
      }
      %dma_wait3A = arith.constant 0 : i32
      %dma_wait3A_59 = arith.constant 0 : i32
      %dma_wait3A_60 = arith.constant 0 : i32
      %dma_wait3A_61 = tpu.memref_slice %arg10[%dma_wait3A, %dma_wait3A_59, %dma_wait3A_60] : memref<2x128x128xf32, #tpu.memory_space<vmem>> -> memref<1x128x128xf32, #tpu.memory_space<vmem>>
      %dma_wait3A_62 = tpu.memref_squeeze %dma_wait3A_61 : memref<1x128x128xf32, #tpu.memory_space<vmem>> -> memref<128x128xf32, #tpu.memory_space<vmem>>
      %dma_wait3A_63 = arith.constant 0 : i32
      %dma_wait3A_64 = arith.constant 0 : i32
      %dma_wait3A_65 = tpu.memref_slice %arg10[%dma_wait3A, %dma_wait3A_63, %dma_wait3A_64] : memref<2x128x128xf32, #tpu.memory_space<vmem>> -> memref<1x128x128xf32, #tpu.memory_space<vmem>>
      %dma_wait3A_66 = tpu.memref_squeeze %dma_wait3A_65 : memref<1x128x128xf32, #tpu.memory_space<vmem>> -> memref<128x128xf32, #tpu.memory_space<vmem>>
      tpu.wait_dma2 semaphore(%arg12 : memref<!tpu.dma_semaphore, #tpu.memory_space<semaphore_mem>>) src(%arg6 : memref<128x128xf32, #tpu.memory_space<hbm>>) dst(%dma_wait3A_66 : memref<128x128xf32, #tpu.memory_space<vmem>>)
      %run_scoped3A = arith.constant 0 : i32
      "tpu.region"() ({
        %run_scoped3A_86 = tpu.sem_alloc : memref<!tpu.dma_semaphore, #tpu.memory_space<semaphore_mem>>
        %dma_start3A_87 = arith.constant 0 : i32
        %dma_start3A_88 = arith.constant 0 : i32
        %dma_start3A_89 = tpu.memref_slice %arg10[%run_scoped3A, %dma_start3A_87, %dma_start3A_88] : memref<2x128x128xf32, #tpu.memory_space<vmem>> -> memref<1x128x128xf32, #tpu.memory_space<vmem>>
        %dma_start3A_90 = tpu.memref_squeeze %dma_start3A_89 : memref<1x128x128xf32, #tpu.memory_space<vmem>> -> memref<128x128xf32, #tpu.memory_space<vmem>>
        %dma_start3A_91 = arith.constant 0 : i32
        %dma_start3A_92 = tpu.memref_slice %arg9[%add3A_54, %dma_start3A_91] : memref<40x128xi32, #tpu.memory_space<vmem>> -> memref<1x128xi32, #tpu.memory_space<vmem>>
        %dma_start3A_93 = tpu.memref_squeeze %dma_start3A_92 : memref<1x128xi32, #tpu.memory_space<vmem>> -> memref<128xi32, #tpu.memory_space<vmem>>
        %dma_start3A_94 = arith.constant 0 : i32
        %dma_start3A_95 = arith.constant 0 : i32
        %dma_start3A_96 = tpu.memref_slice %arg11[%dma_start3A_94, %dma_start3A_95] : memref<10240x128xf32, #tpu.memory_space<vmem_shared>> -> memref<10240x128xf32, #tpu.memory_space<vmem_shared>>
        tpu.enqueue_indirect_dma source(%dma_start3A_90 : memref<128x128xf32, #tpu.memory_space<vmem>>) target(%dma_start3A_96 : memref<10240x128xf32, #tpu.memory_space<vmem_shared>>) offsets(%dma_start3A_93 : memref<128xi32, #tpu.memory_space<vmem>>) semaphore(%run_scoped3A_86 : memref<!tpu.dma_semaphore, #tpu.memory_space<semaphore_mem>>) {add = true}
        %dma_wait3A_97 = arith.constant 0 : i32
        %dma_wait3A_98 = arith.constant 0 : i32
        %dma_wait3A_99 = tpu.memref_slice %arg10[%run_scoped3A, %dma_wait3A_97, %dma_wait3A_98] : memref<2x128x128xf32, #tpu.memory_space<vmem>> -> memref<1x128x128xf32, #tpu.memory_space<vmem>>
        %dma_wait3A_100 = tpu.memref_squeeze %dma_wait3A_99 : memref<1x128x128xf32, #tpu.memory_space<vmem>> -> memref<128x128xf32, #tpu.memory_space<vmem>>
        %dma_wait3A_101 = arith.constant 0 : i32
        %dma_wait3A_102 = tpu.memref_slice %arg9[%add3A_54, %dma_wait3A_101] : memref<40x128xi32, #tpu.memory_space<vmem>> -> memref<1x128xi32, #tpu.memory_space<vmem>>
        %dma_wait3A_103 = tpu.memref_squeeze %dma_wait3A_102 : memref<1x128xi32, #tpu.memory_space<vmem>> -> memref<128xi32, #tpu.memory_space<vmem>>
        %dma_wait3A_104 = arith.constant 0 : i32
        %dma_wait3A_105 = arith.constant 0 : i32
        %dma_wait3A_106 = tpu.memref_slice %arg11[%dma_wait3A_104, %dma_wait3A_105] : memref<10240x128xf32, #tpu.memory_space<vmem_shared>> -> memref<10240x128xf32, #tpu.memory_space<vmem_shared>>
        tpu.wait_indirect_dma semaphore(%run_scoped3A_86 : memref<!tpu.dma_semaphore, #tpu.memory_space<semaphore_mem>>) src(%dma_wait3A_100 : memref<128x128xf32, #tpu.memory_space<vmem>>) dst(%dma_wait3A_106 : memref<10240x128xf32, #tpu.memory_space<vmem_shared>>)
        tpu.yield
      }) : () -> ()
      %add3A_67 = arith.constant 1 : i32
      %add3A_68 = arith.addi %add3A_52, %add3A_67 : i32
      %add3A_69 = arith.constant 1 : i32
      %add3A_70 = arith.addi %add3A_68, %add3A_69 : i32
      %lt3A_71 = arith.constant 40 : i32
      %lt3A_72 = arith.cmpi slt, %add3A_70, %lt3A_71 : i32
      %convert_element_type3A_73 = arith.extui %lt3A_72 : i1 to i32
      %cond3A_74 = arith.constant 0 : i32
      %cond3A_75 = arith.cmpi ne, %convert_element_type3A_73, %cond3A_74 : i32
      scf.if %cond3A_75 {
        %add3A_86 = arith.constant 1 : i32
        %add3A_87 = arith.addi %add3A_68, %add3A_86 : i32
        %dma_start3A_88 = arith.constant 0 : i32
        %dma_start3A_89 = arith.constant 0 : i32
        %dma_start3A_90 = arith.constant 0 : i32
        %dma_start3A_91 = tpu.memref_slice %arg10[%dma_start3A_88, %dma_start3A_89, %dma_start3A_90] : memref<2x128x128xf32, #tpu.memory_space<vmem>> -> memref<1x128x128xf32, #tpu.memory_space<vmem>>
        %dma_start3A_92 = tpu.memref_squeeze %dma_start3A_91 : memref<1x128x128xf32, #tpu.memory_space<vmem>> -> memref<128x128xf32, #tpu.memory_space<vmem>>
        %dma_start3A_93 = arith.constant 0 : i32
        %dma_start3A_94 = tpu.memref_slice %arg8[%add3A_87, %dma_start3A_93] : memref<40x128xi32, #tpu.memory_space<vmem>> -> memref<1x128xi32, #tpu.memory_space<vmem>>
        %dma_start3A_95 = tpu.memref_squeeze %dma_start3A_94 : memref<1x128xi32, #tpu.memory_space<vmem>> -> memref<128xi32, #tpu.memory_space<vmem>>
        %dma_start3A_96 = arith.constant 0 : i32
        %dma_start3A_97 = arith.constant 0 : i32
        %dma_start3A_98 = tpu.memref_slice %arg2[%dma_start3A_96, %dma_start3A_97] : memref<10000x128xf32, #tpu.memory_space<hbm>> -> memref<10000x128xf32, #tpu.memory_space<hbm>>
        tpu.enqueue_indirect_dma source(%dma_start3A_98 : memref<10000x128xf32, #tpu.memory_space<hbm>>) target(%dma_start3A_92 : memref<128x128xf32, #tpu.memory_space<vmem>>) offsets(%dma_start3A_95 : memref<128xi32, #tpu.memory_space<vmem>>) semaphore(%arg12 : memref<!tpu.dma_semaphore, #tpu.memory_space<semaphore_mem>>)
      } else {
      }
      %dma_wait3A_76 = arith.constant 1 : i32
      %dma_wait3A_77 = arith.constant 0 : i32
      %dma_wait3A_78 = arith.constant 0 : i32
      %dma_wait3A_79 = tpu.memref_slice %arg10[%dma_wait3A_76, %dma_wait3A_77, %dma_wait3A_78] : memref<2x128x128xf32, #tpu.memory_space<vmem>> -> memref<1x128x128xf32, #tpu.memory_space<vmem>>
      %dma_wait3A_80 = tpu.memref_squeeze %dma_wait3A_79 : memref<1x128x128xf32, #tpu.memory_space<vmem>> -> memref<128x128xf32, #tpu.memory_space<vmem>>
      %dma_wait3A_81 = arith.constant 0 : i32
      %dma_wait3A_82 = arith.constant 0 : i32
      %dma_wait3A_83 = tpu.memref_slice %arg10[%dma_wait3A_76, %dma_wait3A_81, %dma_wait3A_82] : memref<2x128x128xf32, #tpu.memory_space<vmem>> -> memref<1x128x128xf32, #tpu.memory_space<vmem>>
      %dma_wait3A_84 = tpu.memref_squeeze %dma_wait3A_83 : memref<1x128x128xf32, #tpu.memory_space<vmem>> -> memref<128x128xf32, #tpu.memory_space<vmem>>
      tpu.wait_dma2 semaphore(%arg13 : memref<!tpu.dma_semaphore, #tpu.memory_space<semaphore_mem>>) src(%arg6 : memref<128x128xf32, #tpu.memory_space<hbm>>) dst(%dma_wait3A_84 : memref<128x128xf32, #tpu.memory_space<vmem>>)
      %run_scoped3A_85 = arith.constant 1 : i32
      "tpu.region"() ({
        %run_scoped3A_86 = tpu.sem_alloc : memref<!tpu.dma_semaphore, #tpu.memory_space<semaphore_mem>>
        %dma_start3A_87 = arith.constant 0 : i32
        %dma_start3A_88 = arith.constant 0 : i32
        %dma_start3A_89 = tpu.memref_slice %arg10[%run_scoped3A_85, %dma_start3A_87, %dma_start3A_88] : memref<2x128x128xf32, #tpu.memory_space<vmem>> -> memref<1x128x128xf32, #tpu.memory_space<vmem>>
        %dma_start3A_90 = tpu.memref_squeeze %dma_start3A_89 : memref<1x128x128xf32, #tpu.memory_space<vmem>> -> memref<128x128xf32, #tpu.memory_space<vmem>>
        %dma_start3A_91 = arith.constant 0 : i32
        %dma_start3A_92 = tpu.memref_slice %arg9[%add3A_68, %dma_start3A_91] : memref<40x128xi32, #tpu.memory_space<vmem>> -> memref<1x128xi32, #tpu.memory_space<vmem>>
        %dma_start3A_93 = tpu.memref_squeeze %dma_start3A_92 : memref<1x128xi32, #tpu.memory_space<vmem>> -> memref<128xi32, #tpu.memory_space<vmem>>
        %dma_start3A_94 = arith.constant 0 : i32
        %dma_start3A_95 = arith.constant 0 : i32
        %dma_start3A_96 = tpu.memref_slice %arg11[%dma_start3A_94, %dma_start3A_95] : memref<10240x128xf32, #tpu.memory_space<vmem_shared>> -> memref<10240x128xf32, #tpu.memory_space<vmem_shared>>
        tpu.enqueue_indirect_dma source(%dma_start3A_90 : memref<128x128xf32, #tpu.memory_space<vmem>>) target(%dma_start3A_96 : memref<10240x128xf32, #tpu.memory_space<vmem_shared>>) offsets(%dma_start3A_93 : memref<128xi32, #tpu.memory_space<vmem>>) semaphore(%run_scoped3A_86 : memref<!tpu.dma_semaphore, #tpu.memory_space<semaphore_mem>>) {add = true}
        %dma_wait3A_97 = arith.constant 0 : i32
        %dma_wait3A_98 = arith.constant 0 : i32
        %dma_wait3A_99 = tpu.memref_slice %arg10[%run_scoped3A_85, %dma_wait3A_97, %dma_wait3A_98] : memref<2x128x128xf32, #tpu.memory_space<vmem>> -> memref<1x128x128xf32, #tpu.memory_space<vmem>>
        %dma_wait3A_100 = tpu.memref_squeeze %dma_wait3A_99 : memref<1x128x128xf32, #tpu.memory_space<vmem>> -> memref<128x128xf32, #tpu.memory_space<vmem>>
        %dma_wait3A_101 = arith.constant 0 : i32
        %dma_wait3A_102 = tpu.memref_slice %arg9[%add3A_68, %dma_wait3A_101] : memref<40x128xi32, #tpu.memory_space<vmem>> -> memref<1x128xi32, #tpu.memory_space<vmem>>
        %dma_wait3A_103 = tpu.memref_squeeze %dma_wait3A_102 : memref<1x128xi32, #tpu.memory_space<vmem>> -> memref<128xi32, #tpu.memory_space<vmem>>
        %dma_wait3A_104 = arith.constant 0 : i32
        %dma_wait3A_105 = arith.constant 0 : i32
        %dma_wait3A_106 = tpu.memref_slice %arg11[%dma_wait3A_104, %dma_wait3A_105] : memref<10240x128xf32, #tpu.memory_space<vmem_shared>> -> memref<10240x128xf32, #tpu.memory_space<vmem_shared>>
        tpu.wait_indirect_dma semaphore(%run_scoped3A_86 : memref<!tpu.dma_semaphore, #tpu.memory_space<semaphore_mem>>) src(%dma_wait3A_100 : memref<128x128xf32, #tpu.memory_space<vmem>>) dst(%dma_wait3A_106 : memref<10240x128xf32, #tpu.memory_space<vmem_shared>>)
        tpu.yield
      }) : () -> ()
    }
    %scan3A_44 = arith.constant 20 : i32
    %barrier3A_45 = arith.constant 0 : index
    tpu.barrier barrier_id(%barrier3A_45)
    %mul3A_46 = arith.constant 640 : i32
    %mul3A_47 = arith.muli %arg1, %mul3A_46 : i32
    "tpu.region"() ({
      %run_scoped3A = tpu.sem_alloc : memref<!tpu.dma_semaphore, #tpu.memory_space<semaphore_mem>>
      %dma_start3A_48 = arith.constant 0 : i32
      %dma_start3A_49 = tpu.memref_slice %arg7[%arg0, %mul3A_47, %dma_start3A_48] : memref<2x10240x128xf32, #tpu.memory_space<hbm>> -> memref<1x640x128xf32, #tpu.memory_space<hbm>>
      %dma_start3A_50 = tpu.memref_squeeze %dma_start3A_49 : memref<1x640x128xf32, #tpu.memory_space<hbm>> -> memref<640x128xf32, #tpu.memory_space<hbm>>
      %dma_start3A_51 = arith.constant 0 : i32
      %dma_start3A_52 = tpu.memref_slice %arg11[%mul3A_47, %dma_start3A_51] : memref<10240x128xf32, #tpu.memory_space<vmem_shared>> -> memref<640x128xf32, #tpu.memory_space<vmem_shared>>
      tpu.enqueue_dma source(%dma_start3A_52 : memref<640x128xf32, #tpu.memory_space<vmem_shared>>) target(%dma_start3A_50 : memref<640x128xf32, #tpu.memory_space<hbm>>) target_semaphore(%run_scoped3A : memref<!tpu.dma_semaphore, #tpu.memory_space<semaphore_mem>>)
      %dma_wait3A = arith.constant 0 : i32
      %dma_wait3A_53 = tpu.memref_slice %arg7[%arg0, %mul3A_47, %dma_wait3A] : memref<2x10240x128xf32, #tpu.memory_space<hbm>> -> memref<1x640x128xf32, #tpu.memory_space<hbm>>
      %dma_wait3A_54 = tpu.memref_squeeze %dma_wait3A_53 : memref<1x640x128xf32, #tpu.memory_space<hbm>> -> memref<640x128xf32, #tpu.memory_space<hbm>>
      %dma_wait3A_55 = arith.constant 0 : i32
      %dma_wait3A_56 = tpu.memref_slice %arg11[%mul3A_47, %dma_wait3A_55] : memref<10240x128xf32, #tpu.memory_space<vmem_shared>> -> memref<640x128xf32, #tpu.memory_space<vmem_shared>>
      tpu.wait_dma2 semaphore(%run_scoped3A : memref<!tpu.dma_semaphore, #tpu.memory_space<semaphore_mem>>) src(%dma_wait3A_56 : memref<640x128xf32, #tpu.memory_space<vmem_shared>>) dst(%dma_wait3A_54 : memref<640x128xf32, #tpu.memory_space<hbm>>)
      tpu.yield
    }) : () -> ()
    return
  }
}

#map = affine_map<(d0, d1) -> (0, 0)>
#map1 = affine_map<(d0, d1) -> (0, 0, 0)>
module attributes {stable_mosaic.version = 14 : i64} {
  func.func @_deg(%arg0: i32, %arg1: i32, %arg2: memref<2560x128xi32, #tpu.memory_space<hbm>>, %arg3: memref<640x128xf32, #tpu.memory_space<hbm>>, %arg4: memref<128x128xf32, #tpu.memory_space<hbm>>, %arg5: memref<2x10240x128xf32, #tpu.memory_space<hbm>>, %arg6: memref<128xi32, #tpu.memory_space<vmem>>, %arg7: memref<128x128xf32, #tpu.memory_space<vmem>>, %arg8: memref<10240x128xf32, #tpu.memory_space<vmem_shared>>) attributes {dimension_semantics = [#tpu.dimension_semantics<core_parallel>, #tpu.dimension_semantics<subcore_parallel>], iteration_bounds = array<i64: 2, 16>, scalar_prefetch = 0 : i64, scratch_operands = 3 : i64, tpu.core_type = #tpu.core_type<sc_vector_subcore>, window_params = [{transform_indices = #map}, {transform_indices = #map}, {transform_indices = #map}, {transform_indices = #map1}]} {
    %mul3A = arith.constant 2 : i32
    %mul3A_0 = arith.muli %arg1, %mul3A : i32
    %add3A = arith.addi %mul3A_0, %arg0 : i32
    %mul3A_1 = arith.constant 640 : i32
    %mul3A_2 = arith.muli %arg1, %mul3A_1 : i32
    "tpu.region"() ({
      %run_scoped3A = tpu.sem_alloc : memref<!tpu.dma_semaphore, #tpu.memory_space<semaphore_mem>>
      %dma_start3A = arith.constant 0 : i32
      %dma_start3A_11 = tpu.memref_slice %arg8[%mul3A_2, %dma_start3A] : memref<10240x128xf32, #tpu.memory_space<vmem_shared>> -> memref<640x128xf32, #tpu.memory_space<vmem_shared>>
      tpu.enqueue_dma source(%arg3 : memref<640x128xf32, #tpu.memory_space<hbm>>) target(%dma_start3A_11 : memref<640x128xf32, #tpu.memory_space<vmem_shared>>) target_semaphore(%run_scoped3A : memref<!tpu.dma_semaphore, #tpu.memory_space<semaphore_mem>>)
      %dma_wait3A = arith.constant 0 : i32
      %dma_wait3A_12 = tpu.memref_slice %arg8[%mul3A_2, %dma_wait3A] : memref<10240x128xf32, #tpu.memory_space<vmem_shared>> -> memref<640x128xf32, #tpu.memory_space<vmem_shared>>
      tpu.wait_dma2 semaphore(%run_scoped3A : memref<!tpu.dma_semaphore, #tpu.memory_space<semaphore_mem>>) src(%arg3 : memref<640x128xf32, #tpu.memory_space<hbm>>) dst(%dma_wait3A_12 : memref<640x128xf32, #tpu.memory_space<vmem_shared>>)
      tpu.yield
    }) : () -> ()
    %barrier3A = arith.constant 0 : index
    tpu.barrier barrier_id(%barrier3A)
    "tpu.region"() ({
      %run_scoped3A = tpu.sem_alloc : memref<!tpu.dma_semaphore, #tpu.memory_space<semaphore_mem>>
      %dma_start3A = arith.constant 0 : i32
      %dma_start3A_11 = arith.constant 0 : i32
      %dma_start3A_12 = tpu.memref_slice %arg4[%dma_start3A, %dma_start3A_11] : memref<128x128xf32, #tpu.memory_space<hbm>> -> memref<128x128xf32, #tpu.memory_space<hbm>>
      %dma_start3A_13 = arith.constant 0 : i32
      %dma_start3A_14 = arith.constant 0 : i32
      %dma_start3A_15 = tpu.memref_slice %arg4[%dma_start3A_13, %dma_start3A_14] : memref<128x128xf32, #tpu.memory_space<hbm>> -> memref<128x128xf32, #tpu.memory_space<hbm>>
      tpu.enqueue_dma source(%dma_start3A_15 : memref<128x128xf32, #tpu.memory_space<hbm>>) target(%arg7 : memref<128x128xf32, #tpu.memory_space<vmem>>) target_semaphore(%run_scoped3A : memref<!tpu.dma_semaphore, #tpu.memory_space<semaphore_mem>>)
      %dma_wait3A = arith.constant 0 : i32
      %dma_wait3A_16 = arith.constant 0 : i32
      %dma_wait3A_17 = tpu.memref_slice %arg4[%dma_wait3A, %dma_wait3A_16] : memref<128x128xf32, #tpu.memory_space<hbm>> -> memref<128x128xf32, #tpu.memory_space<hbm>>
      %dma_wait3A_18 = arith.constant 0 : i32
      %dma_wait3A_19 = arith.constant 0 : i32
      %dma_wait3A_20 = tpu.memref_slice %arg4[%dma_wait3A_18, %dma_wait3A_19] : memref<128x128xf32, #tpu.memory_space<hbm>> -> memref<128x128xf32, #tpu.memory_space<hbm>>
      tpu.wait_dma2 semaphore(%run_scoped3A : memref<!tpu.dma_semaphore, #tpu.memory_space<semaphore_mem>>) src(%dma_wait3A_20 : memref<128x128xf32, #tpu.memory_space<hbm>>) dst(%arg7 : memref<128x128xf32, #tpu.memory_space<vmem>>)
      tpu.yield
    }) : () -> ()
    %scan3A = arith.constant 0 : i32
    %scan3A_3 = arith.constant 0 : i32
    %scan3A_4 = arith.constant 80 : i32
    %scan3A_5 = arith.addi %scan3A_3, %scan3A_4 : i32
    %scan3A_6 = arith.constant 1 : i32
    scf.for %scan3A_11 = %scan3A_3 to %scan3A_5 step %scan3A_6  : i32 {
      %mul3A_12 = arith.constant 80 : i32
      %mul3A_13 = arith.muli %add3A, %mul3A_12 : i32
      %add3A_14 = arith.addi %mul3A_13, %scan3A_11 : i32
      "tpu.region"() ({
        %run_scoped3A = tpu.sem_alloc : memref<!tpu.dma_semaphore, #tpu.memory_space<semaphore_mem>>
        %dma_start3A = arith.constant 0 : i32
        %dma_start3A_15 = tpu.memref_slice %arg2[%add3A_14, %dma_start3A] : memref<2560x128xi32, #tpu.memory_space<hbm>> -> memref<1x128xi32, #tpu.memory_space<hbm>>
        %dma_start3A_16 = tpu.memref_squeeze %dma_start3A_15 : memref<1x128xi32, #tpu.memory_space<hbm>> -> memref<128xi32, #tpu.memory_space<hbm>>
        %dma_start3A_17 = arith.constant 0 : i32
        %dma_start3A_18 = tpu.memref_slice %arg2[%add3A_14, %dma_start3A_17] : memref<2560x128xi32, #tpu.memory_space<hbm>> -> memref<1x128xi32, #tpu.memory_space<hbm>>
        %dma_start3A_19 = tpu.memref_squeeze %dma_start3A_18 : memref<1x128xi32, #tpu.memory_space<hbm>> -> memref<128xi32, #tpu.memory_space<hbm>>
        tpu.enqueue_dma source(%dma_start3A_19 : memref<128xi32, #tpu.memory_space<hbm>>) target(%arg6 : memref<128xi32, #tpu.memory_space<vmem>>) target_semaphore(%run_scoped3A : memref<!tpu.dma_semaphore, #tpu.memory_space<semaphore_mem>>)
        %dma_wait3A = arith.constant 0 : i32
        %dma_wait3A_20 = tpu.memref_slice %arg2[%add3A_14, %dma_wait3A] : memref<2560x128xi32, #tpu.memory_space<hbm>> -> memref<1x128xi32, #tpu.memory_space<hbm>>
        %dma_wait3A_21 = tpu.memref_squeeze %dma_wait3A_20 : memref<1x128xi32, #tpu.memory_space<hbm>> -> memref<128xi32, #tpu.memory_space<hbm>>
        %dma_wait3A_22 = arith.constant 0 : i32
        %dma_wait3A_23 = tpu.memref_slice %arg2[%add3A_14, %dma_wait3A_22] : memref<2560x128xi32, #tpu.memory_space<hbm>> -> memref<1x128xi32, #tpu.memory_space<hbm>>
        %dma_wait3A_24 = tpu.memref_squeeze %dma_wait3A_23 : memref<1x128xi32, #tpu.memory_space<hbm>> -> memref<128xi32, #tpu.memory_space<hbm>>
        tpu.wait_dma2 semaphore(%run_scoped3A : memref<!tpu.dma_semaphore, #tpu.memory_space<semaphore_mem>>) src(%dma_wait3A_24 : memref<128xi32, #tpu.memory_space<hbm>>) dst(%arg6 : memref<128xi32, #tpu.memory_space<vmem>>)
        tpu.yield
      }) : () -> ()
      "tpu.region"() ({
        %run_scoped3A = tpu.sem_alloc : memref<!tpu.dma_semaphore, #tpu.memory_space<semaphore_mem>>
        %dma_start3A = arith.constant 0 : i32
        %dma_start3A_15 = arith.constant 0 : i32
        %dma_start3A_16 = tpu.memref_slice %arg8[%dma_start3A, %dma_start3A_15] : memref<10240x128xf32, #tpu.memory_space<vmem_shared>> -> memref<10240x128xf32, #tpu.memory_space<vmem_shared>>
        tpu.enqueue_indirect_dma source(%arg7 : memref<128x128xf32, #tpu.memory_space<vmem>>) target(%dma_start3A_16 : memref<10240x128xf32, #tpu.memory_space<vmem_shared>>) offsets(%arg6 : memref<128xi32, #tpu.memory_space<vmem>>) semaphore(%run_scoped3A : memref<!tpu.dma_semaphore, #tpu.memory_space<semaphore_mem>>) {add = true}
        %dma_wait3A = arith.constant 0 : i32
        %dma_wait3A_17 = arith.constant 0 : i32
        %dma_wait3A_18 = tpu.memref_slice %arg8[%dma_wait3A, %dma_wait3A_17] : memref<10240x128xf32, #tpu.memory_space<vmem_shared>> -> memref<10240x128xf32, #tpu.memory_space<vmem_shared>>
        tpu.wait_indirect_dma semaphore(%run_scoped3A : memref<!tpu.dma_semaphore, #tpu.memory_space<semaphore_mem>>) src(%arg7 : memref<128x128xf32, #tpu.memory_space<vmem>>) dst(%dma_wait3A_18 : memref<10240x128xf32, #tpu.memory_space<vmem_shared>>)
        tpu.yield
      }) : () -> ()
    }
    %scan3A_7 = arith.constant 80 : i32
    %barrier3A_8 = arith.constant 0 : index
    tpu.barrier barrier_id(%barrier3A_8)
    %mul3A_9 = arith.constant 640 : i32
    %mul3A_10 = arith.muli %arg1, %mul3A_9 : i32
    "tpu.region"() ({
      %run_scoped3A = tpu.sem_alloc : memref<!tpu.dma_semaphore, #tpu.memory_space<semaphore_mem>>
      %dma_start3A = arith.constant 0 : i32
      %dma_start3A_11 = tpu.memref_slice %arg5[%arg0, %mul3A_10, %dma_start3A] : memref<2x10240x128xf32, #tpu.memory_space<hbm>> -> memref<1x640x128xf32, #tpu.memory_space<hbm>>
      %dma_start3A_12 = tpu.memref_squeeze %dma_start3A_11 : memref<1x640x128xf32, #tpu.memory_space<hbm>> -> memref<640x128xf32, #tpu.memory_space<hbm>>
      %dma_start3A_13 = arith.constant 0 : i32
      %dma_start3A_14 = tpu.memref_slice %arg8[%mul3A_10, %dma_start3A_13] : memref<10240x128xf32, #tpu.memory_space<vmem_shared>> -> memref<640x128xf32, #tpu.memory_space<vmem_shared>>
      tpu.enqueue_dma source(%dma_start3A_14 : memref<640x128xf32, #tpu.memory_space<vmem_shared>>) target(%dma_start3A_12 : memref<640x128xf32, #tpu.memory_space<hbm>>) target_semaphore(%run_scoped3A : memref<!tpu.dma_semaphore, #tpu.memory_space<semaphore_mem>>)
      %dma_wait3A = arith.constant 0 : i32
      %dma_wait3A_15 = tpu.memref_slice %arg5[%arg0, %mul3A_10, %dma_wait3A] : memref<2x10240x128xf32, #tpu.memory_space<hbm>> -> memref<1x640x128xf32, #tpu.memory_space<hbm>>
      %dma_wait3A_16 = tpu.memref_squeeze %dma_wait3A_15 : memref<1x640x128xf32, #tpu.memory_space<hbm>> -> memref<640x128xf32, #tpu.memory_space<hbm>>
      %dma_wait3A_17 = arith.constant 0 : i32
      %dma_wait3A_18 = tpu.memref_slice %arg8[%mul3A_10, %dma_wait3A_17] : memref<10240x128xf32, #tpu.memory_space<vmem_shared>> -> memref<640x128xf32, #tpu.memory_space<vmem_shared>>
      tpu.wait_dma2 semaphore(%run_scoped3A : memref<!tpu.dma_semaphore, #tpu.memory_space<semaphore_mem>>) src(%dma_wait3A_18 : memref<640x128xf32, #tpu.memory_space<vmem_shared>>) dst(%dma_wait3A_16 : memref<640x128xf32, #tpu.memory_space<hbm>>)
      tpu.yield
    }) : () -> ()
    return
  }
}

#map = affine_map<(d0, d1) -> (0, 0)>
#map1 = affine_map<(d0, d1) -> (0, 0, 0)>
module attributes {stable_mosaic.version = 14 : i64} {
  func.func @_agg(%arg0: i32, %arg1: i32, %arg2: memref<10000x128xf32, #tpu.memory_space<hbm>>, %arg3: memref<2560x128xi32, #tpu.memory_space<hbm>>, %arg4: memref<2560x128xi32, #tpu.memory_space<hbm>>, %arg5: memref<640x128xf32, #tpu.memory_space<hbm>>, %arg6: memref<128x128xf32, #tpu.memory_space<hbm>>, %arg7: memref<2x10240x128xf32, #tpu.memory_space<hbm>>, %arg8: memref<40x128xi32, #tpu.memory_space<vmem>>, %arg9: memref<40x128xi32, #tpu.memory_space<vmem>>, %arg10: memref<2x128x128xf32, #tpu.memory_space<vmem>>, %arg11: memref<10240x128xf32, #tpu.memory_space<vmem_shared>>, %arg12: memref<!tpu.dma_semaphore, #tpu.memory_space<semaphore_mem>>, %arg13: memref<!tpu.dma_semaphore, #tpu.memory_space<semaphore_mem>>) attributes {dimension_semantics = [#tpu.dimension_semantics<core_parallel>, #tpu.dimension_semantics<subcore_parallel>], iteration_bounds = array<i64: 2, 16>, scalar_prefetch = 0 : i64, scratch_operands = 6 : i64, tpu.core_type = #tpu.core_type<sc_vector_subcore>, window_params = [{transform_indices = #map}, {transform_indices = #map}, {transform_indices = #map}, {transform_indices = #map}, {transform_indices = #map}, {transform_indices = #map1}]} {
    %mul3A = arith.constant 2 : i32
    %mul3A_0 = arith.muli %arg1, %mul3A : i32
    %add3A = arith.addi %mul3A_0, %arg0 : i32
    %mul3A_1 = arith.constant 80 : i32
    %mul3A_2 = arith.muli %add3A, %mul3A_1 : i32
    %mul3A_3 = arith.constant 640 : i32
    %mul3A_4 = arith.muli %arg1, %mul3A_3 : i32
    "tpu.region"() ({
      %run_scoped3A = tpu.sem_alloc : memref<!tpu.dma_semaphore, #tpu.memory_space<semaphore_mem>>
      %dma_start3A_48 = arith.constant 0 : i32
      %dma_start3A_49 = tpu.memref_slice %arg11[%mul3A_4, %dma_start3A_48] : memref<10240x128xf32, #tpu.memory_space<vmem_shared>> -> memref<640x128xf32, #tpu.memory_space<vmem_shared>>
      tpu.enqueue_dma source(%arg5 : memref<640x128xf32, #tpu.memory_space<hbm>>) target(%dma_start3A_49 : memref<640x128xf32, #tpu.memory_space<vmem_shared>>) target_semaphore(%run_scoped3A : memref<!tpu.dma_semaphore, #tpu.memory_space<semaphore_mem>>)
      %dma_wait3A = arith.constant 0 : i32
      %dma_wait3A_50 = tpu.memref_slice %arg11[%mul3A_4, %dma_wait3A] : memref<10240x128xf32, #tpu.memory_space<vmem_shared>> -> memref<640x128xf32, #tpu.memory_space<vmem_shared>>
      tpu.wait_dma2 semaphore(%run_scoped3A : memref<!tpu.dma_semaphore, #tpu.memory_space<semaphore_mem>>) src(%arg5 : memref<640x128xf32, #tpu.memory_space<hbm>>) dst(%dma_wait3A_50 : memref<640x128xf32, #tpu.memory_space<vmem_shared>>)
      tpu.yield
    }) : () -> ()
    %barrier3A = arith.constant 0 : index
    tpu.barrier barrier_id(%barrier3A)
    %add3A_5 = arith.constant 0 : i32
    %add3A_6 = arith.addi %mul3A_2, %add3A_5 : i32
    "tpu.region"() ({
      %run_scoped3A = tpu.sem_alloc : memref<!tpu.dma_semaphore, #tpu.memory_space<semaphore_mem>>
      %dma_start3A_48 = arith.constant 0 : i32
      %dma_start3A_49 = tpu.memref_slice %arg3[%add3A_6, %dma_start3A_48] : memref<2560x128xi32, #tpu.memory_space<hbm>> -> memref<40x128xi32, #tpu.memory_space<hbm>>
      %dma_start3A_50 = arith.constant 0 : i32
      %dma_start3A_51 = tpu.memref_slice %arg3[%add3A_6, %dma_start3A_50] : memref<2560x128xi32, #tpu.memory_space<hbm>> -> memref<40x128xi32, #tpu.memory_space<hbm>>
      tpu.enqueue_dma source(%dma_start3A_51 : memref<40x128xi32, #tpu.memory_space<hbm>>) target(%arg8 : memref<40x128xi32, #tpu.memory_space<vmem>>) target_semaphore(%run_scoped3A : memref<!tpu.dma_semaphore, #tpu.memory_space<semaphore_mem>>)
      %dma_wait3A = arith.constant 0 : i32
      %dma_wait3A_52 = tpu.memref_slice %arg3[%add3A_6, %dma_wait3A] : memref<2560x128xi32, #tpu.memory_space<hbm>> -> memref<40x128xi32, #tpu.memory_space<hbm>>
      %dma_wait3A_53 = arith.constant 0 : i32
      %dma_wait3A_54 = tpu.memref_slice %arg3[%add3A_6, %dma_wait3A_53] : memref<2560x128xi32, #tpu.memory_space<hbm>> -> memref<40x128xi32, #tpu.memory_space<hbm>>
      tpu.wait_dma2 semaphore(%run_scoped3A : memref<!tpu.dma_semaphore, #tpu.memory_space<semaphore_mem>>) src(%dma_wait3A_54 : memref<40x128xi32, #tpu.memory_space<hbm>>) dst(%arg8 : memref<40x128xi32, #tpu.memory_space<vmem>>)
      tpu.yield
    }) : () -> ()
    %add3A_7 = arith.constant 0 : i32
    %add3A_8 = arith.addi %mul3A_2, %add3A_7 : i32
    "tpu.region"() ({
      %run_scoped3A = tpu.sem_alloc : memref<!tpu.dma_semaphore, #tpu.memory_space<semaphore_mem>>
      %dma_start3A_48 = arith.constant 0 : i32
      %dma_start3A_49 = tpu.memref_slice %arg4[%add3A_8, %dma_start3A_48] : memref<2560x128xi32, #tpu.memory_space<hbm>> -> memref<40x128xi32, #tpu.memory_space<hbm>>
      %dma_start3A_50 = arith.constant 0 : i32
      %dma_start3A_51 = tpu.memref_slice %arg4[%add3A_8, %dma_start3A_50] : memref<2560x128xi32, #tpu.memory_space<hbm>> -> memref<40x128xi32, #tpu.memory_space<hbm>>
      tpu.enqueue_dma source(%dma_start3A_51 : memref<40x128xi32, #tpu.memory_space<hbm>>) target(%arg9 : memref<40x128xi32, #tpu.memory_space<vmem>>) target_semaphore(%run_scoped3A : memref<!tpu.dma_semaphore, #tpu.memory_space<semaphore_mem>>)
      %dma_wait3A = arith.constant 0 : i32
      %dma_wait3A_52 = tpu.memref_slice %arg4[%add3A_8, %dma_wait3A] : memref<2560x128xi32, #tpu.memory_space<hbm>> -> memref<40x128xi32, #tpu.memory_space<hbm>>
      %dma_wait3A_53 = arith.constant 0 : i32
      %dma_wait3A_54 = tpu.memref_slice %arg4[%add3A_8, %dma_wait3A_53] : memref<2560x128xi32, #tpu.memory_space<hbm>> -> memref<40x128xi32, #tpu.memory_space<hbm>>
      tpu.wait_dma2 semaphore(%run_scoped3A : memref<!tpu.dma_semaphore, #tpu.memory_space<semaphore_mem>>) src(%dma_wait3A_54 : memref<40x128xi32, #tpu.memory_space<hbm>>) dst(%arg9 : memref<40x128xi32, #tpu.memory_space<vmem>>)
      tpu.yield
    }) : () -> ()
    %dma_start3A = arith.constant 0 : i32
    %dma_start3A_9 = arith.constant 0 : i32
    %dma_start3A_10 = arith.constant 0 : i32
    %dma_start3A_11 = arith.constant 0 : i32
    %dma_start3A_12 = tpu.memref_slice %arg10[%dma_start3A_9, %dma_start3A_10, %dma_start3A_11] : memref<2x128x128xf32, #tpu.memory_space<vmem>> -> memref<1x128x128xf32, #tpu.memory_space<vmem>>
    %dma_start3A_13 = tpu.memref_squeeze %dma_start3A_12 : memref<1x128x128xf32, #tpu.memory_space<vmem>> -> memref<128x128xf32, #tpu.memory_space<vmem>>
    %dma_start3A_14 = arith.constant 0 : i32
    %dma_start3A_15 = tpu.memref_slice %arg8[%dma_start3A, %dma_start3A_14] : memref<40x128xi32, #tpu.memory_space<vmem>> -> memref<1x128xi32, #tpu.memory_space<vmem>>
    %dma_start3A_16 = tpu.memref_squeeze %dma_start3A_15 : memref<1x128xi32, #tpu.memory_space<vmem>> -> memref<128xi32, #tpu.memory_space<vmem>>
    %dma_start3A_17 = arith.constant 0 : i32
    %dma_start3A_18 = arith.constant 0 : i32
    %dma_start3A_19 = tpu.memref_slice %arg2[%dma_start3A_17, %dma_start3A_18] : memref<10000x128xf32, #tpu.memory_space<hbm>> -> memref<10000x128xf32, #tpu.memory_space<hbm>>
    tpu.enqueue_indirect_dma source(%dma_start3A_19 : memref<10000x128xf32, #tpu.memory_space<hbm>>) target(%dma_start3A_13 : memref<128x128xf32, #tpu.memory_space<vmem>>) offsets(%dma_start3A_16 : memref<128xi32, #tpu.memory_space<vmem>>) semaphore(%arg12 : memref<!tpu.dma_semaphore, #tpu.memory_space<semaphore_mem>>)
    %scan3A = arith.constant 0 : i32
    %scan3A_20 = arith.constant 20 : i32
    %scan3A_21 = arith.addi %scan3A, %scan3A_20 : i32
    %scan3A_22 = arith.constant 1 : i32
    scf.for %scan3A_48 = %scan3A to %scan3A_21 step %scan3A_22  : i32 {
      %mul3A_49 = arith.constant 2 : i32
      %mul3A_50 = arith.muli %scan3A_48, %mul3A_49 : i32
      %add3A_51 = arith.constant 0 : i32
      %add3A_52 = arith.addi %add3A_51, %mul3A_50 : i32
      %add3A_53 = arith.constant 0 : i32
      %add3A_54 = arith.addi %add3A_52, %add3A_53 : i32
      %add3A_55 = arith.constant 1 : i32
      %add3A_56 = arith.addi %add3A_54, %add3A_55 : i32
      %lt3A = arith.constant 40 : i32
      %lt3A_57 = arith.cmpi slt, %add3A_56, %lt3A : i32
      %convert_element_type3A = arith.extui %lt3A_57 : i1 to i32
      %cond3A = arith.constant 0 : i32
      %cond3A_58 = arith.cmpi ne, %convert_element_type3A, %cond3A : i32
      scf.if %cond3A_58 {
        %add3A_86 = arith.constant 1 : i32
        %add3A_87 = arith.addi %add3A_54, %add3A_86 : i32
        %dma_start3A_88 = arith.constant 1 : i32
        %dma_start3A_89 = arith.constant 0 : i32
        %dma_start3A_90 = arith.constant 0 : i32
        %dma_start3A_91 = tpu.memref_slice %arg10[%dma_start3A_88, %dma_start3A_89, %dma_start3A_90] : memref<2x128x128xf32, #tpu.memory_space<vmem>> -> memref<1x128x128xf32, #tpu.memory_space<vmem>>
        %dma_start3A_92 = tpu.memref_squeeze %dma_start3A_91 : memref<1x128x128xf32, #tpu.memory_space<vmem>> -> memref<128x128xf32, #tpu.memory_space<vmem>>
        %dma_start3A_93 = arith.constant 0 : i32
        %dma_start3A_94 = tpu.memref_slice %arg8[%add3A_87, %dma_start3A_93] : memref<40x128xi32, #tpu.memory_space<vmem>> -> memref<1x128xi32, #tpu.memory_space<vmem>>
        %dma_start3A_95 = tpu.memref_squeeze %dma_start3A_94 : memref<1x128xi32, #tpu.memory_space<vmem>> -> memref<128xi32, #tpu.memory_space<vmem>>
        %dma_start3A_96 = arith.constant 0 : i32
        %dma_start3A_97 = arith.constant 0 : i32
        %dma_start3A_98 = tpu.memref_slice %arg2[%dma_start3A_96, %dma_start3A_97] : memref<10000x128xf32, #tpu.memory_space<hbm>> -> memref<10000x128xf32, #tpu.memory_space<hbm>>
        tpu.enqueue_indirect_dma source(%dma_start3A_98 : memref<10000x128xf32, #tpu.memory_space<hbm>>) target(%dma_start3A_92 : memref<128x128xf32, #tpu.memory_space<vmem>>) offsets(%dma_start3A_95 : memref<128xi32, #tpu.memory_space<vmem>>) semaphore(%arg13 : memref<!tpu.dma_semaphore, #tpu.memory_space<semaphore_mem>>)
      } else {
      }
      %dma_wait3A = arith.constant 0 : i32
      %dma_wait3A_59 = arith.constant 0 : i32
      %dma_wait3A_60 = arith.constant 0 : i32
      %dma_wait3A_61 = tpu.memref_slice %arg10[%dma_wait3A, %dma_wait3A_59, %dma_wait3A_60] : memref<2x128x128xf32, #tpu.memory_space<vmem>> -> memref<1x128x128xf32, #tpu.memory_space<vmem>>
      %dma_wait3A_62 = tpu.memref_squeeze %dma_wait3A_61 : memref<1x128x128xf32, #tpu.memory_space<vmem>> -> memref<128x128xf32, #tpu.memory_space<vmem>>
      %dma_wait3A_63 = arith.constant 0 : i32
      %dma_wait3A_64 = arith.constant 0 : i32
      %dma_wait3A_65 = tpu.memref_slice %arg10[%dma_wait3A, %dma_wait3A_63, %dma_wait3A_64] : memref<2x128x128xf32, #tpu.memory_space<vmem>> -> memref<1x128x128xf32, #tpu.memory_space<vmem>>
      %dma_wait3A_66 = tpu.memref_squeeze %dma_wait3A_65 : memref<1x128x128xf32, #tpu.memory_space<vmem>> -> memref<128x128xf32, #tpu.memory_space<vmem>>
      tpu.wait_dma2 semaphore(%arg12 : memref<!tpu.dma_semaphore, #tpu.memory_space<semaphore_mem>>) src(%arg6 : memref<128x128xf32, #tpu.memory_space<hbm>>) dst(%dma_wait3A_66 : memref<128x128xf32, #tpu.memory_space<vmem>>)
      %run_scoped3A = arith.constant 0 : i32
      "tpu.region"() ({
        %run_scoped3A_86 = tpu.sem_alloc : memref<!tpu.dma_semaphore, #tpu.memory_space<semaphore_mem>>
        %dma_start3A_87 = arith.constant 0 : i32
        %dma_start3A_88 = arith.constant 0 : i32
        %dma_start3A_89 = tpu.memref_slice %arg10[%run_scoped3A, %dma_start3A_87, %dma_start3A_88] : memref<2x128x128xf32, #tpu.memory_space<vmem>> -> memref<1x128x128xf32, #tpu.memory_space<vmem>>
        %dma_start3A_90 = tpu.memref_squeeze %dma_start3A_89 : memref<1x128x128xf32, #tpu.memory_space<vmem>> -> memref<128x128xf32, #tpu.memory_space<vmem>>
        %dma_start3A_91 = arith.constant 0 : i32
        %dma_start3A_92 = tpu.memref_slice %arg9[%add3A_54, %dma_start3A_91] : memref<40x128xi32, #tpu.memory_space<vmem>> -> memref<1x128xi32, #tpu.memory_space<vmem>>
        %dma_start3A_93 = tpu.memref_squeeze %dma_start3A_92 : memref<1x128xi32, #tpu.memory_space<vmem>> -> memref<128xi32, #tpu.memory_space<vmem>>
        %dma_start3A_94 = arith.constant 0 : i32
        %dma_start3A_95 = arith.constant 0 : i32
        %dma_start3A_96 = tpu.memref_slice %arg11[%dma_start3A_94, %dma_start3A_95] : memref<10240x128xf32, #tpu.memory_space<vmem_shared>> -> memref<10240x128xf32, #tpu.memory_space<vmem_shared>>
        tpu.enqueue_indirect_dma source(%dma_start3A_90 : memref<128x128xf32, #tpu.memory_space<vmem>>) target(%dma_start3A_96 : memref<10240x128xf32, #tpu.memory_space<vmem_shared>>) offsets(%dma_start3A_93 : memref<128xi32, #tpu.memory_space<vmem>>) semaphore(%run_scoped3A_86 : memref<!tpu.dma_semaphore, #tpu.memory_space<semaphore_mem>>) {add = true}
        %dma_wait3A_97 = arith.constant 0 : i32
        %dma_wait3A_98 = arith.constant 0 : i32
        %dma_wait3A_99 = tpu.memref_slice %arg10[%run_scoped3A, %dma_wait3A_97, %dma_wait3A_98] : memref<2x128x128xf32, #tpu.memory_space<vmem>> -> memref<1x128x128xf32, #tpu.memory_space<vmem>>
        %dma_wait3A_100 = tpu.memref_squeeze %dma_wait3A_99 : memref<1x128x128xf32, #tpu.memory_space<vmem>> -> memref<128x128xf32, #tpu.memory_space<vmem>>
        %dma_wait3A_101 = arith.constant 0 : i32
        %dma_wait3A_102 = tpu.memref_slice %arg9[%add3A_54, %dma_wait3A_101] : memref<40x128xi32, #tpu.memory_space<vmem>> -> memref<1x128xi32, #tpu.memory_space<vmem>>
        %dma_wait3A_103 = tpu.memref_squeeze %dma_wait3A_102 : memref<1x128xi32, #tpu.memory_space<vmem>> -> memref<128xi32, #tpu.memory_space<vmem>>
        %dma_wait3A_104 = arith.constant 0 : i32
        %dma_wait3A_105 = arith.constant 0 : i32
        %dma_wait3A_106 = tpu.memref_slice %arg11[%dma_wait3A_104, %dma_wait3A_105] : memref<10240x128xf32, #tpu.memory_space<vmem_shared>> -> memref<10240x128xf32, #tpu.memory_space<vmem_shared>>
        tpu.wait_indirect_dma semaphore(%run_scoped3A_86 : memref<!tpu.dma_semaphore, #tpu.memory_space<semaphore_mem>>) src(%dma_wait3A_100 : memref<128x128xf32, #tpu.memory_space<vmem>>) dst(%dma_wait3A_106 : memref<10240x128xf32, #tpu.memory_space<vmem_shared>>)
        tpu.yield
      }) : () -> ()
      %add3A_67 = arith.constant 1 : i32
      %add3A_68 = arith.addi %add3A_52, %add3A_67 : i32
      %add3A_69 = arith.constant 1 : i32
      %add3A_70 = arith.addi %add3A_68, %add3A_69 : i32
      %lt3A_71 = arith.constant 40 : i32
      %lt3A_72 = arith.cmpi slt, %add3A_70, %lt3A_71 : i32
      %convert_element_type3A_73 = arith.extui %lt3A_72 : i1 to i32
      %cond3A_74 = arith.constant 0 : i32
      %cond3A_75 = arith.cmpi ne, %convert_element_type3A_73, %cond3A_74 : i32
      scf.if %cond3A_75 {
        %add3A_86 = arith.constant 1 : i32
        %add3A_87 = arith.addi %add3A_68, %add3A_86 : i32
        %dma_start3A_88 = arith.constant 0 : i32
        %dma_start3A_89 = arith.constant 0 : i32
        %dma_start3A_90 = arith.constant 0 : i32
        %dma_start3A_91 = tpu.memref_slice %arg10[%dma_start3A_88, %dma_start3A_89, %dma_start3A_90] : memref<2x128x128xf32, #tpu.memory_space<vmem>> -> memref<1x128x128xf32, #tpu.memory_space<vmem>>
        %dma_start3A_92 = tpu.memref_squeeze %dma_start3A_91 : memref<1x128x128xf32, #tpu.memory_space<vmem>> -> memref<128x128xf32, #tpu.memory_space<vmem>>
        %dma_start3A_93 = arith.constant 0 : i32
        %dma_start3A_94 = tpu.memref_slice %arg8[%add3A_87, %dma_start3A_93] : memref<40x128xi32, #tpu.memory_space<vmem>> -> memref<1x128xi32, #tpu.memory_space<vmem>>
        %dma_start3A_95 = tpu.memref_squeeze %dma_start3A_94 : memref<1x128xi32, #tpu.memory_space<vmem>> -> memref<128xi32, #tpu.memory_space<vmem>>
        %dma_start3A_96 = arith.constant 0 : i32
        %dma_start3A_97 = arith.constant 0 : i32
        %dma_start3A_98 = tpu.memref_slice %arg2[%dma_start3A_96, %dma_start3A_97] : memref<10000x128xf32, #tpu.memory_space<hbm>> -> memref<10000x128xf32, #tpu.memory_space<hbm>>
        tpu.enqueue_indirect_dma source(%dma_start3A_98 : memref<10000x128xf32, #tpu.memory_space<hbm>>) target(%dma_start3A_92 : memref<128x128xf32, #tpu.memory_space<vmem>>) offsets(%dma_start3A_95 : memref<128xi32, #tpu.memory_space<vmem>>) semaphore(%arg12 : memref<!tpu.dma_semaphore, #tpu.memory_space<semaphore_mem>>)
      } else {
      }
      %dma_wait3A_76 = arith.constant 1 : i32
      %dma_wait3A_77 = arith.constant 0 : i32
      %dma_wait3A_78 = arith.constant 0 : i32
      %dma_wait3A_79 = tpu.memref_slice %arg10[%dma_wait3A_76, %dma_wait3A_77, %dma_wait3A_78] : memref<2x128x128xf32, #tpu.memory_space<vmem>> -> memref<1x128x128xf32, #tpu.memory_space<vmem>>
      %dma_wait3A_80 = tpu.memref_squeeze %dma_wait3A_79 : memref<1x128x128xf32, #tpu.memory_space<vmem>> -> memref<128x128xf32, #tpu.memory_space<vmem>>
      %dma_wait3A_81 = arith.constant 0 : i32
      %dma_wait3A_82 = arith.constant 0 : i32
      %dma_wait3A_83 = tpu.memref_slice %arg10[%dma_wait3A_76, %dma_wait3A_81, %dma_wait3A_82] : memref<2x128x128xf32, #tpu.memory_space<vmem>> -> memref<1x128x128xf32, #tpu.memory_space<vmem>>
      %dma_wait3A_84 = tpu.memref_squeeze %dma_wait3A_83 : memref<1x128x128xf32, #tpu.memory_space<vmem>> -> memref<128x128xf32, #tpu.memory_space<vmem>>
      tpu.wait_dma2 semaphore(%arg13 : memref<!tpu.dma_semaphore, #tpu.memory_space<semaphore_mem>>) src(%arg6 : memref<128x128xf32, #tpu.memory_space<hbm>>) dst(%dma_wait3A_84 : memref<128x128xf32, #tpu.memory_space<vmem>>)
      %run_scoped3A_85 = arith.constant 1 : i32
      "tpu.region"() ({
        %run_scoped3A_86 = tpu.sem_alloc : memref<!tpu.dma_semaphore, #tpu.memory_space<semaphore_mem>>
        %dma_start3A_87 = arith.constant 0 : i32
        %dma_start3A_88 = arith.constant 0 : i32
        %dma_start3A_89 = tpu.memref_slice %arg10[%run_scoped3A_85, %dma_start3A_87, %dma_start3A_88] : memref<2x128x128xf32, #tpu.memory_space<vmem>> -> memref<1x128x128xf32, #tpu.memory_space<vmem>>
        %dma_start3A_90 = tpu.memref_squeeze %dma_start3A_89 : memref<1x128x128xf32, #tpu.memory_space<vmem>> -> memref<128x128xf32, #tpu.memory_space<vmem>>
        %dma_start3A_91 = arith.constant 0 : i32
        %dma_start3A_92 = tpu.memref_slice %arg9[%add3A_68, %dma_start3A_91] : memref<40x128xi32, #tpu.memory_space<vmem>> -> memref<1x128xi32, #tpu.memory_space<vmem>>
        %dma_start3A_93 = tpu.memref_squeeze %dma_start3A_92 : memref<1x128xi32, #tpu.memory_space<vmem>> -> memref<128xi32, #tpu.memory_space<vmem>>
        %dma_start3A_94 = arith.constant 0 : i32
        %dma_start3A_95 = arith.constant 0 : i32
        %dma_start3A_96 = tpu.memref_slice %arg11[%dma_start3A_94, %dma_start3A_95] : memref<10240x128xf32, #tpu.memory_space<vmem_shared>> -> memref<10240x128xf32, #tpu.memory_space<vmem_shared>>
        tpu.enqueue_indirect_dma source(%dma_start3A_90 : memref<128x128xf32, #tpu.memory_space<vmem>>) target(%dma_start3A_96 : memref<10240x128xf32, #tpu.memory_space<vmem_shared>>) offsets(%dma_start3A_93 : memref<128xi32, #tpu.memory_space<vmem>>) semaphore(%run_scoped3A_86 : memref<!tpu.dma_semaphore, #tpu.memory_space<semaphore_mem>>) {add = true}
        %dma_wait3A_97 = arith.constant 0 : i32
        %dma_wait3A_98 = arith.constant 0 : i32
        %dma_wait3A_99 = tpu.memref_slice %arg10[%run_scoped3A_85, %dma_wait3A_97, %dma_wait3A_98] : memref<2x128x128xf32, #tpu.memory_space<vmem>> -> memref<1x128x128xf32, #tpu.memory_space<vmem>>
        %dma_wait3A_100 = tpu.memref_squeeze %dma_wait3A_99 : memref<1x128x128xf32, #tpu.memory_space<vmem>> -> memref<128x128xf32, #tpu.memory_space<vmem>>
        %dma_wait3A_101 = arith.constant 0 : i32
        %dma_wait3A_102 = tpu.memref_slice %arg9[%add3A_68, %dma_wait3A_101] : memref<40x128xi32, #tpu.memory_space<vmem>> -> memref<1x128xi32, #tpu.memory_space<vmem>>
        %dma_wait3A_103 = tpu.memref_squeeze %dma_wait3A_102 : memref<1x128xi32, #tpu.memory_space<vmem>> -> memref<128xi32, #tpu.memory_space<vmem>>
        %dma_wait3A_104 = arith.constant 0 : i32
        %dma_wait3A_105 = arith.constant 0 : i32
        %dma_wait3A_106 = tpu.memref_slice %arg11[%dma_wait3A_104, %dma_wait3A_105] : memref<10240x128xf32, #tpu.memory_space<vmem_shared>> -> memref<10240x128xf32, #tpu.memory_space<vmem_shared>>
        tpu.wait_indirect_dma semaphore(%run_scoped3A_86 : memref<!tpu.dma_semaphore, #tpu.memory_space<semaphore_mem>>) src(%dma_wait3A_100 : memref<128x128xf32, #tpu.memory_space<vmem>>) dst(%dma_wait3A_106 : memref<10240x128xf32, #tpu.memory_space<vmem_shared>>)
        tpu.yield
      }) : () -> ()
    }
    %scan3A_23 = arith.constant 20 : i32
    %add3A_24 = arith.constant 40 : i32
    %add3A_25 = arith.addi %mul3A_2, %add3A_24 : i32
    "tpu.region"() ({
      %run_scoped3A = tpu.sem_alloc : memref<!tpu.dma_semaphore, #tpu.memory_space<semaphore_mem>>
      %dma_start3A_48 = arith.constant 0 : i32
      %dma_start3A_49 = tpu.memref_slice %arg3[%add3A_25, %dma_start3A_48] : memref<2560x128xi32, #tpu.memory_space<hbm>> -> memref<40x128xi32, #tpu.memory_space<hbm>>
      %dma_start3A_50 = arith.constant 0 : i32
      %dma_start3A_51 = tpu.memref_slice %arg3[%add3A_25, %dma_start3A_50] : memref<2560x128xi32, #tpu.memory_space<hbm>> -> memref<40x128xi32, #tpu.memory_space<hbm>>
      tpu.enqueue_dma source(%dma_start3A_51 : memref<40x128xi32, #tpu.memory_space<hbm>>) target(%arg8 : memref<40x128xi32, #tpu.memory_space<vmem>>) target_semaphore(%run_scoped3A : memref<!tpu.dma_semaphore, #tpu.memory_space<semaphore_mem>>)
      %dma_wait3A = arith.constant 0 : i32
      %dma_wait3A_52 = tpu.memref_slice %arg3[%add3A_25, %dma_wait3A] : memref<2560x128xi32, #tpu.memory_space<hbm>> -> memref<40x128xi32, #tpu.memory_space<hbm>>
      %dma_wait3A_53 = arith.constant 0 : i32
      %dma_wait3A_54 = tpu.memref_slice %arg3[%add3A_25, %dma_wait3A_53] : memref<2560x128xi32, #tpu.memory_space<hbm>> -> memref<40x128xi32, #tpu.memory_space<hbm>>
      tpu.wait_dma2 semaphore(%run_scoped3A : memref<!tpu.dma_semaphore, #tpu.memory_space<semaphore_mem>>) src(%dma_wait3A_54 : memref<40x128xi32, #tpu.memory_space<hbm>>) dst(%arg8 : memref<40x128xi32, #tpu.memory_space<vmem>>)
      tpu.yield
    }) : () -> ()
    %add3A_26 = arith.constant 40 : i32
    %add3A_27 = arith.addi %mul3A_2, %add3A_26 : i32
    "tpu.region"() ({
      %run_scoped3A = tpu.sem_alloc : memref<!tpu.dma_semaphore, #tpu.memory_space<semaphore_mem>>
      %dma_start3A_48 = arith.constant 0 : i32
      %dma_start3A_49 = tpu.memref_slice %arg4[%add3A_27, %dma_start3A_48] : memref<2560x128xi32, #tpu.memory_space<hbm>> -> memref<40x128xi32, #tpu.memory_space<hbm>>
      %dma_start3A_50 = arith.constant 0 : i32
      %dma_start3A_51 = tpu.memref_slice %arg4[%add3A_27, %dma_start3A_50] : memref<2560x128xi32, #tpu.memory_space<hbm>> -> memref<40x128xi32, #tpu.memory_space<hbm>>
      tpu.enqueue_dma source(%dma_start3A_51 : memref<40x128xi32, #tpu.memory_space<hbm>>) target(%arg9 : memref<40x128xi32, #tpu.memory_space<vmem>>) target_semaphore(%run_scoped3A : memref<!tpu.dma_semaphore, #tpu.memory_space<semaphore_mem>>)
      %dma_wait3A = arith.constant 0 : i32
      %dma_wait3A_52 = tpu.memref_slice %arg4[%add3A_27, %dma_wait3A] : memref<2560x128xi32, #tpu.memory_space<hbm>> -> memref<40x128xi32, #tpu.memory_space<hbm>>
      %dma_wait3A_53 = arith.constant 0 : i32
      %dma_wait3A_54 = tpu.memref_slice %arg4[%add3A_27, %dma_wait3A_53] : memref<2560x128xi32, #tpu.memory_space<hbm>> -> memref<40x128xi32, #tpu.memory_space<hbm>>
      tpu.wait_dma2 semaphore(%run_scoped3A : memref<!tpu.dma_semaphore, #tpu.memory_space<semaphore_mem>>) src(%dma_wait3A_54 : memref<40x128xi32, #tpu.memory_space<hbm>>) dst(%arg9 : memref<40x128xi32, #tpu.memory_space<vmem>>)
      tpu.yield
    }) : () -> ()
    %dma_start3A_28 = arith.constant 0 : i32
    %dma_start3A_29 = arith.constant 0 : i32
    %dma_start3A_30 = arith.constant 0 : i32
    %dma_start3A_31 = arith.constant 0 : i32
    %dma_start3A_32 = tpu.memref_slice %arg10[%dma_start3A_29, %dma_start3A_30, %dma_start3A_31] : memref<2x128x128xf32, #tpu.memory_space<vmem>> -> memref<1x128x128xf32, #tpu.memory_space<vmem>>
    %dma_start3A_33 = tpu.memref_squeeze %dma_start3A_32 : memref<1x128x128xf32, #tpu.memory_space<vmem>> -> memref<128x128xf32, #tpu.memory_space<vmem>>
    %dma_start3A_34 = arith.constant 0 : i32
    %dma_start3A_35 = tpu.memref_slice %arg8[%dma_start3A_28, %dma_start3A_34] : memref<40x128xi32, #tpu.memory_space<vmem>> -> memref<1x128xi32, #tpu.memory_space<vmem>>
    %dma_start3A_36 = tpu.memref_squeeze %dma_start3A_35 : memref<1x128xi32, #tpu.memory_space<vmem>> -> memref<128xi32, #tpu.memory_space<vmem>>
    %dma_start3A_37 = arith.constant 0 : i32
    %dma_start3A_38 = arith.constant 0 : i32
    %dma_start3A_39 = tpu.memref_slice %arg2[%dma_start3A_37, %dma_start3A_38] : memref<10000x128xf32, #tpu.memory_space<hbm>> -> memref<10000x128xf32, #tpu.memory_space<hbm>>
    tpu.enqueue_indirect_dma source(%dma_start3A_39 : memref<10000x128xf32, #tpu.memory_space<hbm>>) target(%dma_start3A_33 : memref<128x128xf32, #tpu.memory_space<vmem>>) offsets(%dma_start3A_36 : memref<128xi32, #tpu.memory_space<vmem>>) semaphore(%arg12 : memref<!tpu.dma_semaphore, #tpu.memory_space<semaphore_mem>>)
    %scan3A_40 = arith.constant 0 : i32
    %scan3A_41 = arith.constant 20 : i32
    %scan3A_42 = arith.addi %scan3A_40, %scan3A_41 : i32
    %scan3A_43 = arith.constant 1 : i32
    scf.for %scan3A_48 = %scan3A_40 to %scan3A_42 step %scan3A_43  : i32 {
      %mul3A_49 = arith.constant 2 : i32
      %mul3A_50 = arith.muli %scan3A_48, %mul3A_49 : i32
      %add3A_51 = arith.constant 0 : i32
      %add3A_52 = arith.addi %add3A_51, %mul3A_50 : i32
      %add3A_53 = arith.constant 0 : i32
      %add3A_54 = arith.addi %add3A_52, %add3A_53 : i32
      %add3A_55 = arith.constant 1 : i32
      %add3A_56 = arith.addi %add3A_54, %add3A_55 : i32
      %lt3A = arith.constant 40 : i32
      %lt3A_57 = arith.cmpi slt, %add3A_56, %lt3A : i32
      %convert_element_type3A = arith.extui %lt3A_57 : i1 to i32
      %cond3A = arith.constant 0 : i32
      %cond3A_58 = arith.cmpi ne, %convert_element_type3A, %cond3A : i32
      scf.if %cond3A_58 {
        %add3A_86 = arith.constant 1 : i32
        %add3A_87 = arith.addi %add3A_54, %add3A_86 : i32
        %dma_start3A_88 = arith.constant 1 : i32
        %dma_start3A_89 = arith.constant 0 : i32
        %dma_start3A_90 = arith.constant 0 : i32
        %dma_start3A_91 = tpu.memref_slice %arg10[%dma_start3A_88, %dma_start3A_89, %dma_start3A_90] : memref<2x128x128xf32, #tpu.memory_space<vmem>> -> memref<1x128x128xf32, #tpu.memory_space<vmem>>
        %dma_start3A_92 = tpu.memref_squeeze %dma_start3A_91 : memref<1x128x128xf32, #tpu.memory_space<vmem>> -> memref<128x128xf32, #tpu.memory_space<vmem>>
        %dma_start3A_93 = arith.constant 0 : i32
        %dma_start3A_94 = tpu.memref_slice %arg8[%add3A_87, %dma_start3A_93] : memref<40x128xi32, #tpu.memory_space<vmem>> -> memref<1x128xi32, #tpu.memory_space<vmem>>
        %dma_start3A_95 = tpu.memref_squeeze %dma_start3A_94 : memref<1x128xi32, #tpu.memory_space<vmem>> -> memref<128xi32, #tpu.memory_space<vmem>>
        %dma_start3A_96 = arith.constant 0 : i32
        %dma_start3A_97 = arith.constant 0 : i32
        %dma_start3A_98 = tpu.memref_slice %arg2[%dma_start3A_96, %dma_start3A_97] : memref<10000x128xf32, #tpu.memory_space<hbm>> -> memref<10000x128xf32, #tpu.memory_space<hbm>>
        tpu.enqueue_indirect_dma source(%dma_start3A_98 : memref<10000x128xf32, #tpu.memory_space<hbm>>) target(%dma_start3A_92 : memref<128x128xf32, #tpu.memory_space<vmem>>) offsets(%dma_start3A_95 : memref<128xi32, #tpu.memory_space<vmem>>) semaphore(%arg13 : memref<!tpu.dma_semaphore, #tpu.memory_space<semaphore_mem>>)
      } else {
      }
      %dma_wait3A = arith.constant 0 : i32
      %dma_wait3A_59 = arith.constant 0 : i32
      %dma_wait3A_60 = arith.constant 0 : i32
      %dma_wait3A_61 = tpu.memref_slice %arg10[%dma_wait3A, %dma_wait3A_59, %dma_wait3A_60] : memref<2x128x128xf32, #tpu.memory_space<vmem>> -> memref<1x128x128xf32, #tpu.memory_space<vmem>>
      %dma_wait3A_62 = tpu.memref_squeeze %dma_wait3A_61 : memref<1x128x128xf32, #tpu.memory_space<vmem>> -> memref<128x128xf32, #tpu.memory_space<vmem>>
      %dma_wait3A_63 = arith.constant 0 : i32
      %dma_wait3A_64 = arith.constant 0 : i32
      %dma_wait3A_65 = tpu.memref_slice %arg10[%dma_wait3A, %dma_wait3A_63, %dma_wait3A_64] : memref<2x128x128xf32, #tpu.memory_space<vmem>> -> memref<1x128x128xf32, #tpu.memory_space<vmem>>
      %dma_wait3A_66 = tpu.memref_squeeze %dma_wait3A_65 : memref<1x128x128xf32, #tpu.memory_space<vmem>> -> memref<128x128xf32, #tpu.memory_space<vmem>>
      tpu.wait_dma2 semaphore(%arg12 : memref<!tpu.dma_semaphore, #tpu.memory_space<semaphore_mem>>) src(%arg6 : memref<128x128xf32, #tpu.memory_space<hbm>>) dst(%dma_wait3A_66 : memref<128x128xf32, #tpu.memory_space<vmem>>)
      %run_scoped3A = arith.constant 0 : i32
      "tpu.region"() ({
        %run_scoped3A_86 = tpu.sem_alloc : memref<!tpu.dma_semaphore, #tpu.memory_space<semaphore_mem>>
        %dma_start3A_87 = arith.constant 0 : i32
        %dma_start3A_88 = arith.constant 0 : i32
        %dma_start3A_89 = tpu.memref_slice %arg10[%run_scoped3A, %dma_start3A_87, %dma_start3A_88] : memref<2x128x128xf32, #tpu.memory_space<vmem>> -> memref<1x128x128xf32, #tpu.memory_space<vmem>>
        %dma_start3A_90 = tpu.memref_squeeze %dma_start3A_89 : memref<1x128x128xf32, #tpu.memory_space<vmem>> -> memref<128x128xf32, #tpu.memory_space<vmem>>
        %dma_start3A_91 = arith.constant 0 : i32
        %dma_start3A_92 = tpu.memref_slice %arg9[%add3A_54, %dma_start3A_91] : memref<40x128xi32, #tpu.memory_space<vmem>> -> memref<1x128xi32, #tpu.memory_space<vmem>>
        %dma_start3A_93 = tpu.memref_squeeze %dma_start3A_92 : memref<1x128xi32, #tpu.memory_space<vmem>> -> memref<128xi32, #tpu.memory_space<vmem>>
        %dma_start3A_94 = arith.constant 0 : i32
        %dma_start3A_95 = arith.constant 0 : i32
        %dma_start3A_96 = tpu.memref_slice %arg11[%dma_start3A_94, %dma_start3A_95] : memref<10240x128xf32, #tpu.memory_space<vmem_shared>> -> memref<10240x128xf32, #tpu.memory_space<vmem_shared>>
        tpu.enqueue_indirect_dma source(%dma_start3A_90 : memref<128x128xf32, #tpu.memory_space<vmem>>) target(%dma_start3A_96 : memref<10240x128xf32, #tpu.memory_space<vmem_shared>>) offsets(%dma_start3A_93 : memref<128xi32, #tpu.memory_space<vmem>>) semaphore(%run_scoped3A_86 : memref<!tpu.dma_semaphore, #tpu.memory_space<semaphore_mem>>) {add = true}
        %dma_wait3A_97 = arith.constant 0 : i32
        %dma_wait3A_98 = arith.constant 0 : i32
        %dma_wait3A_99 = tpu.memref_slice %arg10[%run_scoped3A, %dma_wait3A_97, %dma_wait3A_98] : memref<2x128x128xf32, #tpu.memory_space<vmem>> -> memref<1x128x128xf32, #tpu.memory_space<vmem>>
        %dma_wait3A_100 = tpu.memref_squeeze %dma_wait3A_99 : memref<1x128x128xf32, #tpu.memory_space<vmem>> -> memref<128x128xf32, #tpu.memory_space<vmem>>
        %dma_wait3A_101 = arith.constant 0 : i32
        %dma_wait3A_102 = tpu.memref_slice %arg9[%add3A_54, %dma_wait3A_101] : memref<40x128xi32, #tpu.memory_space<vmem>> -> memref<1x128xi32, #tpu.memory_space<vmem>>
        %dma_wait3A_103 = tpu.memref_squeeze %dma_wait3A_102 : memref<1x128xi32, #tpu.memory_space<vmem>> -> memref<128xi32, #tpu.memory_space<vmem>>
        %dma_wait3A_104 = arith.constant 0 : i32
        %dma_wait3A_105 = arith.constant 0 : i32
        %dma_wait3A_106 = tpu.memref_slice %arg11[%dma_wait3A_104, %dma_wait3A_105] : memref<10240x128xf32, #tpu.memory_space<vmem_shared>> -> memref<10240x128xf32, #tpu.memory_space<vmem_shared>>
        tpu.wait_indirect_dma semaphore(%run_scoped3A_86 : memref<!tpu.dma_semaphore, #tpu.memory_space<semaphore_mem>>) src(%dma_wait3A_100 : memref<128x128xf32, #tpu.memory_space<vmem>>) dst(%dma_wait3A_106 : memref<10240x128xf32, #tpu.memory_space<vmem_shared>>)
        tpu.yield
      }) : () -> ()
      %add3A_67 = arith.constant 1 : i32
      %add3A_68 = arith.addi %add3A_52, %add3A_67 : i32
      %add3A_69 = arith.constant 1 : i32
      %add3A_70 = arith.addi %add3A_68, %add3A_69 : i32
      %lt3A_71 = arith.constant 40 : i32
      %lt3A_72 = arith.cmpi slt, %add3A_70, %lt3A_71 : i32
      %convert_element_type3A_73 = arith.extui %lt3A_72 : i1 to i32
      %cond3A_74 = arith.constant 0 : i32
      %cond3A_75 = arith.cmpi ne, %convert_element_type3A_73, %cond3A_74 : i32
      scf.if %cond3A_75 {
        %add3A_86 = arith.constant 1 : i32
        %add3A_87 = arith.addi %add3A_68, %add3A_86 : i32
        %dma_start3A_88 = arith.constant 0 : i32
        %dma_start3A_89 = arith.constant 0 : i32
        %dma_start3A_90 = arith.constant 0 : i32
        %dma_start3A_91 = tpu.memref_slice %arg10[%dma_start3A_88, %dma_start3A_89, %dma_start3A_90] : memref<2x128x128xf32, #tpu.memory_space<vmem>> -> memref<1x128x128xf32, #tpu.memory_space<vmem>>
        %dma_start3A_92 = tpu.memref_squeeze %dma_start3A_91 : memref<1x128x128xf32, #tpu.memory_space<vmem>> -> memref<128x128xf32, #tpu.memory_space<vmem>>
        %dma_start3A_93 = arith.constant 0 : i32
        %dma_start3A_94 = tpu.memref_slice %arg8[%add3A_87, %dma_start3A_93] : memref<40x128xi32, #tpu.memory_space<vmem>> -> memref<1x128xi32, #tpu.memory_space<vmem>>
        %dma_start3A_95 = tpu.memref_squeeze %dma_start3A_94 : memref<1x128xi32, #tpu.memory_space<vmem>> -> memref<128xi32, #tpu.memory_space<vmem>>
        %dma_start3A_96 = arith.constant 0 : i32
        %dma_start3A_97 = arith.constant 0 : i32
        %dma_start3A_98 = tpu.memref_slice %arg2[%dma_start3A_96, %dma_start3A_97] : memref<10000x128xf32, #tpu.memory_space<hbm>> -> memref<10000x128xf32, #tpu.memory_space<hbm>>
        tpu.enqueue_indirect_dma source(%dma_start3A_98 : memref<10000x128xf32, #tpu.memory_space<hbm>>) target(%dma_start3A_92 : memref<128x128xf32, #tpu.memory_space<vmem>>) offsets(%dma_start3A_95 : memref<128xi32, #tpu.memory_space<vmem>>) semaphore(%arg12 : memref<!tpu.dma_semaphore, #tpu.memory_space<semaphore_mem>>)
      } else {
      }
      %dma_wait3A_76 = arith.constant 1 : i32
      %dma_wait3A_77 = arith.constant 0 : i32
      %dma_wait3A_78 = arith.constant 0 : i32
      %dma_wait3A_79 = tpu.memref_slice %arg10[%dma_wait3A_76, %dma_wait3A_77, %dma_wait3A_78] : memref<2x128x128xf32, #tpu.memory_space<vmem>> -> memref<1x128x128xf32, #tpu.memory_space<vmem>>
      %dma_wait3A_80 = tpu.memref_squeeze %dma_wait3A_79 : memref<1x128x128xf32, #tpu.memory_space<vmem>> -> memref<128x128xf32, #tpu.memory_space<vmem>>
      %dma_wait3A_81 = arith.constant 0 : i32
      %dma_wait3A_82 = arith.constant 0 : i32
      %dma_wait3A_83 = tpu.memref_slice %arg10[%dma_wait3A_76, %dma_wait3A_81, %dma_wait3A_82] : memref<2x128x128xf32, #tpu.memory_space<vmem>> -> memref<1x128x128xf32, #tpu.memory_space<vmem>>
      %dma_wait3A_84 = tpu.memref_squeeze %dma_wait3A_83 : memref<1x128x128xf32, #tpu.memory_space<vmem>> -> memref<128x128xf32, #tpu.memory_space<vmem>>
      tpu.wait_dma2 semaphore(%arg13 : memref<!tpu.dma_semaphore, #tpu.memory_space<semaphore_mem>>) src(%arg6 : memref<128x128xf32, #tpu.memory_space<hbm>>) dst(%dma_wait3A_84 : memref<128x128xf32, #tpu.memory_space<vmem>>)
      %run_scoped3A_85 = arith.constant 1 : i32
      "tpu.region"() ({
        %run_scoped3A_86 = tpu.sem_alloc : memref<!tpu.dma_semaphore, #tpu.memory_space<semaphore_mem>>
        %dma_start3A_87 = arith.constant 0 : i32
        %dma_start3A_88 = arith.constant 0 : i32
        %dma_start3A_89 = tpu.memref_slice %arg10[%run_scoped3A_85, %dma_start3A_87, %dma_start3A_88] : memref<2x128x128xf32, #tpu.memory_space<vmem>> -> memref<1x128x128xf32, #tpu.memory_space<vmem>>
        %dma_start3A_90 = tpu.memref_squeeze %dma_start3A_89 : memref<1x128x128xf32, #tpu.memory_space<vmem>> -> memref<128x128xf32, #tpu.memory_space<vmem>>
        %dma_start3A_91 = arith.constant 0 : i32
        %dma_start3A_92 = tpu.memref_slice %arg9[%add3A_68, %dma_start3A_91] : memref<40x128xi32, #tpu.memory_space<vmem>> -> memref<1x128xi32, #tpu.memory_space<vmem>>
        %dma_start3A_93 = tpu.memref_squeeze %dma_start3A_92 : memref<1x128xi32, #tpu.memory_space<vmem>> -> memref<128xi32, #tpu.memory_space<vmem>>
        %dma_start3A_94 = arith.constant 0 : i32
        %dma_start3A_95 = arith.constant 0 : i32
        %dma_start3A_96 = tpu.memref_slice %arg11[%dma_start3A_94, %dma_start3A_95] : memref<10240x128xf32, #tpu.memory_space<vmem_shared>> -> memref<10240x128xf32, #tpu.memory_space<vmem_shared>>
        tpu.enqueue_indirect_dma source(%dma_start3A_90 : memref<128x128xf32, #tpu.memory_space<vmem>>) target(%dma_start3A_96 : memref<10240x128xf32, #tpu.memory_space<vmem_shared>>) offsets(%dma_start3A_93 : memref<128xi32, #tpu.memory_space<vmem>>) semaphore(%run_scoped3A_86 : memref<!tpu.dma_semaphore, #tpu.memory_space<semaphore_mem>>) {add = true}
        %dma_wait3A_97 = arith.constant 0 : i32
        %dma_wait3A_98 = arith.constant 0 : i32
        %dma_wait3A_99 = tpu.memref_slice %arg10[%run_scoped3A_85, %dma_wait3A_97, %dma_wait3A_98] : memref<2x128x128xf32, #tpu.memory_space<vmem>> -> memref<1x128x128xf32, #tpu.memory_space<vmem>>
        %dma_wait3A_100 = tpu.memref_squeeze %dma_wait3A_99 : memref<1x128x128xf32, #tpu.memory_space<vmem>> -> memref<128x128xf32, #tpu.memory_space<vmem>>
        %dma_wait3A_101 = arith.constant 0 : i32
        %dma_wait3A_102 = tpu.memref_slice %arg9[%add3A_68, %dma_wait3A_101] : memref<40x128xi32, #tpu.memory_space<vmem>> -> memref<1x128xi32, #tpu.memory_space<vmem>>
        %dma_wait3A_103 = tpu.memref_squeeze %dma_wait3A_102 : memref<1x128xi32, #tpu.memory_space<vmem>> -> memref<128xi32, #tpu.memory_space<vmem>>
        %dma_wait3A_104 = arith.constant 0 : i32
        %dma_wait3A_105 = arith.constant 0 : i32
        %dma_wait3A_106 = tpu.memref_slice %arg11[%dma_wait3A_104, %dma_wait3A_105] : memref<10240x128xf32, #tpu.memory_space<vmem_shared>> -> memref<10240x128xf32, #tpu.memory_space<vmem_shared>>
        tpu.wait_indirect_dma semaphore(%run_scoped3A_86 : memref<!tpu.dma_semaphore, #tpu.memory_space<semaphore_mem>>) src(%dma_wait3A_100 : memref<128x128xf32, #tpu.memory_space<vmem>>) dst(%dma_wait3A_106 : memref<10240x128xf32, #tpu.memory_space<vmem_shared>>)
        tpu.yield
      }) : () -> ()
    }
    %scan3A_44 = arith.constant 20 : i32
    %barrier3A_45 = arith.constant 0 : index
    tpu.barrier barrier_id(%barrier3A_45)
    %mul3A_46 = arith.constant 640 : i32
    %mul3A_47 = arith.muli %arg1, %mul3A_46 : i32
    "tpu.region"() ({
      %run_scoped3A = tpu.sem_alloc : memref<!tpu.dma_semaphore, #tpu.memory_space<semaphore_mem>>
      %dma_start3A_48 = arith.constant 0 : i32
      %dma_start3A_49 = tpu.memref_slice %arg7[%arg0, %mul3A_47, %dma_start3A_48] : memref<2x10240x128xf32, #tpu.memory_space<hbm>> -> memref<1x640x128xf32, #tpu.memory_space<hbm>>
      %dma_start3A_50 = tpu.memref_squeeze %dma_start3A_49 : memref<1x640x128xf32, #tpu.memory_space<hbm>> -> memref<640x128xf32, #tpu.memory_space<hbm>>
      %dma_start3A_51 = arith.constant 0 : i32
      %dma_start3A_52 = tpu.memref_slice %arg11[%mul3A_47, %dma_start3A_51] : memref<10240x128xf32, #tpu.memory_space<vmem_shared>> -> memref<640x128xf32, #tpu.memory_space<vmem_shared>>
      tpu.enqueue_dma source(%dma_start3A_52 : memref<640x128xf32, #tpu.memory_space<vmem_shared>>) target(%dma_start3A_50 : memref<640x128xf32, #tpu.memory_space<hbm>>) target_semaphore(%run_scoped3A : memref<!tpu.dma_semaphore, #tpu.memory_space<semaphore_mem>>)
      %dma_wait3A = arith.constant 0 : i32
      %dma_wait3A_53 = tpu.memref_slice %arg7[%arg0, %mul3A_47, %dma_wait3A] : memref<2x10240x128xf32, #tpu.memory_space<hbm>> -> memref<1x640x128xf32, #tpu.memory_space<hbm>>
      %dma_wait3A_54 = tpu.memref_squeeze %dma_wait3A_53 : memref<1x640x128xf32, #tpu.memory_space<hbm>> -> memref<640x128xf32, #tpu.memory_space<hbm>>
      %dma_wait3A_55 = arith.constant 0 : i32
      %dma_wait3A_56 = tpu.memref_slice %arg11[%mul3A_47, %dma_wait3A_55] : memref<10240x128xf32, #tpu.memory_space<vmem_shared>> -> memref<640x128xf32, #tpu.memory_space<vmem_shared>>
      tpu.wait_dma2 semaphore(%run_scoped3A : memref<!tpu.dma_semaphore, #tpu.memory_space<semaphore_mem>>) src(%dma_wait3A_56 : memref<640x128xf32, #tpu.memory_space<vmem_shared>>) dst(%dma_wait3A_54 : memref<640x128xf32, #tpu.memory_space<hbm>>)
      tpu.yield
    }) : () -> ()
    return
  }
}

#map = affine_map<(d0, d1) -> (0, 0)>
#map1 = affine_map<(d0, d1) -> (0, 0, 0)>
module attributes {stable_mosaic.version = 14 : i64} {
  func.func @_agg(%arg0: i32, %arg1: i32, %arg2: memref<10000x128xf32, #tpu.memory_space<hbm>>, %arg3: memref<2560x128xi32, #tpu.memory_space<hbm>>, %arg4: memref<2560x128xi32, #tpu.memory_space<hbm>>, %arg5: memref<640x128xf32, #tpu.memory_space<hbm>>, %arg6: memref<128x128xf32, #tpu.memory_space<hbm>>, %arg7: memref<2x10240x128xf32, #tpu.memory_space<hbm>>, %arg8: memref<40x128xi32, #tpu.memory_space<vmem>>, %arg9: memref<40x128xi32, #tpu.memory_space<vmem>>, %arg10: memref<2x128x128xf32, #tpu.memory_space<vmem>>, %arg11: memref<10240x128xf32, #tpu.memory_space<vmem_shared>>, %arg12: memref<!tpu.dma_semaphore, #tpu.memory_space<semaphore_mem>>, %arg13: memref<!tpu.dma_semaphore, #tpu.memory_space<semaphore_mem>>) attributes {dimension_semantics = [#tpu.dimension_semantics<core_parallel>, #tpu.dimension_semantics<subcore_parallel>], iteration_bounds = array<i64: 2, 16>, scalar_prefetch = 0 : i64, scratch_operands = 6 : i64, tpu.core_type = #tpu.core_type<sc_vector_subcore>, window_params = [{transform_indices = #map}, {transform_indices = #map}, {transform_indices = #map}, {transform_indices = #map}, {transform_indices = #map}, {transform_indices = #map1}]} {
    %mul3A = arith.constant 2 : i32
    %mul3A_0 = arith.muli %arg1, %mul3A : i32
    %add3A = arith.addi %mul3A_0, %arg0 : i32
    %mul3A_1 = arith.constant 80 : i32
    %mul3A_2 = arith.muli %add3A, %mul3A_1 : i32
    %mul3A_3 = arith.constant 640 : i32
    %mul3A_4 = arith.muli %arg1, %mul3A_3 : i32
    "tpu.region"() ({
      %run_scoped3A = tpu.sem_alloc : memref<!tpu.dma_semaphore, #tpu.memory_space<semaphore_mem>>
      %dma_start3A_48 = arith.constant 0 : i32
      %dma_start3A_49 = tpu.memref_slice %arg11[%mul3A_4, %dma_start3A_48] : memref<10240x128xf32, #tpu.memory_space<vmem_shared>> -> memref<640x128xf32, #tpu.memory_space<vmem_shared>>
      tpu.enqueue_dma source(%arg5 : memref<640x128xf32, #tpu.memory_space<hbm>>) target(%dma_start3A_49 : memref<640x128xf32, #tpu.memory_space<vmem_shared>>) target_semaphore(%run_scoped3A : memref<!tpu.dma_semaphore, #tpu.memory_space<semaphore_mem>>)
      %dma_wait3A = arith.constant 0 : i32
      %dma_wait3A_50 = tpu.memref_slice %arg11[%mul3A_4, %dma_wait3A] : memref<10240x128xf32, #tpu.memory_space<vmem_shared>> -> memref<640x128xf32, #tpu.memory_space<vmem_shared>>
      tpu.wait_dma2 semaphore(%run_scoped3A : memref<!tpu.dma_semaphore, #tpu.memory_space<semaphore_mem>>) src(%arg5 : memref<640x128xf32, #tpu.memory_space<hbm>>) dst(%dma_wait3A_50 : memref<640x128xf32, #tpu.memory_space<vmem_shared>>)
      tpu.yield
    }) : () -> ()
    %barrier3A = arith.constant 0 : index
    tpu.barrier barrier_id(%barrier3A)
    %add3A_5 = arith.constant 0 : i32
    %add3A_6 = arith.addi %mul3A_2, %add3A_5 : i32
    "tpu.region"() ({
      %run_scoped3A = tpu.sem_alloc : memref<!tpu.dma_semaphore, #tpu.memory_space<semaphore_mem>>
      %dma_start3A_48 = arith.constant 0 : i32
      %dma_start3A_49 = tpu.memref_slice %arg3[%add3A_6, %dma_start3A_48] : memref<2560x128xi32, #tpu.memory_space<hbm>> -> memref<40x128xi32, #tpu.memory_space<hbm>>
      %dma_start3A_50 = arith.constant 0 : i32
      %dma_start3A_51 = tpu.memref_slice %arg3[%add3A_6, %dma_start3A_50] : memref<2560x128xi32, #tpu.memory_space<hbm>> -> memref<40x128xi32, #tpu.memory_space<hbm>>
      tpu.enqueue_dma source(%dma_start3A_51 : memref<40x128xi32, #tpu.memory_space<hbm>>) target(%arg8 : memref<40x128xi32, #tpu.memory_space<vmem>>) target_semaphore(%run_scoped3A : memref<!tpu.dma_semaphore, #tpu.memory_space<semaphore_mem>>)
      %dma_wait3A = arith.constant 0 : i32
      %dma_wait3A_52 = tpu.memref_slice %arg3[%add3A_6, %dma_wait3A] : memref<2560x128xi32, #tpu.memory_space<hbm>> -> memref<40x128xi32, #tpu.memory_space<hbm>>
      %dma_wait3A_53 = arith.constant 0 : i32
      %dma_wait3A_54 = tpu.memref_slice %arg3[%add3A_6, %dma_wait3A_53] : memref<2560x128xi32, #tpu.memory_space<hbm>> -> memref<40x128xi32, #tpu.memory_space<hbm>>
      tpu.wait_dma2 semaphore(%run_scoped3A : memref<!tpu.dma_semaphore, #tpu.memory_space<semaphore_mem>>) src(%dma_wait3A_54 : memref<40x128xi32, #tpu.memory_space<hbm>>) dst(%arg8 : memref<40x128xi32, #tpu.memory_space<vmem>>)
      tpu.yield
    }) : () -> ()
    %add3A_7 = arith.constant 0 : i32
    %add3A_8 = arith.addi %mul3A_2, %add3A_7 : i32
    "tpu.region"() ({
      %run_scoped3A = tpu.sem_alloc : memref<!tpu.dma_semaphore, #tpu.memory_space<semaphore_mem>>
      %dma_start3A_48 = arith.constant 0 : i32
      %dma_start3A_49 = tpu.memref_slice %arg4[%add3A_8, %dma_start3A_48] : memref<2560x128xi32, #tpu.memory_space<hbm>> -> memref<40x128xi32, #tpu.memory_space<hbm>>
      %dma_start3A_50 = arith.constant 0 : i32
      %dma_start3A_51 = tpu.memref_slice %arg4[%add3A_8, %dma_start3A_50] : memref<2560x128xi32, #tpu.memory_space<hbm>> -> memref<40x128xi32, #tpu.memory_space<hbm>>
      tpu.enqueue_dma source(%dma_start3A_51 : memref<40x128xi32, #tpu.memory_space<hbm>>) target(%arg9 : memref<40x128xi32, #tpu.memory_space<vmem>>) target_semaphore(%run_scoped3A : memref<!tpu.dma_semaphore, #tpu.memory_space<semaphore_mem>>)
      %dma_wait3A = arith.constant 0 : i32
      %dma_wait3A_52 = tpu.memref_slice %arg4[%add3A_8, %dma_wait3A] : memref<2560x128xi32, #tpu.memory_space<hbm>> -> memref<40x128xi32, #tpu.memory_space<hbm>>
      %dma_wait3A_53 = arith.constant 0 : i32
      %dma_wait3A_54 = tpu.memref_slice %arg4[%add3A_8, %dma_wait3A_53] : memref<2560x128xi32, #tpu.memory_space<hbm>> -> memref<40x128xi32, #tpu.memory_space<hbm>>
      tpu.wait_dma2 semaphore(%run_scoped3A : memref<!tpu.dma_semaphore, #tpu.memory_space<semaphore_mem>>) src(%dma_wait3A_54 : memref<40x128xi32, #tpu.memory_space<hbm>>) dst(%arg9 : memref<40x128xi32, #tpu.memory_space<vmem>>)
      tpu.yield
    }) : () -> ()
    %dma_start3A = arith.constant 0 : i32
    %dma_start3A_9 = arith.constant 0 : i32
    %dma_start3A_10 = arith.constant 0 : i32
    %dma_start3A_11 = arith.constant 0 : i32
    %dma_start3A_12 = tpu.memref_slice %arg10[%dma_start3A_9, %dma_start3A_10, %dma_start3A_11] : memref<2x128x128xf32, #tpu.memory_space<vmem>> -> memref<1x128x128xf32, #tpu.memory_space<vmem>>
    %dma_start3A_13 = tpu.memref_squeeze %dma_start3A_12 : memref<1x128x128xf32, #tpu.memory_space<vmem>> -> memref<128x128xf32, #tpu.memory_space<vmem>>
    %dma_start3A_14 = arith.constant 0 : i32
    %dma_start3A_15 = tpu.memref_slice %arg8[%dma_start3A, %dma_start3A_14] : memref<40x128xi32, #tpu.memory_space<vmem>> -> memref<1x128xi32, #tpu.memory_space<vmem>>
    %dma_start3A_16 = tpu.memref_squeeze %dma_start3A_15 : memref<1x128xi32, #tpu.memory_space<vmem>> -> memref<128xi32, #tpu.memory_space<vmem>>
    %dma_start3A_17 = arith.constant 0 : i32
    %dma_start3A_18 = arith.constant 0 : i32
    %dma_start3A_19 = tpu.memref_slice %arg2[%dma_start3A_17, %dma_start3A_18] : memref<10000x128xf32, #tpu.memory_space<hbm>> -> memref<10000x128xf32, #tpu.memory_space<hbm>>
    tpu.enqueue_indirect_dma source(%dma_start3A_19 : memref<10000x128xf32, #tpu.memory_space<hbm>>) target(%dma_start3A_13 : memref<128x128xf32, #tpu.memory_space<vmem>>) offsets(%dma_start3A_16 : memref<128xi32, #tpu.memory_space<vmem>>) semaphore(%arg12 : memref<!tpu.dma_semaphore, #tpu.memory_space<semaphore_mem>>)
    %scan3A = arith.constant 0 : i32
    %scan3A_20 = arith.constant 20 : i32
    %scan3A_21 = arith.addi %scan3A, %scan3A_20 : i32
    %scan3A_22 = arith.constant 1 : i32
    scf.for %scan3A_48 = %scan3A to %scan3A_21 step %scan3A_22  : i32 {
      %mul3A_49 = arith.constant 2 : i32
      %mul3A_50 = arith.muli %scan3A_48, %mul3A_49 : i32
      %add3A_51 = arith.constant 0 : i32
      %add3A_52 = arith.addi %add3A_51, %mul3A_50 : i32
      %add3A_53 = arith.constant 0 : i32
      %add3A_54 = arith.addi %add3A_52, %add3A_53 : i32
      %add3A_55 = arith.constant 1 : i32
      %add3A_56 = arith.addi %add3A_54, %add3A_55 : i32
      %lt3A = arith.constant 40 : i32
      %lt3A_57 = arith.cmpi slt, %add3A_56, %lt3A : i32
      %convert_element_type3A = arith.extui %lt3A_57 : i1 to i32
      %cond3A = arith.constant 0 : i32
      %cond3A_58 = arith.cmpi ne, %convert_element_type3A, %cond3A : i32
      scf.if %cond3A_58 {
        %add3A_86 = arith.constant 1 : i32
        %add3A_87 = arith.addi %add3A_54, %add3A_86 : i32
        %dma_start3A_88 = arith.constant 1 : i32
        %dma_start3A_89 = arith.constant 0 : i32
        %dma_start3A_90 = arith.constant 0 : i32
        %dma_start3A_91 = tpu.memref_slice %arg10[%dma_start3A_88, %dma_start3A_89, %dma_start3A_90] : memref<2x128x128xf32, #tpu.memory_space<vmem>> -> memref<1x128x128xf32, #tpu.memory_space<vmem>>
        %dma_start3A_92 = tpu.memref_squeeze %dma_start3A_91 : memref<1x128x128xf32, #tpu.memory_space<vmem>> -> memref<128x128xf32, #tpu.memory_space<vmem>>
        %dma_start3A_93 = arith.constant 0 : i32
        %dma_start3A_94 = tpu.memref_slice %arg8[%add3A_87, %dma_start3A_93] : memref<40x128xi32, #tpu.memory_space<vmem>> -> memref<1x128xi32, #tpu.memory_space<vmem>>
        %dma_start3A_95 = tpu.memref_squeeze %dma_start3A_94 : memref<1x128xi32, #tpu.memory_space<vmem>> -> memref<128xi32, #tpu.memory_space<vmem>>
        %dma_start3A_96 = arith.constant 0 : i32
        %dma_start3A_97 = arith.constant 0 : i32
        %dma_start3A_98 = tpu.memref_slice %arg2[%dma_start3A_96, %dma_start3A_97] : memref<10000x128xf32, #tpu.memory_space<hbm>> -> memref<10000x128xf32, #tpu.memory_space<hbm>>
        tpu.enqueue_indirect_dma source(%dma_start3A_98 : memref<10000x128xf32, #tpu.memory_space<hbm>>) target(%dma_start3A_92 : memref<128x128xf32, #tpu.memory_space<vmem>>) offsets(%dma_start3A_95 : memref<128xi32, #tpu.memory_space<vmem>>) semaphore(%arg13 : memref<!tpu.dma_semaphore, #tpu.memory_space<semaphore_mem>>)
      } else {
      }
      %dma_wait3A = arith.constant 0 : i32
      %dma_wait3A_59 = arith.constant 0 : i32
      %dma_wait3A_60 = arith.constant 0 : i32
      %dma_wait3A_61 = tpu.memref_slice %arg10[%dma_wait3A, %dma_wait3A_59, %dma_wait3A_60] : memref<2x128x128xf32, #tpu.memory_space<vmem>> -> memref<1x128x128xf32, #tpu.memory_space<vmem>>
      %dma_wait3A_62 = tpu.memref_squeeze %dma_wait3A_61 : memref<1x128x128xf32, #tpu.memory_space<vmem>> -> memref<128x128xf32, #tpu.memory_space<vmem>>
      %dma_wait3A_63 = arith.constant 0 : i32
      %dma_wait3A_64 = arith.constant 0 : i32
      %dma_wait3A_65 = tpu.memref_slice %arg10[%dma_wait3A, %dma_wait3A_63, %dma_wait3A_64] : memref<2x128x128xf32, #tpu.memory_space<vmem>> -> memref<1x128x128xf32, #tpu.memory_space<vmem>>
      %dma_wait3A_66 = tpu.memref_squeeze %dma_wait3A_65 : memref<1x128x128xf32, #tpu.memory_space<vmem>> -> memref<128x128xf32, #tpu.memory_space<vmem>>
      tpu.wait_dma2 semaphore(%arg12 : memref<!tpu.dma_semaphore, #tpu.memory_space<semaphore_mem>>) src(%arg6 : memref<128x128xf32, #tpu.memory_space<hbm>>) dst(%dma_wait3A_66 : memref<128x128xf32, #tpu.memory_space<vmem>>)
      %run_scoped3A = arith.constant 0 : i32
      "tpu.region"() ({
        %run_scoped3A_86 = tpu.sem_alloc : memref<!tpu.dma_semaphore, #tpu.memory_space<semaphore_mem>>
        %dma_start3A_87 = arith.constant 0 : i32
        %dma_start3A_88 = arith.constant 0 : i32
        %dma_start3A_89 = tpu.memref_slice %arg10[%run_scoped3A, %dma_start3A_87, %dma_start3A_88] : memref<2x128x128xf32, #tpu.memory_space<vmem>> -> memref<1x128x128xf32, #tpu.memory_space<vmem>>
        %dma_start3A_90 = tpu.memref_squeeze %dma_start3A_89 : memref<1x128x128xf32, #tpu.memory_space<vmem>> -> memref<128x128xf32, #tpu.memory_space<vmem>>
        %dma_start3A_91 = arith.constant 0 : i32
        %dma_start3A_92 = tpu.memref_slice %arg9[%add3A_54, %dma_start3A_91] : memref<40x128xi32, #tpu.memory_space<vmem>> -> memref<1x128xi32, #tpu.memory_space<vmem>>
        %dma_start3A_93 = tpu.memref_squeeze %dma_start3A_92 : memref<1x128xi32, #tpu.memory_space<vmem>> -> memref<128xi32, #tpu.memory_space<vmem>>
        %dma_start3A_94 = arith.constant 0 : i32
        %dma_start3A_95 = arith.constant 0 : i32
        %dma_start3A_96 = tpu.memref_slice %arg11[%dma_start3A_94, %dma_start3A_95] : memref<10240x128xf32, #tpu.memory_space<vmem_shared>> -> memref<10240x128xf32, #tpu.memory_space<vmem_shared>>
        tpu.enqueue_indirect_dma source(%dma_start3A_90 : memref<128x128xf32, #tpu.memory_space<vmem>>) target(%dma_start3A_96 : memref<10240x128xf32, #tpu.memory_space<vmem_shared>>) offsets(%dma_start3A_93 : memref<128xi32, #tpu.memory_space<vmem>>) semaphore(%run_scoped3A_86 : memref<!tpu.dma_semaphore, #tpu.memory_space<semaphore_mem>>) {add = true}
        %dma_wait3A_97 = arith.constant 0 : i32
        %dma_wait3A_98 = arith.constant 0 : i32
        %dma_wait3A_99 = tpu.memref_slice %arg10[%run_scoped3A, %dma_wait3A_97, %dma_wait3A_98] : memref<2x128x128xf32, #tpu.memory_space<vmem>> -> memref<1x128x128xf32, #tpu.memory_space<vmem>>
        %dma_wait3A_100 = tpu.memref_squeeze %dma_wait3A_99 : memref<1x128x128xf32, #tpu.memory_space<vmem>> -> memref<128x128xf32, #tpu.memory_space<vmem>>
        %dma_wait3A_101 = arith.constant 0 : i32
        %dma_wait3A_102 = tpu.memref_slice %arg9[%add3A_54, %dma_wait3A_101] : memref<40x128xi32, #tpu.memory_space<vmem>> -> memref<1x128xi32, #tpu.memory_space<vmem>>
        %dma_wait3A_103 = tpu.memref_squeeze %dma_wait3A_102 : memref<1x128xi32, #tpu.memory_space<vmem>> -> memref<128xi32, #tpu.memory_space<vmem>>
        %dma_wait3A_104 = arith.constant 0 : i32
        %dma_wait3A_105 = arith.constant 0 : i32
        %dma_wait3A_106 = tpu.memref_slice %arg11[%dma_wait3A_104, %dma_wait3A_105] : memref<10240x128xf32, #tpu.memory_space<vmem_shared>> -> memref<10240x128xf32, #tpu.memory_space<vmem_shared>>
        tpu.wait_indirect_dma semaphore(%run_scoped3A_86 : memref<!tpu.dma_semaphore, #tpu.memory_space<semaphore_mem>>) src(%dma_wait3A_100 : memref<128x128xf32, #tpu.memory_space<vmem>>) dst(%dma_wait3A_106 : memref<10240x128xf32, #tpu.memory_space<vmem_shared>>)
        tpu.yield
      }) : () -> ()
      %add3A_67 = arith.constant 1 : i32
      %add3A_68 = arith.addi %add3A_52, %add3A_67 : i32
      %add3A_69 = arith.constant 1 : i32
      %add3A_70 = arith.addi %add3A_68, %add3A_69 : i32
      %lt3A_71 = arith.constant 40 : i32
      %lt3A_72 = arith.cmpi slt, %add3A_70, %lt3A_71 : i32
      %convert_element_type3A_73 = arith.extui %lt3A_72 : i1 to i32
      %cond3A_74 = arith.constant 0 : i32
      %cond3A_75 = arith.cmpi ne, %convert_element_type3A_73, %cond3A_74 : i32
      scf.if %cond3A_75 {
        %add3A_86 = arith.constant 1 : i32
        %add3A_87 = arith.addi %add3A_68, %add3A_86 : i32
        %dma_start3A_88 = arith.constant 0 : i32
        %dma_start3A_89 = arith.constant 0 : i32
        %dma_start3A_90 = arith.constant 0 : i32
        %dma_start3A_91 = tpu.memref_slice %arg10[%dma_start3A_88, %dma_start3A_89, %dma_start3A_90] : memref<2x128x128xf32, #tpu.memory_space<vmem>> -> memref<1x128x128xf32, #tpu.memory_space<vmem>>
        %dma_start3A_92 = tpu.memref_squeeze %dma_start3A_91 : memref<1x128x128xf32, #tpu.memory_space<vmem>> -> memref<128x128xf32, #tpu.memory_space<vmem>>
        %dma_start3A_93 = arith.constant 0 : i32
        %dma_start3A_94 = tpu.memref_slice %arg8[%add3A_87, %dma_start3A_93] : memref<40x128xi32, #tpu.memory_space<vmem>> -> memref<1x128xi32, #tpu.memory_space<vmem>>
        %dma_start3A_95 = tpu.memref_squeeze %dma_start3A_94 : memref<1x128xi32, #tpu.memory_space<vmem>> -> memref<128xi32, #tpu.memory_space<vmem>>
        %dma_start3A_96 = arith.constant 0 : i32
        %dma_start3A_97 = arith.constant 0 : i32
        %dma_start3A_98 = tpu.memref_slice %arg2[%dma_start3A_96, %dma_start3A_97] : memref<10000x128xf32, #tpu.memory_space<hbm>> -> memref<10000x128xf32, #tpu.memory_space<hbm>>
        tpu.enqueue_indirect_dma source(%dma_start3A_98 : memref<10000x128xf32, #tpu.memory_space<hbm>>) target(%dma_start3A_92 : memref<128x128xf32, #tpu.memory_space<vmem>>) offsets(%dma_start3A_95 : memref<128xi32, #tpu.memory_space<vmem>>) semaphore(%arg12 : memref<!tpu.dma_semaphore, #tpu.memory_space<semaphore_mem>>)
      } else {
      }
      %dma_wait3A_76 = arith.constant 1 : i32
      %dma_wait3A_77 = arith.constant 0 : i32
      %dma_wait3A_78 = arith.constant 0 : i32
      %dma_wait3A_79 = tpu.memref_slice %arg10[%dma_wait3A_76, %dma_wait3A_77, %dma_wait3A_78] : memref<2x128x128xf32, #tpu.memory_space<vmem>> -> memref<1x128x128xf32, #tpu.memory_space<vmem>>
      %dma_wait3A_80 = tpu.memref_squeeze %dma_wait3A_79 : memref<1x128x128xf32, #tpu.memory_space<vmem>> -> memref<128x128xf32, #tpu.memory_space<vmem>>
      %dma_wait3A_81 = arith.constant 0 : i32
      %dma_wait3A_82 = arith.constant 0 : i32
      %dma_wait3A_83 = tpu.memref_slice %arg10[%dma_wait3A_76, %dma_wait3A_81, %dma_wait3A_82] : memref<2x128x128xf32, #tpu.memory_space<vmem>> -> memref<1x128x128xf32, #tpu.memory_space<vmem>>
      %dma_wait3A_84 = tpu.memref_squeeze %dma_wait3A_83 : memref<1x128x128xf32, #tpu.memory_space<vmem>> -> memref<128x128xf32, #tpu.memory_space<vmem>>
      tpu.wait_dma2 semaphore(%arg13 : memref<!tpu.dma_semaphore, #tpu.memory_space<semaphore_mem>>) src(%arg6 : memref<128x128xf32, #tpu.memory_space<hbm>>) dst(%dma_wait3A_84 : memref<128x128xf32, #tpu.memory_space<vmem>>)
      %run_scoped3A_85 = arith.constant 1 : i32
      "tpu.region"() ({
        %run_scoped3A_86 = tpu.sem_alloc : memref<!tpu.dma_semaphore, #tpu.memory_space<semaphore_mem>>
        %dma_start3A_87 = arith.constant 0 : i32
        %dma_start3A_88 = arith.constant 0 : i32
        %dma_start3A_89 = tpu.memref_slice %arg10[%run_scoped3A_85, %dma_start3A_87, %dma_start3A_88] : memref<2x128x128xf32, #tpu.memory_space<vmem>> -> memref<1x128x128xf32, #tpu.memory_space<vmem>>
        %dma_start3A_90 = tpu.memref_squeeze %dma_start3A_89 : memref<1x128x128xf32, #tpu.memory_space<vmem>> -> memref<128x128xf32, #tpu.memory_space<vmem>>
        %dma_start3A_91 = arith.constant 0 : i32
        %dma_start3A_92 = tpu.memref_slice %arg9[%add3A_68, %dma_start3A_91] : memref<40x128xi32, #tpu.memory_space<vmem>> -> memref<1x128xi32, #tpu.memory_space<vmem>>
        %dma_start3A_93 = tpu.memref_squeeze %dma_start3A_92 : memref<1x128xi32, #tpu.memory_space<vmem>> -> memref<128xi32, #tpu.memory_space<vmem>>
        %dma_start3A_94 = arith.constant 0 : i32
        %dma_start3A_95 = arith.constant 0 : i32
        %dma_start3A_96 = tpu.memref_slice %arg11[%dma_start3A_94, %dma_start3A_95] : memref<10240x128xf32, #tpu.memory_space<vmem_shared>> -> memref<10240x128xf32, #tpu.memory_space<vmem_shared>>
        tpu.enqueue_indirect_dma source(%dma_start3A_90 : memref<128x128xf32, #tpu.memory_space<vmem>>) target(%dma_start3A_96 : memref<10240x128xf32, #tpu.memory_space<vmem_shared>>) offsets(%dma_start3A_93 : memref<128xi32, #tpu.memory_space<vmem>>) semaphore(%run_scoped3A_86 : memref<!tpu.dma_semaphore, #tpu.memory_space<semaphore_mem>>) {add = true}
        %dma_wait3A_97 = arith.constant 0 : i32
        %dma_wait3A_98 = arith.constant 0 : i32
        %dma_wait3A_99 = tpu.memref_slice %arg10[%run_scoped3A_85, %dma_wait3A_97, %dma_wait3A_98] : memref<2x128x128xf32, #tpu.memory_space<vmem>> -> memref<1x128x128xf32, #tpu.memory_space<vmem>>
        %dma_wait3A_100 = tpu.memref_squeeze %dma_wait3A_99 : memref<1x128x128xf32, #tpu.memory_space<vmem>> -> memref<128x128xf32, #tpu.memory_space<vmem>>
        %dma_wait3A_101 = arith.constant 0 : i32
        %dma_wait3A_102 = tpu.memref_slice %arg9[%add3A_68, %dma_wait3A_101] : memref<40x128xi32, #tpu.memory_space<vmem>> -> memref<1x128xi32, #tpu.memory_space<vmem>>
        %dma_wait3A_103 = tpu.memref_squeeze %dma_wait3A_102 : memref<1x128xi32, #tpu.memory_space<vmem>> -> memref<128xi32, #tpu.memory_space<vmem>>
        %dma_wait3A_104 = arith.constant 0 : i32
        %dma_wait3A_105 = arith.constant 0 : i32
        %dma_wait3A_106 = tpu.memref_slice %arg11[%dma_wait3A_104, %dma_wait3A_105] : memref<10240x128xf32, #tpu.memory_space<vmem_shared>> -> memref<10240x128xf32, #tpu.memory_space<vmem_shared>>
        tpu.wait_indirect_dma semaphore(%run_scoped3A_86 : memref<!tpu.dma_semaphore, #tpu.memory_space<semaphore_mem>>) src(%dma_wait3A_100 : memref<128x128xf32, #tpu.memory_space<vmem>>) dst(%dma_wait3A_106 : memref<10240x128xf32, #tpu.memory_space<vmem_shared>>)
        tpu.yield
      }) : () -> ()
    }
    %scan3A_23 = arith.constant 20 : i32
    %add3A_24 = arith.constant 40 : i32
    %add3A_25 = arith.addi %mul3A_2, %add3A_24 : i32
    "tpu.region"() ({
      %run_scoped3A = tpu.sem_alloc : memref<!tpu.dma_semaphore, #tpu.memory_space<semaphore_mem>>
      %dma_start3A_48 = arith.constant 0 : i32
      %dma_start3A_49 = tpu.memref_slice %arg3[%add3A_25, %dma_start3A_48] : memref<2560x128xi32, #tpu.memory_space<hbm>> -> memref<40x128xi32, #tpu.memory_space<hbm>>
      %dma_start3A_50 = arith.constant 0 : i32
      %dma_start3A_51 = tpu.memref_slice %arg3[%add3A_25, %dma_start3A_50] : memref<2560x128xi32, #tpu.memory_space<hbm>> -> memref<40x128xi32, #tpu.memory_space<hbm>>
      tpu.enqueue_dma source(%dma_start3A_51 : memref<40x128xi32, #tpu.memory_space<hbm>>) target(%arg8 : memref<40x128xi32, #tpu.memory_space<vmem>>) target_semaphore(%run_scoped3A : memref<!tpu.dma_semaphore, #tpu.memory_space<semaphore_mem>>)
      %dma_wait3A = arith.constant 0 : i32
      %dma_wait3A_52 = tpu.memref_slice %arg3[%add3A_25, %dma_wait3A] : memref<2560x128xi32, #tpu.memory_space<hbm>> -> memref<40x128xi32, #tpu.memory_space<hbm>>
      %dma_wait3A_53 = arith.constant 0 : i32
      %dma_wait3A_54 = tpu.memref_slice %arg3[%add3A_25, %dma_wait3A_53] : memref<2560x128xi32, #tpu.memory_space<hbm>> -> memref<40x128xi32, #tpu.memory_space<hbm>>
      tpu.wait_dma2 semaphore(%run_scoped3A : memref<!tpu.dma_semaphore, #tpu.memory_space<semaphore_mem>>) src(%dma_wait3A_54 : memref<40x128xi32, #tpu.memory_space<hbm>>) dst(%arg8 : memref<40x128xi32, #tpu.memory_space<vmem>>)
      tpu.yield
    }) : () -> ()
    %add3A_26 = arith.constant 40 : i32
    %add3A_27 = arith.addi %mul3A_2, %add3A_26 : i32
    "tpu.region"() ({
      %run_scoped3A = tpu.sem_alloc : memref<!tpu.dma_semaphore, #tpu.memory_space<semaphore_mem>>
      %dma_start3A_48 = arith.constant 0 : i32
      %dma_start3A_49 = tpu.memref_slice %arg4[%add3A_27, %dma_start3A_48] : memref<2560x128xi32, #tpu.memory_space<hbm>> -> memref<40x128xi32, #tpu.memory_space<hbm>>
      %dma_start3A_50 = arith.constant 0 : i32
      %dma_start3A_51 = tpu.memref_slice %arg4[%add3A_27, %dma_start3A_50] : memref<2560x128xi32, #tpu.memory_space<hbm>> -> memref<40x128xi32, #tpu.memory_space<hbm>>
      tpu.enqueue_dma source(%dma_start3A_51 : memref<40x128xi32, #tpu.memory_space<hbm>>) target(%arg9 : memref<40x128xi32, #tpu.memory_space<vmem>>) target_semaphore(%run_scoped3A : memref<!tpu.dma_semaphore, #tpu.memory_space<semaphore_mem>>)
      %dma_wait3A = arith.constant 0 : i32
      %dma_wait3A_52 = tpu.memref_slice %arg4[%add3A_27, %dma_wait3A] : memref<2560x128xi32, #tpu.memory_space<hbm>> -> memref<40x128xi32, #tpu.memory_space<hbm>>
      %dma_wait3A_53 = arith.constant 0 : i32
      %dma_wait3A_54 = tpu.memref_slice %arg4[%add3A_27, %dma_wait3A_53] : memref<2560x128xi32, #tpu.memory_space<hbm>> -> memref<40x128xi32, #tpu.memory_space<hbm>>
      tpu.wait_dma2 semaphore(%run_scoped3A : memref<!tpu.dma_semaphore, #tpu.memory_space<semaphore_mem>>) src(%dma_wait3A_54 : memref<40x128xi32, #tpu.memory_space<hbm>>) dst(%arg9 : memref<40x128xi32, #tpu.memory_space<vmem>>)
      tpu.yield
    }) : () -> ()
    %dma_start3A_28 = arith.constant 0 : i32
    %dma_start3A_29 = arith.constant 0 : i32
    %dma_start3A_30 = arith.constant 0 : i32
    %dma_start3A_31 = arith.constant 0 : i32
    %dma_start3A_32 = tpu.memref_slice %arg10[%dma_start3A_29, %dma_start3A_30, %dma_start3A_31] : memref<2x128x128xf32, #tpu.memory_space<vmem>> -> memref<1x128x128xf32, #tpu.memory_space<vmem>>
    %dma_start3A_33 = tpu.memref_squeeze %dma_start3A_32 : memref<1x128x128xf32, #tpu.memory_space<vmem>> -> memref<128x128xf32, #tpu.memory_space<vmem>>
    %dma_start3A_34 = arith.constant 0 : i32
    %dma_start3A_35 = tpu.memref_slice %arg8[%dma_start3A_28, %dma_start3A_34] : memref<40x128xi32, #tpu.memory_space<vmem>> -> memref<1x128xi32, #tpu.memory_space<vmem>>
    %dma_start3A_36 = tpu.memref_squeeze %dma_start3A_35 : memref<1x128xi32, #tpu.memory_space<vmem>> -> memref<128xi32, #tpu.memory_space<vmem>>
    %dma_start3A_37 = arith.constant 0 : i32
    %dma_start3A_38 = arith.constant 0 : i32
    %dma_start3A_39 = tpu.memref_slice %arg2[%dma_start3A_37, %dma_start3A_38] : memref<10000x128xf32, #tpu.memory_space<hbm>> -> memref<10000x128xf32, #tpu.memory_space<hbm>>
    tpu.enqueue_indirect_dma source(%dma_start3A_39 : memref<10000x128xf32, #tpu.memory_space<hbm>>) target(%dma_start3A_33 : memref<128x128xf32, #tpu.memory_space<vmem>>) offsets(%dma_start3A_36 : memref<128xi32, #tpu.memory_space<vmem>>) semaphore(%arg12 : memref<!tpu.dma_semaphore, #tpu.memory_space<semaphore_mem>>)
    %scan3A_40 = arith.constant 0 : i32
    %scan3A_41 = arith.constant 20 : i32
    %scan3A_42 = arith.addi %scan3A_40, %scan3A_41 : i32
    %scan3A_43 = arith.constant 1 : i32
    scf.for %scan3A_48 = %scan3A_40 to %scan3A_42 step %scan3A_43  : i32 {
      %mul3A_49 = arith.constant 2 : i32
      %mul3A_50 = arith.muli %scan3A_48, %mul3A_49 : i32
      %add3A_51 = arith.constant 0 : i32
      %add3A_52 = arith.addi %add3A_51, %mul3A_50 : i32
      %add3A_53 = arith.constant 0 : i32
      %add3A_54 = arith.addi %add3A_52, %add3A_53 : i32
      %add3A_55 = arith.constant 1 : i32
      %add3A_56 = arith.addi %add3A_54, %add3A_55 : i32
      %lt3A = arith.constant 40 : i32
      %lt3A_57 = arith.cmpi slt, %add3A_56, %lt3A : i32
      %convert_element_type3A = arith.extui %lt3A_57 : i1 to i32
      %cond3A = arith.constant 0 : i32
      %cond3A_58 = arith.cmpi ne, %convert_element_type3A, %cond3A : i32
      scf.if %cond3A_58 {
        %add3A_86 = arith.constant 1 : i32
        %add3A_87 = arith.addi %add3A_54, %add3A_86 : i32
        %dma_start3A_88 = arith.constant 1 : i32
        %dma_start3A_89 = arith.constant 0 : i32
        %dma_start3A_90 = arith.constant 0 : i32
        %dma_start3A_91 = tpu.memref_slice %arg10[%dma_start3A_88, %dma_start3A_89, %dma_start3A_90] : memref<2x128x128xf32, #tpu.memory_space<vmem>> -> memref<1x128x128xf32, #tpu.memory_space<vmem>>
        %dma_start3A_92 = tpu.memref_squeeze %dma_start3A_91 : memref<1x128x128xf32, #tpu.memory_space<vmem>> -> memref<128x128xf32, #tpu.memory_space<vmem>>
        %dma_start3A_93 = arith.constant 0 : i32
        %dma_start3A_94 = tpu.memref_slice %arg8[%add3A_87, %dma_start3A_93] : memref<40x128xi32, #tpu.memory_space<vmem>> -> memref<1x128xi32, #tpu.memory_space<vmem>>
        %dma_start3A_95 = tpu.memref_squeeze %dma_start3A_94 : memref<1x128xi32, #tpu.memory_space<vmem>> -> memref<128xi32, #tpu.memory_space<vmem>>
        %dma_start3A_96 = arith.constant 0 : i32
        %dma_start3A_97 = arith.constant 0 : i32
        %dma_start3A_98 = tpu.memref_slice %arg2[%dma_start3A_96, %dma_start3A_97] : memref<10000x128xf32, #tpu.memory_space<hbm>> -> memref<10000x128xf32, #tpu.memory_space<hbm>>
        tpu.enqueue_indirect_dma source(%dma_start3A_98 : memref<10000x128xf32, #tpu.memory_space<hbm>>) target(%dma_start3A_92 : memref<128x128xf32, #tpu.memory_space<vmem>>) offsets(%dma_start3A_95 : memref<128xi32, #tpu.memory_space<vmem>>) semaphore(%arg13 : memref<!tpu.dma_semaphore, #tpu.memory_space<semaphore_mem>>)
      } else {
      }
      %dma_wait3A = arith.constant 0 : i32
      %dma_wait3A_59 = arith.constant 0 : i32
      %dma_wait3A_60 = arith.constant 0 : i32
      %dma_wait3A_61 = tpu.memref_slice %arg10[%dma_wait3A, %dma_wait3A_59, %dma_wait3A_60] : memref<2x128x128xf32, #tpu.memory_space<vmem>> -> memref<1x128x128xf32, #tpu.memory_space<vmem>>
      %dma_wait3A_62 = tpu.memref_squeeze %dma_wait3A_61 : memref<1x128x128xf32, #tpu.memory_space<vmem>> -> memref<128x128xf32, #tpu.memory_space<vmem>>
      %dma_wait3A_63 = arith.constant 0 : i32
      %dma_wait3A_64 = arith.constant 0 : i32
      %dma_wait3A_65 = tpu.memref_slice %arg10[%dma_wait3A, %dma_wait3A_63, %dma_wait3A_64] : memref<2x128x128xf32, #tpu.memory_space<vmem>> -> memref<1x128x128xf32, #tpu.memory_space<vmem>>
      %dma_wait3A_66 = tpu.memref_squeeze %dma_wait3A_65 : memref<1x128x128xf32, #tpu.memory_space<vmem>> -> memref<128x128xf32, #tpu.memory_space<vmem>>
      tpu.wait_dma2 semaphore(%arg12 : memref<!tpu.dma_semaphore, #tpu.memory_space<semaphore_mem>>) src(%arg6 : memref<128x128xf32, #tpu.memory_space<hbm>>) dst(%dma_wait3A_66 : memref<128x128xf32, #tpu.memory_space<vmem>>)
      %run_scoped3A = arith.constant 0 : i32
      "tpu.region"() ({
        %run_scoped3A_86 = tpu.sem_alloc : memref<!tpu.dma_semaphore, #tpu.memory_space<semaphore_mem>>
        %dma_start3A_87 = arith.constant 0 : i32
        %dma_start3A_88 = arith.constant 0 : i32
        %dma_start3A_89 = tpu.memref_slice %arg10[%run_scoped3A, %dma_start3A_87, %dma_start3A_88] : memref<2x128x128xf32, #tpu.memory_space<vmem>> -> memref<1x128x128xf32, #tpu.memory_space<vmem>>
        %dma_start3A_90 = tpu.memref_squeeze %dma_start3A_89 : memref<1x128x128xf32, #tpu.memory_space<vmem>> -> memref<128x128xf32, #tpu.memory_space<vmem>>
        %dma_start3A_91 = arith.constant 0 : i32
        %dma_start3A_92 = tpu.memref_slice %arg9[%add3A_54, %dma_start3A_91] : memref<40x128xi32, #tpu.memory_space<vmem>> -> memref<1x128xi32, #tpu.memory_space<vmem>>
        %dma_start3A_93 = tpu.memref_squeeze %dma_start3A_92 : memref<1x128xi32, #tpu.memory_space<vmem>> -> memref<128xi32, #tpu.memory_space<vmem>>
        %dma_start3A_94 = arith.constant 0 : i32
        %dma_start3A_95 = arith.constant 0 : i32
        %dma_start3A_96 = tpu.memref_slice %arg11[%dma_start3A_94, %dma_start3A_95] : memref<10240x128xf32, #tpu.memory_space<vmem_shared>> -> memref<10240x128xf32, #tpu.memory_space<vmem_shared>>
        tpu.enqueue_indirect_dma source(%dma_start3A_90 : memref<128x128xf32, #tpu.memory_space<vmem>>) target(%dma_start3A_96 : memref<10240x128xf32, #tpu.memory_space<vmem_shared>>) offsets(%dma_start3A_93 : memref<128xi32, #tpu.memory_space<vmem>>) semaphore(%run_scoped3A_86 : memref<!tpu.dma_semaphore, #tpu.memory_space<semaphore_mem>>) {add = true}
        %dma_wait3A_97 = arith.constant 0 : i32
        %dma_wait3A_98 = arith.constant 0 : i32
        %dma_wait3A_99 = tpu.memref_slice %arg10[%run_scoped3A, %dma_wait3A_97, %dma_wait3A_98] : memref<2x128x128xf32, #tpu.memory_space<vmem>> -> memref<1x128x128xf32, #tpu.memory_space<vmem>>
        %dma_wait3A_100 = tpu.memref_squeeze %dma_wait3A_99 : memref<1x128x128xf32, #tpu.memory_space<vmem>> -> memref<128x128xf32, #tpu.memory_space<vmem>>
        %dma_wait3A_101 = arith.constant 0 : i32
        %dma_wait3A_102 = tpu.memref_slice %arg9[%add3A_54, %dma_wait3A_101] : memref<40x128xi32, #tpu.memory_space<vmem>> -> memref<1x128xi32, #tpu.memory_space<vmem>>
        %dma_wait3A_103 = tpu.memref_squeeze %dma_wait3A_102 : memref<1x128xi32, #tpu.memory_space<vmem>> -> memref<128xi32, #tpu.memory_space<vmem>>
        %dma_wait3A_104 = arith.constant 0 : i32
        %dma_wait3A_105 = arith.constant 0 : i32
        %dma_wait3A_106 = tpu.memref_slice %arg11[%dma_wait3A_104, %dma_wait3A_105] : memref<10240x128xf32, #tpu.memory_space<vmem_shared>> -> memref<10240x128xf32, #tpu.memory_space<vmem_shared>>
        tpu.wait_indirect_dma semaphore(%run_scoped3A_86 : memref<!tpu.dma_semaphore, #tpu.memory_space<semaphore_mem>>) src(%dma_wait3A_100 : memref<128x128xf32, #tpu.memory_space<vmem>>) dst(%dma_wait3A_106 : memref<10240x128xf32, #tpu.memory_space<vmem_shared>>)
        tpu.yield
      }) : () -> ()
      %add3A_67 = arith.constant 1 : i32
      %add3A_68 = arith.addi %add3A_52, %add3A_67 : i32
      %add3A_69 = arith.constant 1 : i32
      %add3A_70 = arith.addi %add3A_68, %add3A_69 : i32
      %lt3A_71 = arith.constant 40 : i32
      %lt3A_72 = arith.cmpi slt, %add3A_70, %lt3A_71 : i32
      %convert_element_type3A_73 = arith.extui %lt3A_72 : i1 to i32
      %cond3A_74 = arith.constant 0 : i32
      %cond3A_75 = arith.cmpi ne, %convert_element_type3A_73, %cond3A_74 : i32
      scf.if %cond3A_75 {
        %add3A_86 = arith.constant 1 : i32
        %add3A_87 = arith.addi %add3A_68, %add3A_86 : i32
        %dma_start3A_88 = arith.constant 0 : i32
        %dma_start3A_89 = arith.constant 0 : i32
        %dma_start3A_90 = arith.constant 0 : i32
        %dma_start3A_91 = tpu.memref_slice %arg10[%dma_start3A_88, %dma_start3A_89, %dma_start3A_90] : memref<2x128x128xf32, #tpu.memory_space<vmem>> -> memref<1x128x128xf32, #tpu.memory_space<vmem>>
        %dma_start3A_92 = tpu.memref_squeeze %dma_start3A_91 : memref<1x128x128xf32, #tpu.memory_space<vmem>> -> memref<128x128xf32, #tpu.memory_space<vmem>>
        %dma_start3A_93 = arith.constant 0 : i32
        %dma_start3A_94 = tpu.memref_slice %arg8[%add3A_87, %dma_start3A_93] : memref<40x128xi32, #tpu.memory_space<vmem>> -> memref<1x128xi32, #tpu.memory_space<vmem>>
        %dma_start3A_95 = tpu.memref_squeeze %dma_start3A_94 : memref<1x128xi32, #tpu.memory_space<vmem>> -> memref<128xi32, #tpu.memory_space<vmem>>
        %dma_start3A_96 = arith.constant 0 : i32
        %dma_start3A_97 = arith.constant 0 : i32
        %dma_start3A_98 = tpu.memref_slice %arg2[%dma_start3A_96, %dma_start3A_97] : memref<10000x128xf32, #tpu.memory_space<hbm>> -> memref<10000x128xf32, #tpu.memory_space<hbm>>
        tpu.enqueue_indirect_dma source(%dma_start3A_98 : memref<10000x128xf32, #tpu.memory_space<hbm>>) target(%dma_start3A_92 : memref<128x128xf32, #tpu.memory_space<vmem>>) offsets(%dma_start3A_95 : memref<128xi32, #tpu.memory_space<vmem>>) semaphore(%arg12 : memref<!tpu.dma_semaphore, #tpu.memory_space<semaphore_mem>>)
      } else {
      }
      %dma_wait3A_76 = arith.constant 1 : i32
      %dma_wait3A_77 = arith.constant 0 : i32
      %dma_wait3A_78 = arith.constant 0 : i32
      %dma_wait3A_79 = tpu.memref_slice %arg10[%dma_wait3A_76, %dma_wait3A_77, %dma_wait3A_78] : memref<2x128x128xf32, #tpu.memory_space<vmem>> -> memref<1x128x128xf32, #tpu.memory_space<vmem>>
      %dma_wait3A_80 = tpu.memref_squeeze %dma_wait3A_79 : memref<1x128x128xf32, #tpu.memory_space<vmem>> -> memref<128x128xf32, #tpu.memory_space<vmem>>
      %dma_wait3A_81 = arith.constant 0 : i32
      %dma_wait3A_82 = arith.constant 0 : i32
      %dma_wait3A_83 = tpu.memref_slice %arg10[%dma_wait3A_76, %dma_wait3A_81, %dma_wait3A_82] : memref<2x128x128xf32, #tpu.memory_space<vmem>> -> memref<1x128x128xf32, #tpu.memory_space<vmem>>
      %dma_wait3A_84 = tpu.memref_squeeze %dma_wait3A_83 : memref<1x128x128xf32, #tpu.memory_space<vmem>> -> memref<128x128xf32, #tpu.memory_space<vmem>>
      tpu.wait_dma2 semaphore(%arg13 : memref<!tpu.dma_semaphore, #tpu.memory_space<semaphore_mem>>) src(%arg6 : memref<128x128xf32, #tpu.memory_space<hbm>>) dst(%dma_wait3A_84 : memref<128x128xf32, #tpu.memory_space<vmem>>)
      %run_scoped3A_85 = arith.constant 1 : i32
      "tpu.region"() ({
        %run_scoped3A_86 = tpu.sem_alloc : memref<!tpu.dma_semaphore, #tpu.memory_space<semaphore_mem>>
        %dma_start3A_87 = arith.constant 0 : i32
        %dma_start3A_88 = arith.constant 0 : i32
        %dma_start3A_89 = tpu.memref_slice %arg10[%run_scoped3A_85, %dma_start3A_87, %dma_start3A_88] : memref<2x128x128xf32, #tpu.memory_space<vmem>> -> memref<1x128x128xf32, #tpu.memory_space<vmem>>
        %dma_start3A_90 = tpu.memref_squeeze %dma_start3A_89 : memref<1x128x128xf32, #tpu.memory_space<vmem>> -> memref<128x128xf32, #tpu.memory_space<vmem>>
        %dma_start3A_91 = arith.constant 0 : i32
        %dma_start3A_92 = tpu.memref_slice %arg9[%add3A_68, %dma_start3A_91] : memref<40x128xi32, #tpu.memory_space<vmem>> -> memref<1x128xi32, #tpu.memory_space<vmem>>
        %dma_start3A_93 = tpu.memref_squeeze %dma_start3A_92 : memref<1x128xi32, #tpu.memory_space<vmem>> -> memref<128xi32, #tpu.memory_space<vmem>>
        %dma_start3A_94 = arith.constant 0 : i32
        %dma_start3A_95 = arith.constant 0 : i32
        %dma_start3A_96 = tpu.memref_slice %arg11[%dma_start3A_94, %dma_start3A_95] : memref<10240x128xf32, #tpu.memory_space<vmem_shared>> -> memref<10240x128xf32, #tpu.memory_space<vmem_shared>>
        tpu.enqueue_indirect_dma source(%dma_start3A_90 : memref<128x128xf32, #tpu.memory_space<vmem>>) target(%dma_start3A_96 : memref<10240x128xf32, #tpu.memory_space<vmem_shared>>) offsets(%dma_start3A_93 : memref<128xi32, #tpu.memory_space<vmem>>) semaphore(%run_scoped3A_86 : memref<!tpu.dma_semaphore, #tpu.memory_space<semaphore_mem>>) {add = true}
        %dma_wait3A_97 = arith.constant 0 : i32
        %dma_wait3A_98 = arith.constant 0 : i32
        %dma_wait3A_99 = tpu.memref_slice %arg10[%run_scoped3A_85, %dma_wait3A_97, %dma_wait3A_98] : memref<2x128x128xf32, #tpu.memory_space<vmem>> -> memref<1x128x128xf32, #tpu.memory_space<vmem>>
        %dma_wait3A_100 = tpu.memref_squeeze %dma_wait3A_99 : memref<1x128x128xf32, #tpu.memory_space<vmem>> -> memref<128x128xf32, #tpu.memory_space<vmem>>
        %dma_wait3A_101 = arith.constant 0 : i32
        %dma_wait3A_102 = tpu.memref_slice %arg9[%add3A_68, %dma_wait3A_101] : memref<40x128xi32, #tpu.memory_space<vmem>> -> memref<1x128xi32, #tpu.memory_space<vmem>>
        %dma_wait3A_103 = tpu.memref_squeeze %dma_wait3A_102 : memref<1x128xi32, #tpu.memory_space<vmem>> -> memref<128xi32, #tpu.memory_space<vmem>>
        %dma_wait3A_104 = arith.constant 0 : i32
        %dma_wait3A_105 = arith.constant 0 : i32
        %dma_wait3A_106 = tpu.memref_slice %arg11[%dma_wait3A_104, %dma_wait3A_105] : memref<10240x128xf32, #tpu.memory_space<vmem_shared>> -> memref<10240x128xf32, #tpu.memory_space<vmem_shared>>
        tpu.wait_indirect_dma semaphore(%run_scoped3A_86 : memref<!tpu.dma_semaphore, #tpu.memory_space<semaphore_mem>>) src(%dma_wait3A_100 : memref<128x128xf32, #tpu.memory_space<vmem>>) dst(%dma_wait3A_106 : memref<10240x128xf32, #tpu.memory_space<vmem_shared>>)
        tpu.yield
      }) : () -> ()
    }
    %scan3A_44 = arith.constant 20 : i32
    %barrier3A_45 = arith.constant 0 : index
    tpu.barrier barrier_id(%barrier3A_45)
    %mul3A_46 = arith.constant 640 : i32
    %mul3A_47 = arith.muli %arg1, %mul3A_46 : i32
    "tpu.region"() ({
      %run_scoped3A = tpu.sem_alloc : memref<!tpu.dma_semaphore, #tpu.memory_space<semaphore_mem>>
      %dma_start3A_48 = arith.constant 0 : i32
      %dma_start3A_49 = tpu.memref_slice %arg7[%arg0, %mul3A_47, %dma_start3A_48] : memref<2x10240x128xf32, #tpu.memory_space<hbm>> -> memref<1x640x128xf32, #tpu.memory_space<hbm>>
      %dma_start3A_50 = tpu.memref_squeeze %dma_start3A_49 : memref<1x640x128xf32, #tpu.memory_space<hbm>> -> memref<640x128xf32, #tpu.memory_space<hbm>>
      %dma_start3A_51 = arith.constant 0 : i32
      %dma_start3A_52 = tpu.memref_slice %arg11[%mul3A_47, %dma_start3A_51] : memref<10240x128xf32, #tpu.memory_space<vmem_shared>> -> memref<640x128xf32, #tpu.memory_space<vmem_shared>>
      tpu.enqueue_dma source(%dma_start3A_52 : memref<640x128xf32, #tpu.memory_space<vmem_shared>>) target(%dma_start3A_50 : memref<640x128xf32, #tpu.memory_space<hbm>>) target_semaphore(%run_scoped3A : memref<!tpu.dma_semaphore, #tpu.memory_space<semaphore_mem>>)
      %dma_wait3A = arith.constant 0 : i32
      %dma_wait3A_53 = tpu.memref_slice %arg7[%arg0, %mul3A_47, %dma_wait3A] : memref<2x10240x128xf32, #tpu.memory_space<hbm>> -> memref<1x640x128xf32, #tpu.memory_space<hbm>>
      %dma_wait3A_54 = tpu.memref_squeeze %dma_wait3A_53 : memref<1x640x128xf32, #tpu.memory_space<hbm>> -> memref<640x128xf32, #tpu.memory_space<hbm>>
      %dma_wait3A_55 = arith.constant 0 : i32
      %dma_wait3A_56 = tpu.memref_slice %arg11[%mul3A_47, %dma_wait3A_55] : memref<10240x128xf32, #tpu.memory_space<vmem_shared>> -> memref<640x128xf32, #tpu.memory_space<vmem_shared>>
      tpu.wait_dma2 semaphore(%run_scoped3A : memref<!tpu.dma_semaphore, #tpu.memory_space<semaphore_mem>>) src(%dma_wait3A_56 : memref<640x128xf32, #tpu.memory_space<vmem_shared>>) dst(%dma_wait3A_54 : memref<640x128xf32, #tpu.memory_space<hbm>>)
      tpu.yield
    }) : () -> ()
    return
  }
}

#map = affine_map<(d0, d1) -> (0, 0)>
#map1 = affine_map<(d0, d1) -> (0, 0, 0)>
module attributes {stable_mosaic.version = 14 : i64} {
  func.func @_agg(%arg0: i32, %arg1: i32, %arg2: memref<10000x128xf32, #tpu.memory_space<hbm>>, %arg3: memref<2560x128xi32, #tpu.memory_space<hbm>>, %arg4: memref<2560x128xi32, #tpu.memory_space<hbm>>, %arg5: memref<640x128xf32, #tpu.memory_space<hbm>>, %arg6: memref<128x128xf32, #tpu.memory_space<hbm>>, %arg7: memref<2x10240x128xf32, #tpu.memory_space<hbm>>, %arg8: memref<40x128xi32, #tpu.memory_space<vmem>>, %arg9: memref<40x128xi32, #tpu.memory_space<vmem>>, %arg10: memref<2x128x128xf32, #tpu.memory_space<vmem>>, %arg11: memref<10240x128xf32, #tpu.memory_space<vmem_shared>>, %arg12: memref<!tpu.dma_semaphore, #tpu.memory_space<semaphore_mem>>, %arg13: memref<!tpu.dma_semaphore, #tpu.memory_space<semaphore_mem>>) attributes {dimension_semantics = [#tpu.dimension_semantics<core_parallel>, #tpu.dimension_semantics<subcore_parallel>], iteration_bounds = array<i64: 2, 16>, scalar_prefetch = 0 : i64, scratch_operands = 6 : i64, tpu.core_type = #tpu.core_type<sc_vector_subcore>, window_params = [{transform_indices = #map}, {transform_indices = #map}, {transform_indices = #map}, {transform_indices = #map}, {transform_indices = #map}, {transform_indices = #map1}]} {
    %mul3A = arith.constant 2 : i32
    %mul3A_0 = arith.muli %arg1, %mul3A : i32
    %add3A = arith.addi %mul3A_0, %arg0 : i32
    %mul3A_1 = arith.constant 80 : i32
    %mul3A_2 = arith.muli %add3A, %mul3A_1 : i32
    %mul3A_3 = arith.constant 640 : i32
    %mul3A_4 = arith.muli %arg1, %mul3A_3 : i32
    "tpu.region"() ({
      %run_scoped3A = tpu.sem_alloc : memref<!tpu.dma_semaphore, #tpu.memory_space<semaphore_mem>>
      %dma_start3A_48 = arith.constant 0 : i32
      %dma_start3A_49 = tpu.memref_slice %arg11[%mul3A_4, %dma_start3A_48] : memref<10240x128xf32, #tpu.memory_space<vmem_shared>> -> memref<640x128xf32, #tpu.memory_space<vmem_shared>>
      tpu.enqueue_dma source(%arg5 : memref<640x128xf32, #tpu.memory_space<hbm>>) target(%dma_start3A_49 : memref<640x128xf32, #tpu.memory_space<vmem_shared>>) target_semaphore(%run_scoped3A : memref<!tpu.dma_semaphore, #tpu.memory_space<semaphore_mem>>)
      %dma_wait3A = arith.constant 0 : i32
      %dma_wait3A_50 = tpu.memref_slice %arg11[%mul3A_4, %dma_wait3A] : memref<10240x128xf32, #tpu.memory_space<vmem_shared>> -> memref<640x128xf32, #tpu.memory_space<vmem_shared>>
      tpu.wait_dma2 semaphore(%run_scoped3A : memref<!tpu.dma_semaphore, #tpu.memory_space<semaphore_mem>>) src(%arg5 : memref<640x128xf32, #tpu.memory_space<hbm>>) dst(%dma_wait3A_50 : memref<640x128xf32, #tpu.memory_space<vmem_shared>>)
      tpu.yield
    }) : () -> ()
    %barrier3A = arith.constant 0 : index
    tpu.barrier barrier_id(%barrier3A)
    %add3A_5 = arith.constant 0 : i32
    %add3A_6 = arith.addi %mul3A_2, %add3A_5 : i32
    "tpu.region"() ({
      %run_scoped3A = tpu.sem_alloc : memref<!tpu.dma_semaphore, #tpu.memory_space<semaphore_mem>>
      %dma_start3A_48 = arith.constant 0 : i32
      %dma_start3A_49 = tpu.memref_slice %arg3[%add3A_6, %dma_start3A_48] : memref<2560x128xi32, #tpu.memory_space<hbm>> -> memref<40x128xi32, #tpu.memory_space<hbm>>
      %dma_start3A_50 = arith.constant 0 : i32
      %dma_start3A_51 = tpu.memref_slice %arg3[%add3A_6, %dma_start3A_50] : memref<2560x128xi32, #tpu.memory_space<hbm>> -> memref<40x128xi32, #tpu.memory_space<hbm>>
      tpu.enqueue_dma source(%dma_start3A_51 : memref<40x128xi32, #tpu.memory_space<hbm>>) target(%arg8 : memref<40x128xi32, #tpu.memory_space<vmem>>) target_semaphore(%run_scoped3A : memref<!tpu.dma_semaphore, #tpu.memory_space<semaphore_mem>>)
      %dma_wait3A = arith.constant 0 : i32
      %dma_wait3A_52 = tpu.memref_slice %arg3[%add3A_6, %dma_wait3A] : memref<2560x128xi32, #tpu.memory_space<hbm>> -> memref<40x128xi32, #tpu.memory_space<hbm>>
      %dma_wait3A_53 = arith.constant 0 : i32
      %dma_wait3A_54 = tpu.memref_slice %arg3[%add3A_6, %dma_wait3A_53] : memref<2560x128xi32, #tpu.memory_space<hbm>> -> memref<40x128xi32, #tpu.memory_space<hbm>>
      tpu.wait_dma2 semaphore(%run_scoped3A : memref<!tpu.dma_semaphore, #tpu.memory_space<semaphore_mem>>) src(%dma_wait3A_54 : memref<40x128xi32, #tpu.memory_space<hbm>>) dst(%arg8 : memref<40x128xi32, #tpu.memory_space<vmem>>)
      tpu.yield
    }) : () -> ()
    %add3A_7 = arith.constant 0 : i32
    %add3A_8 = arith.addi %mul3A_2, %add3A_7 : i32
    "tpu.region"() ({
      %run_scoped3A = tpu.sem_alloc : memref<!tpu.dma_semaphore, #tpu.memory_space<semaphore_mem>>
      %dma_start3A_48 = arith.constant 0 : i32
      %dma_start3A_49 = tpu.memref_slice %arg4[%add3A_8, %dma_start3A_48] : memref<2560x128xi32, #tpu.memory_space<hbm>> -> memref<40x128xi32, #tpu.memory_space<hbm>>
      %dma_start3A_50 = arith.constant 0 : i32
      %dma_start3A_51 = tpu.memref_slice %arg4[%add3A_8, %dma_start3A_50] : memref<2560x128xi32, #tpu.memory_space<hbm>> -> memref<40x128xi32, #tpu.memory_space<hbm>>
      tpu.enqueue_dma source(%dma_start3A_51 : memref<40x128xi32, #tpu.memory_space<hbm>>) target(%arg9 : memref<40x128xi32, #tpu.memory_space<vmem>>) target_semaphore(%run_scoped3A : memref<!tpu.dma_semaphore, #tpu.memory_space<semaphore_mem>>)
      %dma_wait3A = arith.constant 0 : i32
      %dma_wait3A_52 = tpu.memref_slice %arg4[%add3A_8, %dma_wait3A] : memref<2560x128xi32, #tpu.memory_space<hbm>> -> memref<40x128xi32, #tpu.memory_space<hbm>>
      %dma_wait3A_53 = arith.constant 0 : i32
      %dma_wait3A_54 = tpu.memref_slice %arg4[%add3A_8, %dma_wait3A_53] : memref<2560x128xi32, #tpu.memory_space<hbm>> -> memref<40x128xi32, #tpu.memory_space<hbm>>
      tpu.wait_dma2 semaphore(%run_scoped3A : memref<!tpu.dma_semaphore, #tpu.memory_space<semaphore_mem>>) src(%dma_wait3A_54 : memref<40x128xi32, #tpu.memory_space<hbm>>) dst(%arg9 : memref<40x128xi32, #tpu.memory_space<vmem>>)
      tpu.yield
    }) : () -> ()
    %dma_start3A = arith.constant 0 : i32
    %dma_start3A_9 = arith.constant 0 : i32
    %dma_start3A_10 = arith.constant 0 : i32
    %dma_start3A_11 = arith.constant 0 : i32
    %dma_start3A_12 = tpu.memref_slice %arg10[%dma_start3A_9, %dma_start3A_10, %dma_start3A_11] : memref<2x128x128xf32, #tpu.memory_space<vmem>> -> memref<1x128x128xf32, #tpu.memory_space<vmem>>
    %dma_start3A_13 = tpu.memref_squeeze %dma_start3A_12 : memref<1x128x128xf32, #tpu.memory_space<vmem>> -> memref<128x128xf32, #tpu.memory_space<vmem>>
    %dma_start3A_14 = arith.constant 0 : i32
    %dma_start3A_15 = tpu.memref_slice %arg8[%dma_start3A, %dma_start3A_14] : memref<40x128xi32, #tpu.memory_space<vmem>> -> memref<1x128xi32, #tpu.memory_space<vmem>>
    %dma_start3A_16 = tpu.memref_squeeze %dma_start3A_15 : memref<1x128xi32, #tpu.memory_space<vmem>> -> memref<128xi32, #tpu.memory_space<vmem>>
    %dma_start3A_17 = arith.constant 0 : i32
    %dma_start3A_18 = arith.constant 0 : i32
    %dma_start3A_19 = tpu.memref_slice %arg2[%dma_start3A_17, %dma_start3A_18] : memref<10000x128xf32, #tpu.memory_space<hbm>> -> memref<10000x128xf32, #tpu.memory_space<hbm>>
    tpu.enqueue_indirect_dma source(%dma_start3A_19 : memref<10000x128xf32, #tpu.memory_space<hbm>>) target(%dma_start3A_13 : memref<128x128xf32, #tpu.memory_space<vmem>>) offsets(%dma_start3A_16 : memref<128xi32, #tpu.memory_space<vmem>>) semaphore(%arg12 : memref<!tpu.dma_semaphore, #tpu.memory_space<semaphore_mem>>)
    %scan3A = arith.constant 0 : i32
    %scan3A_20 = arith.constant 20 : i32
    %scan3A_21 = arith.addi %scan3A, %scan3A_20 : i32
    %scan3A_22 = arith.constant 1 : i32
    scf.for %scan3A_48 = %scan3A to %scan3A_21 step %scan3A_22  : i32 {
      %mul3A_49 = arith.constant 2 : i32
      %mul3A_50 = arith.muli %scan3A_48, %mul3A_49 : i32
      %add3A_51 = arith.constant 0 : i32
      %add3A_52 = arith.addi %add3A_51, %mul3A_50 : i32
      %add3A_53 = arith.constant 0 : i32
      %add3A_54 = arith.addi %add3A_52, %add3A_53 : i32
      %add3A_55 = arith.constant 1 : i32
      %add3A_56 = arith.addi %add3A_54, %add3A_55 : i32
      %lt3A = arith.constant 40 : i32
      %lt3A_57 = arith.cmpi slt, %add3A_56, %lt3A : i32
      %convert_element_type3A = arith.extui %lt3A_57 : i1 to i32
      %cond3A = arith.constant 0 : i32
      %cond3A_58 = arith.cmpi ne, %convert_element_type3A, %cond3A : i32
      scf.if %cond3A_58 {
        %add3A_86 = arith.constant 1 : i32
        %add3A_87 = arith.addi %add3A_54, %add3A_86 : i32
        %dma_start3A_88 = arith.constant 1 : i32
        %dma_start3A_89 = arith.constant 0 : i32
        %dma_start3A_90 = arith.constant 0 : i32
        %dma_start3A_91 = tpu.memref_slice %arg10[%dma_start3A_88, %dma_start3A_89, %dma_start3A_90] : memref<2x128x128xf32, #tpu.memory_space<vmem>> -> memref<1x128x128xf32, #tpu.memory_space<vmem>>
        %dma_start3A_92 = tpu.memref_squeeze %dma_start3A_91 : memref<1x128x128xf32, #tpu.memory_space<vmem>> -> memref<128x128xf32, #tpu.memory_space<vmem>>
        %dma_start3A_93 = arith.constant 0 : i32
        %dma_start3A_94 = tpu.memref_slice %arg8[%add3A_87, %dma_start3A_93] : memref<40x128xi32, #tpu.memory_space<vmem>> -> memref<1x128xi32, #tpu.memory_space<vmem>>
        %dma_start3A_95 = tpu.memref_squeeze %dma_start3A_94 : memref<1x128xi32, #tpu.memory_space<vmem>> -> memref<128xi32, #tpu.memory_space<vmem>>
        %dma_start3A_96 = arith.constant 0 : i32
        %dma_start3A_97 = arith.constant 0 : i32
        %dma_start3A_98 = tpu.memref_slice %arg2[%dma_start3A_96, %dma_start3A_97] : memref<10000x128xf32, #tpu.memory_space<hbm>> -> memref<10000x128xf32, #tpu.memory_space<hbm>>
        tpu.enqueue_indirect_dma source(%dma_start3A_98 : memref<10000x128xf32, #tpu.memory_space<hbm>>) target(%dma_start3A_92 : memref<128x128xf32, #tpu.memory_space<vmem>>) offsets(%dma_start3A_95 : memref<128xi32, #tpu.memory_space<vmem>>) semaphore(%arg13 : memref<!tpu.dma_semaphore, #tpu.memory_space<semaphore_mem>>)
      } else {
      }
      %dma_wait3A = arith.constant 0 : i32
      %dma_wait3A_59 = arith.constant 0 : i32
      %dma_wait3A_60 = arith.constant 0 : i32
      %dma_wait3A_61 = tpu.memref_slice %arg10[%dma_wait3A, %dma_wait3A_59, %dma_wait3A_60] : memref<2x128x128xf32, #tpu.memory_space<vmem>> -> memref<1x128x128xf32, #tpu.memory_space<vmem>>
      %dma_wait3A_62 = tpu.memref_squeeze %dma_wait3A_61 : memref<1x128x128xf32, #tpu.memory_space<vmem>> -> memref<128x128xf32, #tpu.memory_space<vmem>>
      %dma_wait3A_63 = arith.constant 0 : i32
      %dma_wait3A_64 = arith.constant 0 : i32
      %dma_wait3A_65 = tpu.memref_slice %arg10[%dma_wait3A, %dma_wait3A_63, %dma_wait3A_64] : memref<2x128x128xf32, #tpu.memory_space<vmem>> -> memref<1x128x128xf32, #tpu.memory_space<vmem>>
      %dma_wait3A_66 = tpu.memref_squeeze %dma_wait3A_65 : memref<1x128x128xf32, #tpu.memory_space<vmem>> -> memref<128x128xf32, #tpu.memory_space<vmem>>
      tpu.wait_dma2 semaphore(%arg12 : memref<!tpu.dma_semaphore, #tpu.memory_space<semaphore_mem>>) src(%arg6 : memref<128x128xf32, #tpu.memory_space<hbm>>) dst(%dma_wait3A_66 : memref<128x128xf32, #tpu.memory_space<vmem>>)
      %run_scoped3A = arith.constant 0 : i32
      "tpu.region"() ({
        %run_scoped3A_86 = tpu.sem_alloc : memref<!tpu.dma_semaphore, #tpu.memory_space<semaphore_mem>>
        %dma_start3A_87 = arith.constant 0 : i32
        %dma_start3A_88 = arith.constant 0 : i32
        %dma_start3A_89 = tpu.memref_slice %arg10[%run_scoped3A, %dma_start3A_87, %dma_start3A_88] : memref<2x128x128xf32, #tpu.memory_space<vmem>> -> memref<1x128x128xf32, #tpu.memory_space<vmem>>
        %dma_start3A_90 = tpu.memref_squeeze %dma_start3A_89 : memref<1x128x128xf32, #tpu.memory_space<vmem>> -> memref<128x128xf32, #tpu.memory_space<vmem>>
        %dma_start3A_91 = arith.constant 0 : i32
        %dma_start3A_92 = tpu.memref_slice %arg9[%add3A_54, %dma_start3A_91] : memref<40x128xi32, #tpu.memory_space<vmem>> -> memref<1x128xi32, #tpu.memory_space<vmem>>
        %dma_start3A_93 = tpu.memref_squeeze %dma_start3A_92 : memref<1x128xi32, #tpu.memory_space<vmem>> -> memref<128xi32, #tpu.memory_space<vmem>>
        %dma_start3A_94 = arith.constant 0 : i32
        %dma_start3A_95 = arith.constant 0 : i32
        %dma_start3A_96 = tpu.memref_slice %arg11[%dma_start3A_94, %dma_start3A_95] : memref<10240x128xf32, #tpu.memory_space<vmem_shared>> -> memref<10240x128xf32, #tpu.memory_space<vmem_shared>>
        tpu.enqueue_indirect_dma source(%dma_start3A_90 : memref<128x128xf32, #tpu.memory_space<vmem>>) target(%dma_start3A_96 : memref<10240x128xf32, #tpu.memory_space<vmem_shared>>) offsets(%dma_start3A_93 : memref<128xi32, #tpu.memory_space<vmem>>) semaphore(%run_scoped3A_86 : memref<!tpu.dma_semaphore, #tpu.memory_space<semaphore_mem>>) {add = true}
        %dma_wait3A_97 = arith.constant 0 : i32
        %dma_wait3A_98 = arith.constant 0 : i32
        %dma_wait3A_99 = tpu.memref_slice %arg10[%run_scoped3A, %dma_wait3A_97, %dma_wait3A_98] : memref<2x128x128xf32, #tpu.memory_space<vmem>> -> memref<1x128x128xf32, #tpu.memory_space<vmem>>
        %dma_wait3A_100 = tpu.memref_squeeze %dma_wait3A_99 : memref<1x128x128xf32, #tpu.memory_space<vmem>> -> memref<128x128xf32, #tpu.memory_space<vmem>>
        %dma_wait3A_101 = arith.constant 0 : i32
        %dma_wait3A_102 = tpu.memref_slice %arg9[%add3A_54, %dma_wait3A_101] : memref<40x128xi32, #tpu.memory_space<vmem>> -> memref<1x128xi32, #tpu.memory_space<vmem>>
        %dma_wait3A_103 = tpu.memref_squeeze %dma_wait3A_102 : memref<1x128xi32, #tpu.memory_space<vmem>> -> memref<128xi32, #tpu.memory_space<vmem>>
        %dma_wait3A_104 = arith.constant 0 : i32
        %dma_wait3A_105 = arith.constant 0 : i32
        %dma_wait3A_106 = tpu.memref_slice %arg11[%dma_wait3A_104, %dma_wait3A_105] : memref<10240x128xf32, #tpu.memory_space<vmem_shared>> -> memref<10240x128xf32, #tpu.memory_space<vmem_shared>>
        tpu.wait_indirect_dma semaphore(%run_scoped3A_86 : memref<!tpu.dma_semaphore, #tpu.memory_space<semaphore_mem>>) src(%dma_wait3A_100 : memref<128x128xf32, #tpu.memory_space<vmem>>) dst(%dma_wait3A_106 : memref<10240x128xf32, #tpu.memory_space<vmem_shared>>)
        tpu.yield
      }) : () -> ()
      %add3A_67 = arith.constant 1 : i32
      %add3A_68 = arith.addi %add3A_52, %add3A_67 : i32
      %add3A_69 = arith.constant 1 : i32
      %add3A_70 = arith.addi %add3A_68, %add3A_69 : i32
      %lt3A_71 = arith.constant 40 : i32
      %lt3A_72 = arith.cmpi slt, %add3A_70, %lt3A_71 : i32
      %convert_element_type3A_73 = arith.extui %lt3A_72 : i1 to i32
      %cond3A_74 = arith.constant 0 : i32
      %cond3A_75 = arith.cmpi ne, %convert_element_type3A_73, %cond3A_74 : i32
      scf.if %cond3A_75 {
        %add3A_86 = arith.constant 1 : i32
        %add3A_87 = arith.addi %add3A_68, %add3A_86 : i32
        %dma_start3A_88 = arith.constant 0 : i32
        %dma_start3A_89 = arith.constant 0 : i32
        %dma_start3A_90 = arith.constant 0 : i32
        %dma_start3A_91 = tpu.memref_slice %arg10[%dma_start3A_88, %dma_start3A_89, %dma_start3A_90] : memref<2x128x128xf32, #tpu.memory_space<vmem>> -> memref<1x128x128xf32, #tpu.memory_space<vmem>>
        %dma_start3A_92 = tpu.memref_squeeze %dma_start3A_91 : memref<1x128x128xf32, #tpu.memory_space<vmem>> -> memref<128x128xf32, #tpu.memory_space<vmem>>
        %dma_start3A_93 = arith.constant 0 : i32
        %dma_start3A_94 = tpu.memref_slice %arg8[%add3A_87, %dma_start3A_93] : memref<40x128xi32, #tpu.memory_space<vmem>> -> memref<1x128xi32, #tpu.memory_space<vmem>>
        %dma_start3A_95 = tpu.memref_squeeze %dma_start3A_94 : memref<1x128xi32, #tpu.memory_space<vmem>> -> memref<128xi32, #tpu.memory_space<vmem>>
        %dma_start3A_96 = arith.constant 0 : i32
        %dma_start3A_97 = arith.constant 0 : i32
        %dma_start3A_98 = tpu.memref_slice %arg2[%dma_start3A_96, %dma_start3A_97] : memref<10000x128xf32, #tpu.memory_space<hbm>> -> memref<10000x128xf32, #tpu.memory_space<hbm>>
        tpu.enqueue_indirect_dma source(%dma_start3A_98 : memref<10000x128xf32, #tpu.memory_space<hbm>>) target(%dma_start3A_92 : memref<128x128xf32, #tpu.memory_space<vmem>>) offsets(%dma_start3A_95 : memref<128xi32, #tpu.memory_space<vmem>>) semaphore(%arg12 : memref<!tpu.dma_semaphore, #tpu.memory_space<semaphore_mem>>)
      } else {
      }
      %dma_wait3A_76 = arith.constant 1 : i32
      %dma_wait3A_77 = arith.constant 0 : i32
      %dma_wait3A_78 = arith.constant 0 : i32
      %dma_wait3A_79 = tpu.memref_slice %arg10[%dma_wait3A_76, %dma_wait3A_77, %dma_wait3A_78] : memref<2x128x128xf32, #tpu.memory_space<vmem>> -> memref<1x128x128xf32, #tpu.memory_space<vmem>>
      %dma_wait3A_80 = tpu.memref_squeeze %dma_wait3A_79 : memref<1x128x128xf32, #tpu.memory_space<vmem>> -> memref<128x128xf32, #tpu.memory_space<vmem>>
      %dma_wait3A_81 = arith.constant 0 : i32
      %dma_wait3A_82 = arith.constant 0 : i32
      %dma_wait3A_83 = tpu.memref_slice %arg10[%dma_wait3A_76, %dma_wait3A_81, %dma_wait3A_82] : memref<2x128x128xf32, #tpu.memory_space<vmem>> -> memref<1x128x128xf32, #tpu.memory_space<vmem>>
      %dma_wait3A_84 = tpu.memref_squeeze %dma_wait3A_83 : memref<1x128x128xf32, #tpu.memory_space<vmem>> -> memref<128x128xf32, #tpu.memory_space<vmem>>
      tpu.wait_dma2 semaphore(%arg13 : memref<!tpu.dma_semaphore, #tpu.memory_space<semaphore_mem>>) src(%arg6 : memref<128x128xf32, #tpu.memory_space<hbm>>) dst(%dma_wait3A_84 : memref<128x128xf32, #tpu.memory_space<vmem>>)
      %run_scoped3A_85 = arith.constant 1 : i32
      "tpu.region"() ({
        %run_scoped3A_86 = tpu.sem_alloc : memref<!tpu.dma_semaphore, #tpu.memory_space<semaphore_mem>>
        %dma_start3A_87 = arith.constant 0 : i32
        %dma_start3A_88 = arith.constant 0 : i32
        %dma_start3A_89 = tpu.memref_slice %arg10[%run_scoped3A_85, %dma_start3A_87, %dma_start3A_88] : memref<2x128x128xf32, #tpu.memory_space<vmem>> -> memref<1x128x128xf32, #tpu.memory_space<vmem>>
        %dma_start3A_90 = tpu.memref_squeeze %dma_start3A_89 : memref<1x128x128xf32, #tpu.memory_space<vmem>> -> memref<128x128xf32, #tpu.memory_space<vmem>>
        %dma_start3A_91 = arith.constant 0 : i32
        %dma_start3A_92 = tpu.memref_slice %arg9[%add3A_68, %dma_start3A_91] : memref<40x128xi32, #tpu.memory_space<vmem>> -> memref<1x128xi32, #tpu.memory_space<vmem>>
        %dma_start3A_93 = tpu.memref_squeeze %dma_start3A_92 : memref<1x128xi32, #tpu.memory_space<vmem>> -> memref<128xi32, #tpu.memory_space<vmem>>
        %dma_start3A_94 = arith.constant 0 : i32
        %dma_start3A_95 = arith.constant 0 : i32
        %dma_start3A_96 = tpu.memref_slice %arg11[%dma_start3A_94, %dma_start3A_95] : memref<10240x128xf32, #tpu.memory_space<vmem_shared>> -> memref<10240x128xf32, #tpu.memory_space<vmem_shared>>
        tpu.enqueue_indirect_dma source(%dma_start3A_90 : memref<128x128xf32, #tpu.memory_space<vmem>>) target(%dma_start3A_96 : memref<10240x128xf32, #tpu.memory_space<vmem_shared>>) offsets(%dma_start3A_93 : memref<128xi32, #tpu.memory_space<vmem>>) semaphore(%run_scoped3A_86 : memref<!tpu.dma_semaphore, #tpu.memory_space<semaphore_mem>>) {add = true}
        %dma_wait3A_97 = arith.constant 0 : i32
        %dma_wait3A_98 = arith.constant 0 : i32
        %dma_wait3A_99 = tpu.memref_slice %arg10[%run_scoped3A_85, %dma_wait3A_97, %dma_wait3A_98] : memref<2x128x128xf32, #tpu.memory_space<vmem>> -> memref<1x128x128xf32, #tpu.memory_space<vmem>>
        %dma_wait3A_100 = tpu.memref_squeeze %dma_wait3A_99 : memref<1x128x128xf32, #tpu.memory_space<vmem>> -> memref<128x128xf32, #tpu.memory_space<vmem>>
        %dma_wait3A_101 = arith.constant 0 : i32
        %dma_wait3A_102 = tpu.memref_slice %arg9[%add3A_68, %dma_wait3A_101] : memref<40x128xi32, #tpu.memory_space<vmem>> -> memref<1x128xi32, #tpu.memory_space<vmem>>
        %dma_wait3A_103 = tpu.memref_squeeze %dma_wait3A_102 : memref<1x128xi32, #tpu.memory_space<vmem>> -> memref<128xi32, #tpu.memory_space<vmem>>
        %dma_wait3A_104 = arith.constant 0 : i32
        %dma_wait3A_105 = arith.constant 0 : i32
        %dma_wait3A_106 = tpu.memref_slice %arg11[%dma_wait3A_104, %dma_wait3A_105] : memref<10240x128xf32, #tpu.memory_space<vmem_shared>> -> memref<10240x128xf32, #tpu.memory_space<vmem_shared>>
        tpu.wait_indirect_dma semaphore(%run_scoped3A_86 : memref<!tpu.dma_semaphore, #tpu.memory_space<semaphore_mem>>) src(%dma_wait3A_100 : memref<128x128xf32, #tpu.memory_space<vmem>>) dst(%dma_wait3A_106 : memref<10240x128xf32, #tpu.memory_space<vmem_shared>>)
        tpu.yield
      }) : () -> ()
    }
    %scan3A_23 = arith.constant 20 : i32
    %add3A_24 = arith.constant 40 : i32
    %add3A_25 = arith.addi %mul3A_2, %add3A_24 : i32
    "tpu.region"() ({
      %run_scoped3A = tpu.sem_alloc : memref<!tpu.dma_semaphore, #tpu.memory_space<semaphore_mem>>
      %dma_start3A_48 = arith.constant 0 : i32
      %dma_start3A_49 = tpu.memref_slice %arg3[%add3A_25, %dma_start3A_48] : memref<2560x128xi32, #tpu.memory_space<hbm>> -> memref<40x128xi32, #tpu.memory_space<hbm>>
      %dma_start3A_50 = arith.constant 0 : i32
      %dma_start3A_51 = tpu.memref_slice %arg3[%add3A_25, %dma_start3A_50] : memref<2560x128xi32, #tpu.memory_space<hbm>> -> memref<40x128xi32, #tpu.memory_space<hbm>>
      tpu.enqueue_dma source(%dma_start3A_51 : memref<40x128xi32, #tpu.memory_space<hbm>>) target(%arg8 : memref<40x128xi32, #tpu.memory_space<vmem>>) target_semaphore(%run_scoped3A : memref<!tpu.dma_semaphore, #tpu.memory_space<semaphore_mem>>)
      %dma_wait3A = arith.constant 0 : i32
      %dma_wait3A_52 = tpu.memref_slice %arg3[%add3A_25, %dma_wait3A] : memref<2560x128xi32, #tpu.memory_space<hbm>> -> memref<40x128xi32, #tpu.memory_space<hbm>>
      %dma_wait3A_53 = arith.constant 0 : i32
      %dma_wait3A_54 = tpu.memref_slice %arg3[%add3A_25, %dma_wait3A_53] : memref<2560x128xi32, #tpu.memory_space<hbm>> -> memref<40x128xi32, #tpu.memory_space<hbm>>
      tpu.wait_dma2 semaphore(%run_scoped3A : memref<!tpu.dma_semaphore, #tpu.memory_space<semaphore_mem>>) src(%dma_wait3A_54 : memref<40x128xi32, #tpu.memory_space<hbm>>) dst(%arg8 : memref<40x128xi32, #tpu.memory_space<vmem>>)
      tpu.yield
    }) : () -> ()
    %add3A_26 = arith.constant 40 : i32
    %add3A_27 = arith.addi %mul3A_2, %add3A_26 : i32
    "tpu.region"() ({
      %run_scoped3A = tpu.sem_alloc : memref<!tpu.dma_semaphore, #tpu.memory_space<semaphore_mem>>
      %dma_start3A_48 = arith.constant 0 : i32
      %dma_start3A_49 = tpu.memref_slice %arg4[%add3A_27, %dma_start3A_48] : memref<2560x128xi32, #tpu.memory_space<hbm>> -> memref<40x128xi32, #tpu.memory_space<hbm>>
      %dma_start3A_50 = arith.constant 0 : i32
      %dma_start3A_51 = tpu.memref_slice %arg4[%add3A_27, %dma_start3A_50] : memref<2560x128xi32, #tpu.memory_space<hbm>> -> memref<40x128xi32, #tpu.memory_space<hbm>>
      tpu.enqueue_dma source(%dma_start3A_51 : memref<40x128xi32, #tpu.memory_space<hbm>>) target(%arg9 : memref<40x128xi32, #tpu.memory_space<vmem>>) target_semaphore(%run_scoped3A : memref<!tpu.dma_semaphore, #tpu.memory_space<semaphore_mem>>)
      %dma_wait3A = arith.constant 0 : i32
      %dma_wait3A_52 = tpu.memref_slice %arg4[%add3A_27, %dma_wait3A] : memref<2560x128xi32, #tpu.memory_space<hbm>> -> memref<40x128xi32, #tpu.memory_space<hbm>>
      %dma_wait3A_53 = arith.constant 0 : i32
      %dma_wait3A_54 = tpu.memref_slice %arg4[%add3A_27, %dma_wait3A_53] : memref<2560x128xi32, #tpu.memory_space<hbm>> -> memref<40x128xi32, #tpu.memory_space<hbm>>
      tpu.wait_dma2 semaphore(%run_scoped3A : memref<!tpu.dma_semaphore, #tpu.memory_space<semaphore_mem>>) src(%dma_wait3A_54 : memref<40x128xi32, #tpu.memory_space<hbm>>) dst(%arg9 : memref<40x128xi32, #tpu.memory_space<vmem>>)
      tpu.yield
    }) : () -> ()
    %dma_start3A_28 = arith.constant 0 : i32
    %dma_start3A_29 = arith.constant 0 : i32
    %dma_start3A_30 = arith.constant 0 : i32
    %dma_start3A_31 = arith.constant 0 : i32
    %dma_start3A_32 = tpu.memref_slice %arg10[%dma_start3A_29, %dma_start3A_30, %dma_start3A_31] : memref<2x128x128xf32, #tpu.memory_space<vmem>> -> memref<1x128x128xf32, #tpu.memory_space<vmem>>
    %dma_start3A_33 = tpu.memref_squeeze %dma_start3A_32 : memref<1x128x128xf32, #tpu.memory_space<vmem>> -> memref<128x128xf32, #tpu.memory_space<vmem>>
    %dma_start3A_34 = arith.constant 0 : i32
    %dma_start3A_35 = tpu.memref_slice %arg8[%dma_start3A_28, %dma_start3A_34] : memref<40x128xi32, #tpu.memory_space<vmem>> -> memref<1x128xi32, #tpu.memory_space<vmem>>
    %dma_start3A_36 = tpu.memref_squeeze %dma_start3A_35 : memref<1x128xi32, #tpu.memory_space<vmem>> -> memref<128xi32, #tpu.memory_space<vmem>>
    %dma_start3A_37 = arith.constant 0 : i32
    %dma_start3A_38 = arith.constant 0 : i32
    %dma_start3A_39 = tpu.memref_slice %arg2[%dma_start3A_37, %dma_start3A_38] : memref<10000x128xf32, #tpu.memory_space<hbm>> -> memref<10000x128xf32, #tpu.memory_space<hbm>>
    tpu.enqueue_indirect_dma source(%dma_start3A_39 : memref<10000x128xf32, #tpu.memory_space<hbm>>) target(%dma_start3A_33 : memref<128x128xf32, #tpu.memory_space<vmem>>) offsets(%dma_start3A_36 : memref<128xi32, #tpu.memory_space<vmem>>) semaphore(%arg12 : memref<!tpu.dma_semaphore, #tpu.memory_space<semaphore_mem>>)
    %scan3A_40 = arith.constant 0 : i32
    %scan3A_41 = arith.constant 20 : i32
    %scan3A_42 = arith.addi %scan3A_40, %scan3A_41 : i32
    %scan3A_43 = arith.constant 1 : i32
    scf.for %scan3A_48 = %scan3A_40 to %scan3A_42 step %scan3A_43  : i32 {
      %mul3A_49 = arith.constant 2 : i32
      %mul3A_50 = arith.muli %scan3A_48, %mul3A_49 : i32
      %add3A_51 = arith.constant 0 : i32
      %add3A_52 = arith.addi %add3A_51, %mul3A_50 : i32
      %add3A_53 = arith.constant 0 : i32
      %add3A_54 = arith.addi %add3A_52, %add3A_53 : i32
      %add3A_55 = arith.constant 1 : i32
      %add3A_56 = arith.addi %add3A_54, %add3A_55 : i32
      %lt3A = arith.constant 40 : i32
      %lt3A_57 = arith.cmpi slt, %add3A_56, %lt3A : i32
      %convert_element_type3A = arith.extui %lt3A_57 : i1 to i32
      %cond3A = arith.constant 0 : i32
      %cond3A_58 = arith.cmpi ne, %convert_element_type3A, %cond3A : i32
      scf.if %cond3A_58 {
        %add3A_86 = arith.constant 1 : i32
        %add3A_87 = arith.addi %add3A_54, %add3A_86 : i32
        %dma_start3A_88 = arith.constant 1 : i32
        %dma_start3A_89 = arith.constant 0 : i32
        %dma_start3A_90 = arith.constant 0 : i32
        %dma_start3A_91 = tpu.memref_slice %arg10[%dma_start3A_88, %dma_start3A_89, %dma_start3A_90] : memref<2x128x128xf32, #tpu.memory_space<vmem>> -> memref<1x128x128xf32, #tpu.memory_space<vmem>>
        %dma_start3A_92 = tpu.memref_squeeze %dma_start3A_91 : memref<1x128x128xf32, #tpu.memory_space<vmem>> -> memref<128x128xf32, #tpu.memory_space<vmem>>
        %dma_start3A_93 = arith.constant 0 : i32
        %dma_start3A_94 = tpu.memref_slice %arg8[%add3A_87, %dma_start3A_93] : memref<40x128xi32, #tpu.memory_space<vmem>> -> memref<1x128xi32, #tpu.memory_space<vmem>>
        %dma_start3A_95 = tpu.memref_squeeze %dma_start3A_94 : memref<1x128xi32, #tpu.memory_space<vmem>> -> memref<128xi32, #tpu.memory_space<vmem>>
        %dma_start3A_96 = arith.constant 0 : i32
        %dma_start3A_97 = arith.constant 0 : i32
        %dma_start3A_98 = tpu.memref_slice %arg2[%dma_start3A_96, %dma_start3A_97] : memref<10000x128xf32, #tpu.memory_space<hbm>> -> memref<10000x128xf32, #tpu.memory_space<hbm>>
        tpu.enqueue_indirect_dma source(%dma_start3A_98 : memref<10000x128xf32, #tpu.memory_space<hbm>>) target(%dma_start3A_92 : memref<128x128xf32, #tpu.memory_space<vmem>>) offsets(%dma_start3A_95 : memref<128xi32, #tpu.memory_space<vmem>>) semaphore(%arg13 : memref<!tpu.dma_semaphore, #tpu.memory_space<semaphore_mem>>)
      } else {
      }
      %dma_wait3A = arith.constant 0 : i32
      %dma_wait3A_59 = arith.constant 0 : i32
      %dma_wait3A_60 = arith.constant 0 : i32
      %dma_wait3A_61 = tpu.memref_slice %arg10[%dma_wait3A, %dma_wait3A_59, %dma_wait3A_60] : memref<2x128x128xf32, #tpu.memory_space<vmem>> -> memref<1x128x128xf32, #tpu.memory_space<vmem>>
      %dma_wait3A_62 = tpu.memref_squeeze %dma_wait3A_61 : memref<1x128x128xf32, #tpu.memory_space<vmem>> -> memref<128x128xf32, #tpu.memory_space<vmem>>
      %dma_wait3A_63 = arith.constant 0 : i32
      %dma_wait3A_64 = arith.constant 0 : i32
      %dma_wait3A_65 = tpu.memref_slice %arg10[%dma_wait3A, %dma_wait3A_63, %dma_wait3A_64] : memref<2x128x128xf32, #tpu.memory_space<vmem>> -> memref<1x128x128xf32, #tpu.memory_space<vmem>>
      %dma_wait3A_66 = tpu.memref_squeeze %dma_wait3A_65 : memref<1x128x128xf32, #tpu.memory_space<vmem>> -> memref<128x128xf32, #tpu.memory_space<vmem>>
      tpu.wait_dma2 semaphore(%arg12 : memref<!tpu.dma_semaphore, #tpu.memory_space<semaphore_mem>>) src(%arg6 : memref<128x128xf32, #tpu.memory_space<hbm>>) dst(%dma_wait3A_66 : memref<128x128xf32, #tpu.memory_space<vmem>>)
      %run_scoped3A = arith.constant 0 : i32
      "tpu.region"() ({
        %run_scoped3A_86 = tpu.sem_alloc : memref<!tpu.dma_semaphore, #tpu.memory_space<semaphore_mem>>
        %dma_start3A_87 = arith.constant 0 : i32
        %dma_start3A_88 = arith.constant 0 : i32
        %dma_start3A_89 = tpu.memref_slice %arg10[%run_scoped3A, %dma_start3A_87, %dma_start3A_88] : memref<2x128x128xf32, #tpu.memory_space<vmem>> -> memref<1x128x128xf32, #tpu.memory_space<vmem>>
        %dma_start3A_90 = tpu.memref_squeeze %dma_start3A_89 : memref<1x128x128xf32, #tpu.memory_space<vmem>> -> memref<128x128xf32, #tpu.memory_space<vmem>>
        %dma_start3A_91 = arith.constant 0 : i32
        %dma_start3A_92 = tpu.memref_slice %arg9[%add3A_54, %dma_start3A_91] : memref<40x128xi32, #tpu.memory_space<vmem>> -> memref<1x128xi32, #tpu.memory_space<vmem>>
        %dma_start3A_93 = tpu.memref_squeeze %dma_start3A_92 : memref<1x128xi32, #tpu.memory_space<vmem>> -> memref<128xi32, #tpu.memory_space<vmem>>
        %dma_start3A_94 = arith.constant 0 : i32
        %dma_start3A_95 = arith.constant 0 : i32
        %dma_start3A_96 = tpu.memref_slice %arg11[%dma_start3A_94, %dma_start3A_95] : memref<10240x128xf32, #tpu.memory_space<vmem_shared>> -> memref<10240x128xf32, #tpu.memory_space<vmem_shared>>
        tpu.enqueue_indirect_dma source(%dma_start3A_90 : memref<128x128xf32, #tpu.memory_space<vmem>>) target(%dma_start3A_96 : memref<10240x128xf32, #tpu.memory_space<vmem_shared>>) offsets(%dma_start3A_93 : memref<128xi32, #tpu.memory_space<vmem>>) semaphore(%run_scoped3A_86 : memref<!tpu.dma_semaphore, #tpu.memory_space<semaphore_mem>>) {add = true}
        %dma_wait3A_97 = arith.constant 0 : i32
        %dma_wait3A_98 = arith.constant 0 : i32
        %dma_wait3A_99 = tpu.memref_slice %arg10[%run_scoped3A, %dma_wait3A_97, %dma_wait3A_98] : memref<2x128x128xf32, #tpu.memory_space<vmem>> -> memref<1x128x128xf32, #tpu.memory_space<vmem>>
        %dma_wait3A_100 = tpu.memref_squeeze %dma_wait3A_99 : memref<1x128x128xf32, #tpu.memory_space<vmem>> -> memref<128x128xf32, #tpu.memory_space<vmem>>
        %dma_wait3A_101 = arith.constant 0 : i32
        %dma_wait3A_102 = tpu.memref_slice %arg9[%add3A_54, %dma_wait3A_101] : memref<40x128xi32, #tpu.memory_space<vmem>> -> memref<1x128xi32, #tpu.memory_space<vmem>>
        %dma_wait3A_103 = tpu.memref_squeeze %dma_wait3A_102 : memref<1x128xi32, #tpu.memory_space<vmem>> -> memref<128xi32, #tpu.memory_space<vmem>>
        %dma_wait3A_104 = arith.constant 0 : i32
        %dma_wait3A_105 = arith.constant 0 : i32
        %dma_wait3A_106 = tpu.memref_slice %arg11[%dma_wait3A_104, %dma_wait3A_105] : memref<10240x128xf32, #tpu.memory_space<vmem_shared>> -> memref<10240x128xf32, #tpu.memory_space<vmem_shared>>
        tpu.wait_indirect_dma semaphore(%run_scoped3A_86 : memref<!tpu.dma_semaphore, #tpu.memory_space<semaphore_mem>>) src(%dma_wait3A_100 : memref<128x128xf32, #tpu.memory_space<vmem>>) dst(%dma_wait3A_106 : memref<10240x128xf32, #tpu.memory_space<vmem_shared>>)
        tpu.yield
      }) : () -> ()
      %add3A_67 = arith.constant 1 : i32
      %add3A_68 = arith.addi %add3A_52, %add3A_67 : i32
      %add3A_69 = arith.constant 1 : i32
      %add3A_70 = arith.addi %add3A_68, %add3A_69 : i32
      %lt3A_71 = arith.constant 40 : i32
      %lt3A_72 = arith.cmpi slt, %add3A_70, %lt3A_71 : i32
      %convert_element_type3A_73 = arith.extui %lt3A_72 : i1 to i32
      %cond3A_74 = arith.constant 0 : i32
      %cond3A_75 = arith.cmpi ne, %convert_element_type3A_73, %cond3A_74 : i32
      scf.if %cond3A_75 {
        %add3A_86 = arith.constant 1 : i32
        %add3A_87 = arith.addi %add3A_68, %add3A_86 : i32
        %dma_start3A_88 = arith.constant 0 : i32
        %dma_start3A_89 = arith.constant 0 : i32
        %dma_start3A_90 = arith.constant 0 : i32
        %dma_start3A_91 = tpu.memref_slice %arg10[%dma_start3A_88, %dma_start3A_89, %dma_start3A_90] : memref<2x128x128xf32, #tpu.memory_space<vmem>> -> memref<1x128x128xf32, #tpu.memory_space<vmem>>
        %dma_start3A_92 = tpu.memref_squeeze %dma_start3A_91 : memref<1x128x128xf32, #tpu.memory_space<vmem>> -> memref<128x128xf32, #tpu.memory_space<vmem>>
        %dma_start3A_93 = arith.constant 0 : i32
        %dma_start3A_94 = tpu.memref_slice %arg8[%add3A_87, %dma_start3A_93] : memref<40x128xi32, #tpu.memory_space<vmem>> -> memref<1x128xi32, #tpu.memory_space<vmem>>
        %dma_start3A_95 = tpu.memref_squeeze %dma_start3A_94 : memref<1x128xi32, #tpu.memory_space<vmem>> -> memref<128xi32, #tpu.memory_space<vmem>>
        %dma_start3A_96 = arith.constant 0 : i32
        %dma_start3A_97 = arith.constant 0 : i32
        %dma_start3A_98 = tpu.memref_slice %arg2[%dma_start3A_96, %dma_start3A_97] : memref<10000x128xf32, #tpu.memory_space<hbm>> -> memref<10000x128xf32, #tpu.memory_space<hbm>>
        tpu.enqueue_indirect_dma source(%dma_start3A_98 : memref<10000x128xf32, #tpu.memory_space<hbm>>) target(%dma_start3A_92 : memref<128x128xf32, #tpu.memory_space<vmem>>) offsets(%dma_start3A_95 : memref<128xi32, #tpu.memory_space<vmem>>) semaphore(%arg12 : memref<!tpu.dma_semaphore, #tpu.memory_space<semaphore_mem>>)
      } else {
      }
      %dma_wait3A_76 = arith.constant 1 : i32
      %dma_wait3A_77 = arith.constant 0 : i32
      %dma_wait3A_78 = arith.constant 0 : i32
      %dma_wait3A_79 = tpu.memref_slice %arg10[%dma_wait3A_76, %dma_wait3A_77, %dma_wait3A_78] : memref<2x128x128xf32, #tpu.memory_space<vmem>> -> memref<1x128x128xf32, #tpu.memory_space<vmem>>
      %dma_wait3A_80 = tpu.memref_squeeze %dma_wait3A_79 : memref<1x128x128xf32, #tpu.memory_space<vmem>> -> memref<128x128xf32, #tpu.memory_space<vmem>>
      %dma_wait3A_81 = arith.constant 0 : i32
      %dma_wait3A_82 = arith.constant 0 : i32
      %dma_wait3A_83 = tpu.memref_slice %arg10[%dma_wait3A_76, %dma_wait3A_81, %dma_wait3A_82] : memref<2x128x128xf32, #tpu.memory_space<vmem>> -> memref<1x128x128xf32, #tpu.memory_space<vmem>>
      %dma_wait3A_84 = tpu.memref_squeeze %dma_wait3A_83 : memref<1x128x128xf32, #tpu.memory_space<vmem>> -> memref<128x128xf32, #tpu.memory_space<vmem>>
      tpu.wait_dma2 semaphore(%arg13 : memref<!tpu.dma_semaphore, #tpu.memory_space<semaphore_mem>>) src(%arg6 : memref<128x128xf32, #tpu.memory_space<hbm>>) dst(%dma_wait3A_84 : memref<128x128xf32, #tpu.memory_space<vmem>>)
      %run_scoped3A_85 = arith.constant 1 : i32
      "tpu.region"() ({
        %run_scoped3A_86 = tpu.sem_alloc : memref<!tpu.dma_semaphore, #tpu.memory_space<semaphore_mem>>
        %dma_start3A_87 = arith.constant 0 : i32
        %dma_start3A_88 = arith.constant 0 : i32
        %dma_start3A_89 = tpu.memref_slice %arg10[%run_scoped3A_85, %dma_start3A_87, %dma_start3A_88] : memref<2x128x128xf32, #tpu.memory_space<vmem>> -> memref<1x128x128xf32, #tpu.memory_space<vmem>>
        %dma_start3A_90 = tpu.memref_squeeze %dma_start3A_89 : memref<1x128x128xf32, #tpu.memory_space<vmem>> -> memref<128x128xf32, #tpu.memory_space<vmem>>
        %dma_start3A_91 = arith.constant 0 : i32
        %dma_start3A_92 = tpu.memref_slice %arg9[%add3A_68, %dma_start3A_91] : memref<40x128xi32, #tpu.memory_space<vmem>> -> memref<1x128xi32, #tpu.memory_space<vmem>>
        %dma_start3A_93 = tpu.memref_squeeze %dma_start3A_92 : memref<1x128xi32, #tpu.memory_space<vmem>> -> memref<128xi32, #tpu.memory_space<vmem>>
        %dma_start3A_94 = arith.constant 0 : i32
        %dma_start3A_95 = arith.constant 0 : i32
        %dma_start3A_96 = tpu.memref_slice %arg11[%dma_start3A_94, %dma_start3A_95] : memref<10240x128xf32, #tpu.memory_space<vmem_shared>> -> memref<10240x128xf32, #tpu.memory_space<vmem_shared>>
        tpu.enqueue_indirect_dma source(%dma_start3A_90 : memref<128x128xf32, #tpu.memory_space<vmem>>) target(%dma_start3A_96 : memref<10240x128xf32, #tpu.memory_space<vmem_shared>>) offsets(%dma_start3A_93 : memref<128xi32, #tpu.memory_space<vmem>>) semaphore(%run_scoped3A_86 : memref<!tpu.dma_semaphore, #tpu.memory_space<semaphore_mem>>) {add = true}
        %dma_wait3A_97 = arith.constant 0 : i32
        %dma_wait3A_98 = arith.constant 0 : i32
        %dma_wait3A_99 = tpu.memref_slice %arg10[%run_scoped3A_85, %dma_wait3A_97, %dma_wait3A_98] : memref<2x128x128xf32, #tpu.memory_space<vmem>> -> memref<1x128x128xf32, #tpu.memory_space<vmem>>
        %dma_wait3A_100 = tpu.memref_squeeze %dma_wait3A_99 : memref<1x128x128xf32, #tpu.memory_space<vmem>> -> memref<128x128xf32, #tpu.memory_space<vmem>>
        %dma_wait3A_101 = arith.constant 0 : i32
        %dma_wait3A_102 = tpu.memref_slice %arg9[%add3A_68, %dma_wait3A_101] : memref<40x128xi32, #tpu.memory_space<vmem>> -> memref<1x128xi32, #tpu.memory_space<vmem>>
        %dma_wait3A_103 = tpu.memref_squeeze %dma_wait3A_102 : memref<1x128xi32, #tpu.memory_space<vmem>> -> memref<128xi32, #tpu.memory_space<vmem>>
        %dma_wait3A_104 = arith.constant 0 : i32
        %dma_wait3A_105 = arith.constant 0 : i32
        %dma_wait3A_106 = tpu.memref_slice %arg11[%dma_wait3A_104, %dma_wait3A_105] : memref<10240x128xf32, #tpu.memory_space<vmem_shared>> -> memref<10240x128xf32, #tpu.memory_space<vmem_shared>>
        tpu.wait_indirect_dma semaphore(%run_scoped3A_86 : memref<!tpu.dma_semaphore, #tpu.memory_space<semaphore_mem>>) src(%dma_wait3A_100 : memref<128x128xf32, #tpu.memory_space<vmem>>) dst(%dma_wait3A_106 : memref<10240x128xf32, #tpu.memory_space<vmem_shared>>)
        tpu.yield
      }) : () -> ()
    }
    %scan3A_44 = arith.constant 20 : i32
    %barrier3A_45 = arith.constant 0 : index
    tpu.barrier barrier_id(%barrier3A_45)
    %mul3A_46 = arith.constant 640 : i32
    %mul3A_47 = arith.muli %arg1, %mul3A_46 : i32
    "tpu.region"() ({
      %run_scoped3A = tpu.sem_alloc : memref<!tpu.dma_semaphore, #tpu.memory_space<semaphore_mem>>
      %dma_start3A_48 = arith.constant 0 : i32
      %dma_start3A_49 = tpu.memref_slice %arg7[%arg0, %mul3A_47, %dma_start3A_48] : memref<2x10240x128xf32, #tpu.memory_space<hbm>> -> memref<1x640x128xf32, #tpu.memory_space<hbm>>
      %dma_start3A_50 = tpu.memref_squeeze %dma_start3A_49 : memref<1x640x128xf32, #tpu.memory_space<hbm>> -> memref<640x128xf32, #tpu.memory_space<hbm>>
      %dma_start3A_51 = arith.constant 0 : i32
      %dma_start3A_52 = tpu.memref_slice %arg11[%mul3A_47, %dma_start3A_51] : memref<10240x128xf32, #tpu.memory_space<vmem_shared>> -> memref<640x128xf32, #tpu.memory_space<vmem_shared>>
      tpu.enqueue_dma source(%dma_start3A_52 : memref<640x128xf32, #tpu.memory_space<vmem_shared>>) target(%dma_start3A_50 : memref<640x128xf32, #tpu.memory_space<hbm>>) target_semaphore(%run_scoped3A : memref<!tpu.dma_semaphore, #tpu.memory_space<semaphore_mem>>)
      %dma_wait3A = arith.constant 0 : i32
      %dma_wait3A_53 = tpu.memref_slice %arg7[%arg0, %mul3A_47, %dma_wait3A] : memref<2x10240x128xf32, #tpu.memory_space<hbm>> -> memref<1x640x128xf32, #tpu.memory_space<hbm>>
      %dma_wait3A_54 = tpu.memref_squeeze %dma_wait3A_53 : memref<1x640x128xf32, #tpu.memory_space<hbm>> -> memref<640x128xf32, #tpu.memory_space<hbm>>
      %dma_wait3A_55 = arith.constant 0 : i32
      %dma_wait3A_56 = tpu.memref_slice %arg11[%mul3A_47, %dma_wait3A_55] : memref<10240x128xf32, #tpu.memory_space<vmem_shared>> -> memref<640x128xf32, #tpu.memory_space<vmem_shared>>
      tpu.wait_dma2 semaphore(%run_scoped3A : memref<!tpu.dma_semaphore, #tpu.memory_space<semaphore_mem>>) src(%dma_wait3A_56 : memref<640x128xf32, #tpu.memory_space<vmem_shared>>) dst(%dma_wait3A_54 : memref<640x128xf32, #tpu.memory_space<hbm>>)
      tpu.yield
    }) : () -> ()
    return
  }
}

module attributes {stable_mosaic.version = 14 : i64} {
  func.func @_enc_body(%arg0: memref<10000x128xf32, #tpu.memory_space<vmem>>, %arg1: memref<128x128xf32, #tpu.memory_space<vmem>>, %arg2: memref<1x128xf32, #tpu.memory_space<vmem>>, %arg3: memref<10000x128xf32, #tpu.memory_space<vmem>>) attributes {dimension_semantics = [], scalar_prefetch = 0 : i64, scratch_operands = 0 : i64, tpu.core_type = #tpu.core_type<tc>} {
    %get3A = arith.constant 0 : index
    %get3A_0 = arith.constant 0 : index
    %get3A_1 = vector.load %arg0[%get3A, %get3A_0] : memref<10000x128xf32, #tpu.memory_space<vmem>>, vector<10000x128xf32>
    %get3A_2 = arith.constant 0 : index
    %get3A_3 = arith.constant 0 : index
    %get3A_4 = vector.load %arg1[%get3A_2, %get3A_3] : memref<128x128xf32, #tpu.memory_space<vmem>>, vector<128x128xf32>
    %dot_general3A = arith.constant dense<0.000000e+00> : vector<10000x128xf32>
    %dot_general3A_5 = tpu.matmul %get3A_1, %get3A_4, %dot_general3A {dimension_numbers = #tpu.dot_dimension_numbers<[1], [0], [0], [1], [0, 0, 1, 1], [], []>, transpose_lhs_hint = false} : vector<10000x128xf32>, vector<128x128xf32>, vector<10000x128xf32> -> vector<10000x128xf32>
    %get3A_6 = arith.constant 0 : index
    %get3A_7 = arith.constant 0 : index
    %get3A_8 = vector.load %arg2[%get3A_6, %get3A_7] : memref<1x128xf32, #tpu.memory_space<vmem>>, vector<1x128xf32>
    %add3A = vector.broadcast %get3A_8 : vector<1x128xf32> to vector<10000x128xf32>
    %add3A_9 = arith.addf %dot_general3A_5, %add3A : vector<10000x128xf32>
    %swap3A = arith.constant 0 : index
    %swap3A_10 = arith.constant 0 : index
    %swap3A_11 = vector.load %arg3[%swap3A, %swap3A_10] : memref<10000x128xf32, #tpu.memory_space<vmem>>, vector<10000x128xf32>
    tpu.vector_store %arg3[%swap3A, %swap3A_10], %add3A_9 {strides = array<i32>} : memref<10000x128xf32, #tpu.memory_space<vmem>>, vector<10000x128xf32>,
    return
  }
}

module attributes {stable_mosaic.version = 14 : i64} {
  func.func @_layer_body(%arg0: memref<2x10240x128xf32, #tpu.memory_space<vmem>>, %arg1: memref<2x10240x128xf32, #tpu.memory_space<vmem>>, %arg2: memref<10000x128xf32, #tpu.memory_space<vmem>>, %arg3: memref<128x128xf32, #tpu.memory_space<vmem>>, %arg4: memref<1x128xf32, #tpu.memory_space<vmem>>, %arg5: memref<1x128xf32, #tpu.memory_space<vmem>>, %arg6: memref<1x128xf32, #tpu.memory_space<vmem>>, %arg7: memref<10000x128xf32, #tpu.memory_space<vmem>>) attributes {dimension_semantics = [], scalar_prefetch = 0 : i64, scratch_operands = 0 : i64, tpu.core_type = #tpu.core_type<tc>} {
    %get3A = arith.constant 0 : index
    %get3A_0 = arith.constant 0 : index
    %get3A_1 = arith.constant 0 : index
    %get3A_2 = vector.load %arg0[%get3A, %get3A_0, %get3A_1] : memref<2x10240x128xf32, #tpu.memory_space<vmem>>, vector<1x10000x128xf32>
    %get3A_3 = vector.shape_cast %get3A_2 : vector<1x10000x128xf32> to vector<10000x128xf32>
    %get3A_4 = arith.constant 1 : index
    %get3A_5 = arith.constant 0 : index
    %get3A_6 = arith.constant 0 : index
    %get3A_7 = vector.load %arg0[%get3A_4, %get3A_5, %get3A_6] : memref<2x10240x128xf32, #tpu.memory_space<vmem>>, vector<1x10000x128xf32>
    %get3A_8 = vector.shape_cast %get3A_7 : vector<1x10000x128xf32> to vector<10000x128xf32>
    %add3A = arith.addf %get3A_3, %get3A_8 : vector<10000x128xf32>
    %get3A_9 = arith.constant 0 : index
    %get3A_10 = arith.constant 0 : index
    %get3A_11 = arith.constant 0 : index
    %get3A_12 = vector.load %arg1[%get3A_9, %get3A_10, %get3A_11] : memref<2x10240x128xf32, #tpu.memory_space<vmem>>, vector<1x10000x1xf32>
    %get3A_13 = vector.shape_cast %get3A_12 : vector<1x10000x1xf32> to vector<10000x1xf32>
    %get3A_14 = arith.constant 1 : index
    %get3A_15 = arith.constant 0 : index
    %get3A_16 = arith.constant 0 : index
    %get3A_17 = vector.load %arg1[%get3A_14, %get3A_15, %get3A_16] : memref<2x10240x128xf32, #tpu.memory_space<vmem>>, vector<1x10000x1xf32>
    %get3A_18 = vector.shape_cast %get3A_17 : vector<1x10000x1xf32> to vector<10000x1xf32>
    %add3A_19 = arith.addf %get3A_13, %get3A_18 : vector<10000x1xf32>
    %max3A = arith.constant 1.000000e+00 : f32
    %max3A_20 = vector.broadcast %max3A : f32 to vector<10000x1xf32>
    %max3A_21 = arith.maximumf %add3A_19, %max3A_20 : vector<10000x1xf32>
    %div3A = vector.broadcast %max3A_21 : vector<10000x1xf32> to vector<10000x128xf32>
    %div3A_22 = arith.divf %add3A, %div3A : vector<10000x128xf32>
    %get3A_23 = arith.constant 0 : index
    %get3A_24 = arith.constant 0 : index
    %get3A_25 = vector.load %arg3[%get3A_23, %get3A_24] : memref<128x128xf32, #tpu.memory_space<vmem>>, vector<128x128xf32>
    %dot_general3A = arith.constant dense<0.000000e+00> : vector<10000x128xf32>
    %dot_general3A_26 = tpu.matmul %div3A_22, %get3A_25, %dot_general3A {dimension_numbers = #tpu.dot_dimension_numbers<[1], [0], [0], [1], [0, 0, 1, 1], [], []>, transpose_lhs_hint = false} : vector<10000x128xf32>, vector<128x128xf32>, vector<10000x128xf32> -> vector<10000x128xf32>
    %get3A_27 = arith.constant 0 : index
    %get3A_28 = arith.constant 0 : index
    %get3A_29 = vector.load %arg4[%get3A_27, %get3A_28] : memref<1x128xf32, #tpu.memory_space<vmem>>, vector<1x128xf32>
    %add3A_30 = vector.broadcast %get3A_29 : vector<1x128xf32> to vector<10000x128xf32>
    %add3A_31 = arith.addf %dot_general3A_26, %add3A_30 : vector<10000x128xf32>
    %reduce_sum3A = arith.constant dense<0.000000e+00> : vector<128xf32>
    %reduce_sum3A_32 = vector.multi_reduction <add>, %add3A_31, %reduce_sum3A [0] : vector<10000x128xf32> to vector<128xf32>
    %broadcast_in_dim3A = vector.shape_cast %reduce_sum3A_32 : vector<128xf32> to vector<1x128xf32>
    %div3A_33 = arith.constant 1.000000e+04 : f32
    %div3A_34 = vector.broadcast %div3A_33 : f32 to vector<1x128xf32>
    %div3A_35 = arith.divf %broadcast_in_dim3A, %div3A_34 : vector<1x128xf32>
    %sub3A = vector.broadcast %div3A_35 : vector<1x128xf32> to vector<10000x128xf32>
    %sub3A_36 = arith.subf %add3A_31, %sub3A : vector<10000x128xf32>
    %integer_pow3A = arith.mulf %sub3A_36, %sub3A_36 : vector<10000x128xf32>
    %reduce_sum3A_37 = arith.constant dense<0.000000e+00> : vector<128xf32>
    %reduce_sum3A_38 = vector.multi_reduction <add>, %integer_pow3A, %reduce_sum3A_37 [0] : vector<10000x128xf32> to vector<128xf32>
    %broadcast_in_dim3A_39 = vector.shape_cast %reduce_sum3A_38 : vector<128xf32> to vector<1x128xf32>
    %div3A_40 = arith.constant 1.000000e+04 : f32
    %div3A_41 = vector.broadcast %div3A_40 : f32 to vector<1x128xf32>
    %div3A_42 = arith.divf %broadcast_in_dim3A_39, %div3A_41 : vector<1x128xf32>
    %sub3A_43 = vector.broadcast %div3A_35 : vector<1x128xf32> to vector<10000x128xf32>
    %sub3A_44 = arith.subf %add3A_31, %sub3A_43 : vector<10000x128xf32>
    %add3A_45 = arith.constant 9.99999974E-6 : f32
    %add3A_46 = vector.broadcast %add3A_45 : f32 to vector<1x128xf32>
    %add3A_47 = arith.addf %div3A_42, %add3A_46 : vector<1x128xf32>
    %rsqrt3A = math.rsqrt %add3A_47 : vector<1x128xf32>
    %mul3A = vector.broadcast %rsqrt3A : vector<1x128xf32> to vector<10000x128xf32>
    %mul3A_48 = arith.mulf %sub3A_44, %mul3A : vector<10000x128xf32>
    %get3A_49 = arith.constant 0 : index
    %get3A_50 = arith.constant 0 : index
    %get3A_51 = vector.load %arg5[%get3A_49, %get3A_50] : memref<1x128xf32, #tpu.memory_space<vmem>>, vector<1x128xf32>
    %mul3A_52 = vector.broadcast %get3A_51 : vector<1x128xf32> to vector<10000x128xf32>
    %mul3A_53 = arith.mulf %mul3A_48, %mul3A_52 : vector<10000x128xf32>
    %get3A_54 = arith.constant 0 : index
    %get3A_55 = arith.constant 0 : index
    %get3A_56 = vector.load %arg6[%get3A_54, %get3A_55] : memref<1x128xf32, #tpu.memory_space<vmem>>, vector<1x128xf32>
    %add3A_57 = vector.broadcast %get3A_56 : vector<1x128xf32> to vector<10000x128xf32>
    %add3A_58 = arith.addf %mul3A_53, %add3A_57 : vector<10000x128xf32>
    %get3A_59 = arith.constant 0 : index
    %get3A_60 = arith.constant 0 : index
    %get3A_61 = vector.load %arg2[%get3A_59, %get3A_60] : memref<10000x128xf32, #tpu.memory_space<vmem>>, vector<10000x128xf32>
    %max3A_62 = arith.constant 0.000000e+00 : f32
    %max3A_63 = vector.broadcast %max3A_62 : f32 to vector<10000x128xf32>
    %max3A_64 = arith.maximumf %add3A_58, %max3A_63 : vector<10000x128xf32>
    %add3A_65 = arith.addf %get3A_61, %max3A_64 : vector<10000x128xf32>
    %swap3A = arith.constant 0 : index
    %swap3A_66 = arith.constant 0 : index
    %swap3A_67 = vector.load %arg7[%swap3A, %swap3A_66] : memref<10000x128xf32, #tpu.memory_space<vmem>>, vector<10000x128xf32>
    tpu.vector_store %arg7[%swap3A, %swap3A_66], %add3A_65 {strides = array<i32>} : memref<10000x128xf32, #tpu.memory_space<vmem>>, vector<10000x128xf32>,
    return
  }
}

module attributes {stable_mosaic.version = 14 : i64} {
  func.func @_out_body(%arg0: memref<10000x128xf32, #tpu.memory_space<vmem>>, %arg1: memref<128x40xf32, #tpu.memory_space<vmem>>, %arg2: memref<1x40xf32, #tpu.memory_space<vmem>>, %arg3: memref<10000x40xf32, #tpu.memory_space<vmem>>) attributes {dimension_semantics = [], scalar_prefetch = 0 : i64, scratch_operands = 0 : i64, tpu.core_type = #tpu.core_type<tc>} {
    %get3A = arith.constant 0 : index
    %get3A_0 = arith.constant 0 : index
    %get3A_1 = vector.load %arg0[%get3A, %get3A_0] : memref<10000x128xf32, #tpu.memory_space<vmem>>, vector<10000x128xf32>
    %get3A_2 = arith.constant 0 : index
    %get3A_3 = arith.constant 0 : index
    %get3A_4 = vector.load %arg1[%get3A_2, %get3A_3] : memref<128x40xf32, #tpu.memory_space<vmem>>, vector<128x40xf32>
    %dot_general3A = arith.constant dense<0.000000e+00> : vector<10000x40xf32>
    %dot_general3A_5 = tpu.matmul %get3A_1, %get3A_4, %dot_general3A {dimension_numbers = #tpu.dot_dimension_numbers<[1], [0], [0], [1], [0, 0, 1, 1], [], []>, transpose_lhs_hint = false} : vector<10000x128xf32>, vector<128x40xf32>, vector<10000x40xf32> -> vector<10000x40xf32>
    %get3A_6 = arith.constant 0 : index
    %get3A_7 = arith.constant 0 : index
    %get3A_8 = vector.load %arg2[%get3A_6, %get3A_7] : memref<1x40xf32, #tpu.memory_space<vmem>>, vector<1x40xf32>
    %add3A = vector.broadcast %get3A_8 : vector<1x40xf32> to vector<10000x40xf32>
    %add3A_9 = arith.addf %dot_general3A_5, %add3A : vector<10000x40xf32>
    %swap3A = arith.constant 0 : index
    %swap3A_10 = arith.constant 0 : index
    %swap3A_11 = vector.load %arg3[%swap3A, %swap3A_10] : memref<10000x40xf32, #tpu.memory_space<vmem>>, vector<10000x40xf32>
    tpu.vector_store %arg3[%swap3A, %swap3A_10], %add3A_9 {strides = array<i32>} : memref<10000x40xf32, #tpu.memory_space<vmem>>, vector<10000x40xf32>,
    return
  }
}

</mosaic_0001>

<sc_bundles>
// kernel: kernel.13.cloned.1.call-start
scs
__scs_entry_jumppad:
0x0: {  	(pc) =	sbr.rel $0x88, $3  }
0x1: {  	(tag) =	ssettag $0x0;
	lr =	simm.s32 $0x1  }
0x2: {  	[smem:$0x3F97] =	sst lr;
	_ =	strace $0xD0000000  }
0x3: {  	_ = 	snop  }
0x4: {  	_ = 	snop  }
0x5: {  	_ = 	snop  }
0x6: {  	_ = 	snop  }
0x7: {  	_ = 	snop  }
__scs_overlays_trampoline_lowered:
0x8: {  	[smem:$0x3FA6] =	sst s0  }
0x9: {  	[smem:$0x3FA7] =	sst s1  }
0xa: {  	[smem:$0x3FA8] =	sst s2  }
0xb: {  	[smem:$0x3FA9] =	sst s3  }
0xc: {  	[smem:$0x3FAA] =	sst s4  }
0xd: {  	[smem:$0x3FAB] =	sst s5  }
0xe: {  	[smem:$0x3FAC] =	sst s6  }
0xf: {  	[smem:$0x3FAD] =	sst s7  }
0x10: {  	[smem:$0x3FAE] =	sst s8  }
0x11: {  	[smem:$0x3FAF] =	sst s9;
	s0 =	simm.s32 @!p0 $0x0  }
0x12: {  	s1 =	sld [smem:$0x3F95];
	s0 =	simm.s32 @p0 $0x1  }
0x13: {  	[smem:$0x3FB0] =	sst s0;
	s0 =	simm.s32 @!p1 $0x0  }
0x14: {  	s2 =	sld [smem:$0x3F94];
	s0 =	simm.s32 @p1 $0x1  }
0x15: {  	[smem:$0x3FB1] =	sst s0;
	s0 =	simm.s32 @!p2 $0x0  }
0x16: {  	s3 =	sld [smem:$0x3FDB];
	s0 =	simm.s32 @p2 $0x1  }
0x17: {  	s4 =	simm.s32 $0x1BF5;
	[smem:$0x3FB3] =	sst s0  }
0x18: {  	s0 =	sld [smem:$0x3F96];
	_ =	swait.ge [sflag:s4], $0x0  }
0x19: {  	s7 =	sld [smem:$0x3F97]  }
0x1a: {  	s8 =	sadd.s32 $0xFFFFE003, lr  }
0x1b: {  	s9 =	sadd.s32 $0xFFFFFEF7, lr;
	s5 =	simm.s32 $0xFFFFFFFF;
	p2 =	slt.u32 s8, $0xFFFFF086  }
0x1c: {  	p1 =	slt.u32 s9, $0xF7A;
	s5 =	simm.s32 @!p2 $0x0  }
0x1d: {  	s5 =	simm.s32 @p1 $0x1;
	p0 =	seq.s32 s7, s2  }
0x1e: {  	s7 =	smul.u32 @!p0 $0xF7A, s2;
	p2 =	seq.s32 @!p0 s5, $0x0  }
0x1f: {  	s9 =	smul.u32 $0xF7A, s1;
	s8 =	simm.s32 @!p0 $0x1BF5;
	p2 =	por !p2, p0  }
0x20: {  	[sflag:s8] =	ssyncset.s32 @!p0 $0xFFFFF086;
	s6 =	sadd.s32 @!p0 s3, s7;
	s7 =	simm.s32 @!p0 $0x108  }
0x21: {  	s3 =	sadd.s32 s3, s9;
	s6 =	sadd.s32 @!p0 $0x88, s6;
	s7 =	simm.s32 @p2 $0x1082  }
0x22: {  	[simem:s7], [sflag:s8] =	dma.local @!p0 [hbm:s6], $0xF7A  }
0x23: {  	s9 =	sor.u32 $0xD0000000, s2;
	s6 =	simm.s32 $0x108;
	_ =	swait.ge @!p0 [sflag:s8], $0x0  }
0x24: {  	s3 =	sadd.s32 $0x88, s3;
	s6 =	simm.s32 @!p1 $0x1082;
	[sflag:s4] =	ssyncset.s32 $0xFFFFF086  }
0x25: {  	[simem:s6], [sflag:s4] =	dma.local [hbm:s3], $0xF7A  }
0x26: {  	[smem:$0x3F97] =	sst s1;
	(tag) =	ssettag s2;
	_ =	strace s9  }
0x27: {  	s1 =	sld [smem:$0x3FA7]  }
0x28: {  	s2 =	sld [smem:$0x3FA8]  }
0x29: {  	s4 =	sld [smem:$0x3FAA]  }
0x2a: {  	p0 =	seq.s32 s5, $0x0;
	s5 =	sld [smem:$0x3FAB]  }
0x2b: {  	s6 =	sld [smem:$0x3FAC]  }
0x2c: {  	s7 =	sld [smem:$0x3FAD]  }
0x2d: {  	s3 =	simm.s32 $0x108;
	s8 =	sld [smem:$0x3FAE]  }
0x2e: {  	s3 =	simm.s32 @!p0 $0x1082;
	s9 =	sld [smem:$0x3FAF]  }
0x2f: {  	lr =	sadd.s32 s0, s3;
	s0 =	sld [smem:$0x3FA6]  }
0x30: {  	s3 =	sld [smem:$0x3FA9]  }
0x31: {  	[smem:$0x3FB2] =	sst s10  }
0x32: {  	s10 =	sld [smem:$0x3FB0];
	_ =	sdelay $0x3  }
0x33: {  	p0 =	seq.s32 s10, $0x1;
	s10 =	sld [smem:$0x3FB2];
	_ =	sdelay $0x3  }
0x34: {  	[smem:$0x3FB2] =	sst s10  }
0x35: {  	s10 =	sld [smem:$0x3FB1];
	_ =	sdelay $0x3  }
0x36: {  	p1 =	seq.s32 s10, $0x1;
	s10 =	sld [smem:$0x3FB2];
	_ =	sdelay $0x3  }
0x37: {  	[smem:$0x3FB2] =	sst s10  }
0x38: {  	s10 =	sld [smem:$0x3FB3]  }
0x39: {  	_ = 	snop;
	(pc) =	sbr.ind lr, $3  }
0x3a: {  	_ = 	snop  }
0x3b: {  	_ = 	snop  }
0x3c: {  	p2 =	seq.s32 s10, $0x1;
	s10 =	sld [smem:$0x3FB2]  }
0x3d: {  	_ =	shalt  }
0x3e: {  	_ =	shalt  }
0x3f: {  	_ =	shalt  }
0x40: {  	_ =	shalt  }
0x41: {  	_ =	shalt  }
0x42: {  	_ =	shalt  }
0x43: {  	_ =	shalt  }
0x44: {  	_ =	shalt  }
0x45: {  	_ =	shalt  }
0x46: {  	_ =	shalt  }
0x47: {  	_ =	shalt  }
0x48: {  	_ =	shalt  }
0x49: {  	_ =	shalt  }
0x4a: {  	_ =	shalt  }
0x4b: {  	_ =	shalt  }
0x4c: {  	_ =	shalt  }
0x4d: {  	_ =	shalt  }
0x4e: {  	_ =	shalt  }
0x4f: {  	_ =	shalt  }
0x50: {  	_ =	shalt  }
0x51: {  	_ =	shalt  }
0x52: {  	_ =	shalt  }
0x53: {  	_ =	shalt  }
0x54: {  	_ =	shalt  }
0x55: {  	_ =	shalt  }
0x56: {  	_ =	shalt  }
0x57: {  	_ =	shalt  }
0x58: {  	_ =	shalt  }
0x59: {  	_ =	shalt  }
0x5a: {  	_ =	shalt  }
0x5b: {  	_ =	shalt  }
0x5c: {  	_ =	shalt  }
0x5d: {  	_ =	shalt  }
0x5e: {  	_ =	shalt  }
0x5f: {  	_ =	shalt  }
0x60: {  	_ =	shalt  }
0x61: {  	_ =	shalt  }
0x62: {  	_ =	shalt  }
0x63: {  	_ =	shalt  }
0x64: {  	_ =	shalt  }
0x65: {  	_ =	shalt  }
0x66: {  	_ =	shalt  }
0x67: {  	_ =	shalt  }
0x68: {  	_ =	shalt  }
0x69: {  	_ =	shalt  }
0x6a: {  	_ =	shalt  }
0x6b: {  	_ =	shalt  }
0x6c: {  	_ =	shalt  }
0x6d: {  	_ =	shalt  }
0x6e: {  	_ =	shalt  }
0x6f: {  	_ =	shalt  }
0x70: {  	_ =	shalt  }
0x71: {  	_ =	shalt  }
0x72: {  	_ =	shalt  }
0x73: {  	_ =	shalt  }
0x74: {  	_ =	shalt  }
0x75: {  	_ =	shalt  }
0x76: {  	_ =	shalt  }
0x77: {  	_ =	shalt  }
0x78: {  	_ =	shalt  }
0x79: {  	_ =	shalt  }
0x7a: {  	_ =	shalt  }
0x7b: {  	_ =	shalt  }
0x7c: {  	_ =	shalt  }
0x7d: {  	_ =	shalt  }
0x7e: {  	_ =	shalt  }
0x7f: {  	_ =	shalt  }
0x80: {  	_ =	shalt  }
0x81: {  	_ =	shalt  }
0x82: {  	_ =	shalt  }
0x83: {  	_ =	shalt  }
0x84: {  	_ =	shalt  }
0x85: {  	_ =	shalt  }
0x86: {  	_ =	shalt  }
0x87: {  	_ =	shalt  }
.Lfunc_end0:
.L_simem_size_0:
called_computation_lowered:
.L_overlay_start_0:
0x88: {  	s2 =	sld [smem:$0x3FD9]  }
0x89: {  	s3 =	sld [smem:$0x3FFE];
	_ =	sdelay $0x1  }
0x8a: {  	s1 =	srdreg.scid  }
0x8b: {  	s0 =	sand.u32 $0x1, s1  }
0x8c: {  	s17 =	sshll.u32 s0, $0xA;
	s2 =	sadd.s32 s3, s2  }
0x8d: {  	s2 =	sadd.s32 s2, s17  }
0x8e: {  	[smem:$0x3FBE] =	sst s2  }
0x8f: {  	_ = 	snop  }
0x90: {  	s2 =	sld [smem:$0x3FD0];
	(tm) =	ssettm $0x1  }
0x91: {  	s18 =	sld [smem:$0x3FFB];
	_ =	sdelay $0x3  }
0x92: {  	_ =	strace s18  }
0x93: {  	s3 =	sld [smem:$0x3FFC];
	_ =	sdelay $0x3  }
0x94: {  	_ =	strace s3  }
0x95: {  	s3 =	sld [smem:$0x3FFD];
	_ =	sdelay $0x3  }
0x96: {  	_ =	strace s3  }
0x97: {  	_ =	strace $0x8FFFFFFF  }
0x98: {  	s19 =	sld [smem:$0x3FDB];
	_ =	sdelay $0x1  }
0x99: {  	s4 =	simm.s32 $_scs_section_size  }
0x9a: {  	s5 =	simm.s32 $_size__tile_overlayer_lowered;
	s6 =	simm.s32 $_tile_overlayer_lowered  }
0x9b: {  	s22 =	simm.s32 $0x1BFF;
	s21 =	sshll.u32 s6, $0x1;
	s3 =	sadd.s32 s4, s19  }
0x9c: {  	s7 =	simm.s32 $0x0;
	s20 =	sshll.u32 s5, $0x1;
	s5 =	sadd.s32 s21, s3  }
0x9d: {  	[timem:s7], [sflag:s22] =	dma.local [hbm:s5], s20  }
0x9e: {  	_ =	swait.ge [sflag:s22], s20  }
0x9f: {  	s4 =	ssub.s32 $0x0, s20;
	[sflag:s22] =	ssyncset.done $0x0  }
0xa0: {  	[sflag:s22] =	ssyncadd.s32 s4;
	_ =	sdelay $0x1  }
0xa1: {  	s23 =	simm.s32 $0x1B8B  }
0xa2: {  	_ =	swait.ge [sflag:s23], $0x1  }
0xa3: {  	[sflag:s23] =	ssyncset.done $0x0  }
0xa4: {  	s25 =	simm.s32 $0x1B8E;
	s24 =	sld [smem:$0x3FFE];
	[sflag:s23] =	ssyncadd.s32 $0xFFFFFFFF  }
0xa5: {  	s26 =	simm.s32 $execute0_lowered;
	[smem:$0x3FD2] =	sst s25  }
0xa6: {  	s5 =	sshll.u32 s26, $0x1;
	_ =	strace $0x80000046;
	[dreg:$0x1] =	wrdreg $0xFFFFFFFF  }
0xa7: {  	s28 =	simm.s32 $_size_execute0_lowered;
	s3 =	sadd.s32 s3, s5;
	[dreg:$0x0] =	wrdreg $0x0  }
0xa8: {  	s5 =	sshll.u32 s28, $0x1;
	[dreg:$0x2] =	wrdreg s3  }
0xa9: {  	[dreg:$0x3] =	wrdreg s5  }
0xaa: {  	[dreg:$0x4] =	wrdreg $0xC0  }
0xab: {  	_ =	task [dreg:s7], $0x5FFFF  }
0xac: {  	[dreg:$0x1] =	wrdreg $0xFFFFFFFF  }
0xad: {  	[dreg:$0x0] =	wrdreg $0x60  }
0xae: {  	[dreg:$0x2] =	wrdreg s2  }
0xaf: {  	[dreg:$0x3] =	wrdreg s24  }
0xb0: {  	[dreg:$0x4] =	wrdreg $0x40800  }
0xb1: {  	[dreg:$0x5] =	wrdreg $0x9  }
0xb2: {  	_ =	task.clear_ibuf [dreg:s7], $0x6FFFF;
	_ =	strace $0x90000046  }
0xb3: {  	s29 =	simm.s32 $0x9;
	_ =	strace $0x80000048  }
0xb4: {  	_ =	swait.ge [sflag:s29], $0x1  }
0xb5: {  	[sflag:s29] =	ssyncadd.s32 $0xFFFFFFFF  }
0xb6: {  	_ =	strace $0x90000048  }
0xb7: {  	_ =	sfence  }
0xb8: {  	s30 =	sld [smem:$0x0];
	_ =	sdelay $0x2  }
0xb9: {  	s31 =	sshll.u32 s1, $0xD;
	s1 =	sshrl.u32 s1, $0x2  }
0xba: {  	s3 =	sand.u32 $0x4000, s31;
	s1 =	sadd.s32 s1, s30  }
0xbb: {  	s0 =	sor.u32 s3, s0;
	s1 =	sshll.u32 s1, $0x11  }
0xbc: {  	s0 =	sor.u32 s1, s0  }
0xbd: {  	s0 =	sadd.s32 $0x8F2B, s0  }
0xbe: {  	[sflag:s0] =	ssyncadd.remote.s32 $0x1  }
0xbf: {  	_ =	sfence.sel $0xFFFF  }
0xc0: {  	[dreg:$0x0] =	wrdreg $0xFFFFFFFF;
	(pc) =	sbr.abs _section_cstart, $3  }
0xc1: {  	[dreg:$0x1] =	wrdreg $0xFFFFFFFF  }
0xc2: {  	_ =	task.clear_ibuf [dreg:s7], $0x2FFFF;
	_ =	strace $0x9FFFFFFF  }
0xc3: {  	(tm) =	ssettm $0x7FFFFFFF  }
tec
execute0_lowered:
.L_overlay_start_1:
0x0: {  	(tag) =	ssettag $0x1  }
0x1: {  	s1 =	rddreg [dreg:$0x0]  }
0x2: {  	s7 =	rddreg [dreg:$0x1]  }
0x3: {  	s2 =	rddreg [dreg:$0x2]  }
0x4: {  	s3 =	srdreg.scid;
	s0 =	rddreg [dreg:$0x3]  }
0x5: {  	s4 =	simm.s32 $0x0;
	s8 =	sand.u32 $0x1, s3;
	s3 =	stileid.u32  }
0x6: {  	[smem:$0x7FF] =	sst s4;
	s9 =	smul.u32 $0x140000, s8  }
0x7: {  	s5 =	sadd.s32 $0xEA00, s7;
	s6 =	sadd.s32 $0x11200, s7;
	s10 =	smul.u32 $0x14000, s3  }
0x8: {  	_ =	strace $0x80000047;
	s28 =	ssub.s32 $0x2, s8;
	s12 =	smul.u32 $0x50000, s3  }
0x9: {  	s29 =	smul.u32 $0xA00, s3;
	s31 =	sshll.u32 s3, $0x6;
	s11 =	sshrl.u32 s28, $0x1  }
0xa: {  	s13 =	smul.u32 $0x500, s8;
	s9 =	sadd.s32 s10, s9;
	s10 =	ssub.s32 s28, s11  }
0xb: {  	s30 =	sshrl.u32 s12, $0x2;
	s12 =	simm.s32 $0x1;
	s9 =	sshrl.u32 s9, $0x3  }
0xc: {  	s14 =	sadd.s32 s30, s2;
	s9 =	sadd.s32 s9, s7;
	s7 =	sor.u32 $0x1C01, s31  }
0xd: {  	s11 =	sshrl.u32 s14, $0x3;
	s14 =	simm.s32 $0x0;
	s8 =	sadd.s32 $0x11A00, s9  }
0xe: {  	s9 =	smax.u32 s10, $0x1;
	s10 =	sadd.s32 s13, s29;
	s13 =	simm.s32 $0x80  }
.LBB2_1:
0xf: {  	[spmem:s11], [sflag:s7] =	dma.local [hbm:s5], $0x2800  }
0x10: {  	_ =	swait.ge [sflag:s12], $0x2800  }
0x11: {  	[sflag:s12] =	ssyncset.done $0x0  }
0x12: {  	[sflag:s12] =	ssyncadd.s32 $0xFFFFD800  }
0x13: {  	[bflag:$0x0] =	sbarrier.arrive $0xFFFF  }
0x14: {  	[tilespmem:s13], [sflag:$0x1] =	stream.linear.gather [hbm4b:s6+s4], $0x4000, $0x38;
	[tilespmem:$0x18080] =	vst v63  }
0x15: {  	s15 =	sadd.s32 $0x0, s10;
	s16 =	sand.u32 $0x70, s4;
	_ =	swait.ge [sflag:s12], $0x4000  }
0x16: {  	s15 =	sand.u32 $0xFFFFF80, s15;
	s16 =	sadd.s32 s1, s16;
	[sflag:s12] =	ssyncset.done $0x0  }
0x17: {  	s15 =	sadd.s32 s15, s16;
	[sflag:s12] =	ssyncadd.s32 $0xFFFFC000  }
0x18: {  	[tilespmem:s4], [sflag:$0x1] =	stream.linear.gather [hbm4b:s15+s4], $0x80, $0x38;
	[tilespmem:$0x18080] =	vst v63  }
0x19: {  	_ =	swait.ge [sflag:s12], $0x80  }
0x1a: {  	[sflag:s12] =	ssyncset.done $0x0  }
0x1b: {  	s31 =	simm.s32 $0x10;
	s17 =	sadd.s32 $0x10, s10;
	[sflag:s12] =	ssyncadd.s32 $0xFFFFFF80  }
0x1c: {  	[spmem:s2] =	stream.indirect.scatter.add.f32 [tilespmem:s13], [sflag:$0x1], $0x80, s4, s13, $0xb8;
	[tilespmem:$0x18080] =	vst v63  }
0x1d: {  	s18 =	sand.u32 $0x70, s31;
	s16 =	sand.u32 $0xFFFFF80, s17;
	_ =	swait.ge [sflag:s12], $0x4000  }
0x1e: {  	s17 =	sadd.s32 s1, s18;
	s15 =	simm.s32 $0x20;
	[sflag:s12] =	ssyncset.done $0x0  }
.LBB2_2:
0x1f: {  	s16 =	sadd.s32 s16, s17  }
0x20: {  	[sflag:s12] =	ssyncadd.s32 $0xFFFFC000;
	s17 =	smov.u32 s15;
	s18 =	sadd.s32 $0x10, s15  }
0x21: {  	[tilespmem:s4], [sflag:$0x1] =	stream.linear.gather [hbm4b:s16+s4], $0x80, $0x38;
	[tilespmem:$0x18080] =	vst v63  }
0x22: {  	p0 =	sne.s32 s15, $0x4F0;
	_ =	swait.ge [sflag:s12], $0x80  }
.Ltmp0:
0x23: {  	[sflag:s12] =	ssyncset.done $0x0;
	(pc) =	sbr.rel @p0 .LBB2_2-.Ltmp0, $4  }
0x24: {  	s15 =	sadd.s32 s17, s10;
	[sflag:s12] =	ssyncadd.s32 $0xFFFFFF80  }
0x25: {  	[spmem:s2] =	stream.indirect.scatter.add.f32 [tilespmem:s13], [sflag:$0x1], $0x80, s4, s13, $0xb8;
	[tilespmem:$0x18080] =	vst v63  }
0x26: {  	s17 =	sand.u32 $0x70, s17;
	s16 =	sand.u32 $0xFFFFF80, s15;
	_ =	swait.ge [sflag:s12], $0x4000  }
0x27: {  	s17 =	sadd.s32 s1, s17;
	s15 =	smov.u32 s18;
	[sflag:s12] =	ssyncset.done $0x0  }
0x28: {  	s15 =	sadd.s32 s16, s17;
	[sflag:s12] =	ssyncadd.s32 $0xFFFFC000  }
0x29: {  	[tilespmem:s4], [sflag:$0x1] =	stream.linear.gather [hbm4b:s15+s4], $0x80, $0x38;
	[tilespmem:$0x18080] =	vst v63  }
0x2a: {  	_ =	swait.ge [sflag:s12], $0x80  }
0x2b: {  	[sflag:s12] =	ssyncset.done $0x0  }
0x2c: {  	[sflag:s12] =	ssyncadd.s32 $0xFFFFFF80  }
0x2d: {  	[spmem:s2] =	stream.indirect.scatter.add.f32 [tilespmem:s13], [sflag:$0x1], $0x80, s4, s13, $0xb8;
	[tilespmem:$0x18080] =	vst v63  }
0x2e: {  	_ =	swait.ge [sflag:s12], $0x4000  }
0x2f: {  	s14 =	sadd.s32 $0x1, s14;
	[sflag:s12] =	ssyncset.done $0x0  }
0x30: {  	p0 =	sne.s32 s14, s9;
	[sflag:s12] =	ssyncadd.s32 $0xFFFFC000  }
.Ltmp1:
0x31: {  	[bflag:$0x0] =	sbarrier.arrive $0xFFFF;
	(pc) =	sbr.rel @p0 .LBB2_1-.Ltmp1, $4  }
0x32: {  	[hbm:s8], [sflag:s7] =	dma.local [spmem:s11], $0x2800  }
0x33: {  	_ =	swait.ge [sflag:s12], $0x2800  }
0x34: {  	[sflag:s12] =	ssyncset.done $0x0  }
0x35: {  	[sflag:s12] =	ssyncadd.s32 $0xFFFFD800  }
0x36: {  	_ =	sfence.sel $0x180000  }
0x37: {  	[bflag:$0x0] =	sbarrier.arrive $0xFFFF  }
0x38: {  	p0 =	sne.s32 s3, $0x0;
	_ =	strace $0x90000047  }
0x39: {  	s0 =	sadd.s32 @!p0 $0x100000, s0;
	[bflag:$0x2] =	sbarrier.arrive $0xFFFF  }
0x3a: {  	[sflag:s0] =	ssyncadd.tile.s32 @!p0 $0x1;
	_ =	shalt  }
.Lfunc_end2:
_tile_overlayer_lowered:
.L_overlay_start_2:
0x3b: {  	(tag) =	ssettag $0x2  }
0x3c: {  	s0 =	rddreg [dreg:$0x0];
	s2 =	stileid.u32  }
0x3d: {  	s1 =	rddreg [dreg:$0x1];
	p0 =	sne.s32 s2, $0x0  }
0x3e: {  	s3 =	rddreg [dreg:$0x2];
	[bflag:$0x3] =	sbarrier.arrive $0xFFFF;
	s2 =	simm.s32 @!p0 $0x1C01  }
0x3f: {  	[timem:s3], [sflag:s2] =	dma.local @!p0 [hbm:s0], s1  }
0x40: {  	s0 =	simm.s32 @!p0 $0x1  }
0x41: {  	_ =	swait.ge @!p0 [sflag:s0], s1  }
0x42: {  	s1 =	ssub.s32 @!p0 $0x0, s1;
	[sflag:s0] =	ssyncset.done @!p0 $0x0  }
0x43: {  	[sflag:s0] =	ssyncadd.s32 @!p0 s1  }
0x44: {  	[bflag:$0x3] =	sbarrier.arrive $0xFFFF  }
0x45: {  	_ =	shalt  }

// kernel: kernel.16.cloned.1.call-start
scs
__scs_entry_jumppad:
0x0: {  	(pc) =	sbr.rel $0x88, $3  }
0x1: {  	(tag) =	ssettag $0x0;
	lr =	simm.s32 $0x1  }
0x2: {  	[smem:$0x3F97] =	sst lr;
	_ =	strace $0xD0000000  }
0x3: {  	_ = 	snop  }
0x4: {  	_ = 	snop  }
0x5: {  	_ = 	snop  }
0x6: {  	_ = 	snop  }
0x7: {  	_ = 	snop  }
__scs_overlays_trampoline_lowered:
0x8: {  	[smem:$0x3FA6] =	sst s0  }
0x9: {  	[smem:$0x3FA7] =	sst s1  }
0xa: {  	[smem:$0x3FA8] =	sst s2  }
0xb: {  	[smem:$0x3FA9] =	sst s3  }
0xc: {  	[smem:$0x3FAA] =	sst s4  }
0xd: {  	[smem:$0x3FAB] =	sst s5  }
0xe: {  	[smem:$0x3FAC] =	sst s6  }
0xf: {  	[smem:$0x3FAD] =	sst s7  }
0x10: {  	[smem:$0x3FAE] =	sst s8  }
0x11: {  	[smem:$0x3FAF] =	sst s9;
	s0 =	simm.s32 @!p0 $0x0  }
0x12: {  	s1 =	sld [smem:$0x3F95];
	s0 =	simm.s32 @p0 $0x1  }
0x13: {  	[smem:$0x3FB0] =	sst s0;
	s0 =	simm.s32 @!p1 $0x0  }
0x14: {  	s2 =	sld [smem:$0x3F94];
	s0 =	simm.s32 @p1 $0x1  }
0x15: {  	[smem:$0x3FB1] =	sst s0;
	s0 =	simm.s32 @!p2 $0x0  }
0x16: {  	s3 =	sld [smem:$0x3FDB];
	s0 =	simm.s32 @p2 $0x1  }
0x17: {  	s4 =	simm.s32 $0x1BF5;
	[smem:$0x3FB3] =	sst s0  }
0x18: {  	s0 =	sld [smem:$0x3F96];
	_ =	swait.ge [sflag:s4], $0x0  }
0x19: {  	s7 =	sld [smem:$0x3F97]  }
0x1a: {  	s8 =	sadd.s32 $0xFFFFE003, lr  }
0x1b: {  	s9 =	sadd.s32 $0xFFFFFEF7, lr;
	s5 =	simm.s32 $0xFFFFFFFF;
	p2 =	slt.u32 s8, $0xFFFFF086  }
0x1c: {  	p1 =	slt.u32 s9, $0xF7A;
	s5 =	simm.s32 @!p2 $0x0  }
0x1d: {  	s5 =	simm.s32 @p1 $0x1;
	p0 =	seq.s32 s7, s2  }
0x1e: {  	s7 =	smul.u32 @!p0 $0xF7A, s2;
	p2 =	seq.s32 @!p0 s5, $0x0  }
0x1f: {  	s9 =	smul.u32 $0xF7A, s1;
	s8 =	simm.s32 @!p0 $0x1BF5;
	p2 =	por !p2, p0  }
0x20: {  	[sflag:s8] =	ssyncset.s32 @!p0 $0xFFFFF086;
	s6 =	sadd.s32 @!p0 s3, s7;
	s7 =	simm.s32 @!p0 $0x108  }
0x21: {  	s3 =	sadd.s32 s3, s9;
	s6 =	sadd.s32 @!p0 $0x88, s6;
	s7 =	simm.s32 @p2 $0x1082  }
0x22: {  	[simem:s7], [sflag:s8] =	dma.local @!p0 [hbm:s6], $0xF7A  }
0x23: {  	s9 =	sor.u32 $0xD0000000, s2;
	s6 =	simm.s32 $0x108;
	_ =	swait.ge @!p0 [sflag:s8], $0x0  }
0x24: {  	s3 =	sadd.s32 $0x88, s3;
	s6 =	simm.s32 @!p1 $0x1082;
	[sflag:s4] =	ssyncset.s32 $0xFFFFF086  }
0x25: {  	[simem:s6], [sflag:s4] =	dma.local [hbm:s3], $0xF7A  }
0x26: {  	[smem:$0x3F97] =	sst s1;
	(tag) =	ssettag s2;
	_ =	strace s9  }
0x27: {  	s1 =	sld [smem:$0x3FA7]  }
0x28: {  	s2 =	sld [smem:$0x3FA8]  }
0x29: {  	s4 =	sld [smem:$0x3FAA]  }
0x2a: {  	p0 =	seq.s32 s5, $0x0;
	s5 =	sld [smem:$0x3FAB]  }
0x2b: {  	s6 =	sld [smem:$0x3FAC]  }
0x2c: {  	s7 =	sld [smem:$0x3FAD]  }
0x2d: {  	s3 =	simm.s32 $0x108;
	s8 =	sld [smem:$0x3FAE]  }
0x2e: {  	s3 =	simm.s32 @!p0 $0x1082;
	s9 =	sld [smem:$0x3FAF]  }
0x2f: {  	lr =	sadd.s32 s0, s3;
	s0 =	sld [smem:$0x3FA6]  }
0x30: {  	s3 =	sld [smem:$0x3FA9]  }
0x31: {  	[smem:$0x3FB2] =	sst s10  }
0x32: {  	s10 =	sld [smem:$0x3FB0];
	_ =	sdelay $0x3  }
0x33: {  	p0 =	seq.s32 s10, $0x1;
	s10 =	sld [smem:$0x3FB2];
	_ =	sdelay $0x3  }
0x34: {  	[smem:$0x3FB2] =	sst s10  }
0x35: {  	s10 =	sld [smem:$0x3FB1];
	_ =	sdelay $0x3  }
0x36: {  	p1 =	seq.s32 s10, $0x1;
	s10 =	sld [smem:$0x3FB2];
	_ =	sdelay $0x3  }
0x37: {  	[smem:$0x3FB2] =	sst s10  }
0x38: {  	s10 =	sld [smem:$0x3FB3]  }
0x39: {  	_ = 	snop;
	(pc) =	sbr.ind lr, $3  }
0x3a: {  	_ = 	snop  }
0x3b: {  	_ = 	snop  }
0x3c: {  	p2 =	seq.s32 s10, $0x1;
	s10 =	sld [smem:$0x3FB2]  }
0x3d: {  	_ =	shalt  }
0x3e: {  	_ =	shalt  }
0x3f: {  	_ =	shalt  }
0x40: {  	_ =	shalt  }
0x41: {  	_ =	shalt  }
0x42: {  	_ =	shalt  }
0x43: {  	_ =	shalt  }
0x44: {  	_ =	shalt  }
0x45: {  	_ =	shalt  }
0x46: {  	_ =	shalt  }
0x47: {  	_ =	shalt  }
0x48: {  	_ =	shalt  }
0x49: {  	_ =	shalt  }
0x4a: {  	_ =	shalt  }
0x4b: {  	_ =	shalt  }
0x4c: {  	_ =	shalt  }
0x4d: {  	_ =	shalt  }
0x4e: {  	_ =	shalt  }
0x4f: {  	_ =	shalt  }
0x50: {  	_ =	shalt  }
0x51: {  	_ =	shalt  }
0x52: {  	_ =	shalt  }
0x53: {  	_ =	shalt  }
0x54: {  	_ =	shalt  }
0x55: {  	_ =	shalt  }
0x56: {  	_ =	shalt  }
0x57: {  	_ =	shalt  }
0x58: {  	_ =	shalt  }
0x59: {  	_ =	shalt  }
0x5a: {  	_ =	shalt  }
0x5b: {  	_ =	shalt  }
0x5c: {  	_ =	shalt  }
0x5d: {  	_ =	shalt  }
0x5e: {  	_ =	shalt  }
0x5f: {  	_ =	shalt  }
0x60: {  	_ =	shalt  }
0x61: {  	_ =	shalt  }
0x62: {  	_ =	shalt  }
0x63: {  	_ =	shalt  }
0x64: {  	_ =	shalt  }
0x65: {  	_ =	shalt  }
0x66: {  	_ =	shalt  }
0x67: {  	_ =	shalt  }
0x68: {  	_ =	shalt  }
0x69: {  	_ =	shalt  }
0x6a: {  	_ =	shalt  }
0x6b: {  	_ =	shalt  }
0x6c: {  	_ =	shalt  }
0x6d: {  	_ =	shalt  }
0x6e: {  	_ =	shalt  }
0x6f: {  	_ =	shalt  }
0x70: {  	_ =	shalt  }
0x71: {  	_ =	shalt  }
0x72: {  	_ =	shalt  }
0x73: {  	_ =	shalt  }
0x74: {  	_ =	shalt  }
0x75: {  	_ =	shalt  }
0x76: {  	_ =	shalt  }
0x77: {  	_ =	shalt  }
0x78: {  	_ =	shalt  }
0x79: {  	_ =	shalt  }
0x7a: {  	_ =	shalt  }
0x7b: {  	_ =	shalt  }
0x7c: {  	_ =	shalt  }
0x7d: {  	_ =	shalt  }
0x7e: {  	_ =	shalt  }
0x7f: {  	_ =	shalt  }
0x80: {  	_ =	shalt  }
0x81: {  	_ =	shalt  }
0x82: {  	_ =	shalt  }
0x83: {  	_ =	shalt  }
0x84: {  	_ =	shalt  }
0x85: {  	_ =	shalt  }
0x86: {  	_ =	shalt  }
0x87: {  	_ =	shalt  }
.Lfunc_end0:
.L_simem_size_0:
called_computation.1_lowered:
.L_overlay_start_0:
0x88: {  	s2 =	sld [smem:$0x3FD9]  }
0x89: {  	s3 =	sld [smem:$0x3FFE];
	_ =	sdelay $0x1  }
0x8a: {  	s1 =	srdreg.scid  }
0x8b: {  	s0 =	sand.u32 $0x1, s1  }
0x8c: {  	s17 =	sshll.u32 s0, $0xA;
	s2 =	sadd.s32 s3, s2  }
0x8d: {  	s2 =	sadd.s32 s2, s17  }
0x8e: {  	[smem:$0x3FBE] =	sst s2  }
0x8f: {  	_ = 	snop  }
0x90: {  	s2 =	sld [smem:$0x3FD0];
	(tm) =	ssettm $0x1  }
0x91: {  	s18 =	sld [smem:$0x3FFB];
	_ =	sdelay $0x3  }
0x92: {  	_ =	strace s18  }
0x93: {  	s3 =	sld [smem:$0x3FFC];
	_ =	sdelay $0x3  }
0x94: {  	_ =	strace s3  }
0x95: {  	s3 =	sld [smem:$0x3FFD];
	_ =	sdelay $0x3  }
0x96: {  	_ =	strace s3  }
0x97: {  	_ =	strace $0x8FFFFFFF  }
0x98: {  	s19 =	sld [smem:$0x3FDB];
	_ =	sdelay $0x1  }
0x99: {  	s4 =	simm.s32 $_scs_section_size  }
0x9a: {  	s5 =	simm.s32 $_size__tile_overlayer_lowered;
	s6 =	simm.s32 $_tile_overlayer_lowered  }
0x9b: {  	s22 =	simm.s32 $0x1BFF;
	s21 =	sshll.u32 s6, $0x1;
	s3 =	sadd.s32 s4, s19  }
0x9c: {  	s7 =	simm.s32 $0x0;
	s20 =	sshll.u32 s5, $0x1;
	s5 =	sadd.s32 s21, s3  }
0x9d: {  	[timem:s7], [sflag:s22] =	dma.local [hbm:s5], s20  }
0x9e: {  	_ =	swait.ge [sflag:s22], s20  }
0x9f: {  	s4 =	ssub.s32 $0x0, s20;
	[sflag:s22] =	ssyncset.done $0x0  }
0xa0: {  	[sflag:s22] =	ssyncadd.s32 s4;
	_ =	sdelay $0x1  }
0xa1: {  	s23 =	simm.s32 $0x1B8B  }
0xa2: {  	_ =	swait.ge [sflag:s23], $0x1  }
0xa3: {  	[sflag:s23] =	ssyncset.done $0x0  }
0xa4: {  	s25 =	simm.s32 $0x1B8E;
	s24 =	sld [smem:$0x3FFE];
	[sflag:s23] =	ssyncadd.s32 $0xFFFFFFFF  }
0xa5: {  	s26 =	simm.s32 $execute0_lowered;
	[smem:$0x3FD2] =	sst s25  }
0xa6: {  	s5 =	sshll.u32 s26, $0x1;
	_ =	strace $0x80000049;
	[dreg:$0x1] =	wrdreg $0xFFFFFFFF  }
0xa7: {  	s28 =	simm.s32 $_size_execute0_lowered;
	s3 =	sadd.s32 s3, s5;
	[dreg:$0x0] =	wrdreg $0x0  }
0xa8: {  	s5 =	sshll.u32 s28, $0x1;
	[dreg:$0x2] =	wrdreg s3  }
0xa9: {  	[dreg:$0x3] =	wrdreg s5  }
0xaa: {  	[dreg:$0x4] =	wrdreg $0xC0  }
0xab: {  	_ =	task [dreg:s7], $0x5FFFF  }
0xac: {  	[dreg:$0x1] =	wrdreg $0xFFFFFFFF  }
0xad: {  	[dreg:$0x0] =	wrdreg $0x60  }
0xae: {  	[dreg:$0x2] =	wrdreg s24  }
0xaf: {  	[dreg:$0x3] =	wrdreg s2  }
0xb0: {  	[dreg:$0x4] =	wrdreg $0xA8000  }
0xb1: {  	[dreg:$0x5] =	wrdreg $0x9  }
0xb2: {  	_ =	task.clear_ibuf [dreg:s7], $0x6FFFF;
	_ =	strace $0x90000049  }
0xb3: {  	s29 =	simm.s32 $0x9;
	_ =	strace $0x8000004B  }
0xb4: {  	_ =	swait.ge [sflag:s29], $0x1  }
0xb5: {  	[sflag:s29] =	ssyncadd.s32 $0xFFFFFFFF  }
0xb6: {  	_ =	strace $0x9000004B  }
0xb7: {  	_ =	sfence  }
0xb8: {  	s30 =	sld [smem:$0x0];
	_ =	sdelay $0x2  }
0xb9: {  	s31 =	sshll.u32 s1, $0xD;
	s1 =	sshrl.u32 s1, $0x2  }
0xba: {  	s3 =	sand.u32 $0x4000, s31;
	s1 =	sadd.s32 s1, s30  }
0xbb: {  	s0 =	sor.u32 s3, s0;
	s1 =	sshll.u32 s1, $0x11  }
0xbc: {  	s0 =	sor.u32 s1, s0  }
0xbd: {  	s0 =	sadd.s32 $0x8F2B, s0  }
0xbe: {  	[sflag:s0] =	ssyncadd.remote.s32 $0x1  }
0xbf: {  	_ =	sfence.sel $0xFFFF  }
0xc0: {  	[dreg:$0x0] =	wrdreg $0xFFFFFFFF;
	(pc) =	sbr.abs _section_cstart, $3  }
0xc1: {  	[dreg:$0x1] =	wrdreg $0xFFFFFFFF  }
0xc2: {  	_ =	task.clear_ibuf [dreg:s7], $0x2FFFF;
	_ =	strace $0x9FFFFFFF  }
0xc3: {  	(tm) =	ssettm $0x7FFFFFFF  }
tec
execute0_lowered:
.L_overlay_start_1:
0x0: {  	(tag) =	ssettag $0x1  }
0x1: {  	s6 =	rddreg [dreg:$0x0]  }
0x2: {  	s10 =	rddreg [dreg:$0x1]  }
0x3: {  	s1 =	rddreg [dreg:$0x2]  }
0x4: {  	s2 =	srdreg.scid;
	s0 =	rddreg [dreg:$0x3]  }
0x5: {  	s3 =	simm.s32 $0x0;
	s16 =	simm.s32 $0x80;
	s17 =	simm.s32 $0x2800  }
0x6: {  	s18 =	simm.s32 $0x6800;
	s19 =	simm.s32 $0x1;
	s20 =	simm.s32 $0x2  }
0x7: {  	s21 =	simm.s32 $0x1380;
	s22 =	simm.s32 $0x2700;
	s23 =	simm.s32 $0x2780  }
0x8: {  	s7 =	sand.u32 $0x1, s2;
	s2 =	stileid.u32;
	[smem:$0x7FF] =	sst s3  }
0x9: {  	s4 =	sadd.s32 $0x61A00, s6;
	s11 =	sadd.s32 $0x4A00, s6;
	s8 =	smul.u32 $0x140000, s7  }
0xa: {  	s5 =	sadd.s32 $0xEA00, s6;
	s9 =	smul.u32 $0x14000, s2;
	_ =	strace $0x8000004A  }
0xb: {  	s24 =	sshll.u32 s2, $0x1;
	s12 =	ssub.s32 $0x2, s7;
	s25 =	smul.u32 $0x50000, s2  }
0xc: {  	s28 =	sshll.u32 s2, $0x6;
	s7 =	sor.u32 s7, s24;
	s13 =	sshrl.u32 s12, $0x1  }
0xd: {  	s24 =	simm.s32 $0x0;
	s8 =	sadd.s32 s9, s8;
	s14 =	smul.u32 $0x2800, s7  }
0xe: {  	s12 =	ssub.s32 s12, s13;
	s26 =	sshrl.u32 s25, $0x2;
	s29 =	smul.u32 $0x500, s7  }
0xf: {  	s8 =	sshrl.u32 s8, $0x3;
	s31 =	sadd.s32 s26, s1;
	s12 =	smax.u32 s12, $0x1  }
0x10: {  	s15 =	sadd.s32 s8, s6;
	s30 =	sshrl.u32 s14, $0x3;
	s6 =	sor.u32 $0x1C03, s28  }
0x11: {  	s7 =	sadd.s32 s11, s29;
	s8 =	sadd.s32 s10, s29;
	s14 =	sadd.s32 $0x280, s30  }
0x12: {  	s13 =	sshrl.u32 s31, $0x3;
	s9 =	sadd.s32 s11, s14;
	s10 =	sadd.s32 s10, s14  }
0x13: {  	s11 =	sadd.s32 $0x88C00, s15;
	s14 =	simm.s32 $0x3;
	s15 =	simm.s32 $0x1400  }
.LBB2_1:
0x14: {  	[spmem:s13], [sflag:s6] =	dma.local [hbm:s5], $0x2800  }
0x15: {  	_ =	swait.ge [sflag:s14], $0x2800  }
0x16: {  	[sflag:s14] =	ssyncset.done $0x0  }
0x17: {  	[sflag:s14] =	ssyncadd.s32 $0xFFFFD800  }
0x18: {  	[bflag:$0x0] =	sbarrier.arrive $0xFFFF  }
0x19: {  	[tilespmem:s3], [sflag:$0x3] =	stream.linear.gather [hbm4b:s7+s3], $0x1400, $0x38;
	[tilespmem:$0x1E800] =	vst v63  }
0x1a: {  	_ =	swait.ge [sflag:s14], $0x1400  }
0x1b: {  	[sflag:s14] =	ssyncset.done $0x0  }
0x1c: {  	[sflag:s14] =	ssyncadd.s32 $0xFFFFEC00  }
0x1d: {  	[tilespmem:s15], [sflag:$0x3] =	stream.linear.gather [hbm4b:s8+s3], $0x1400, $0x38;
	[tilespmem:$0x1E800] =	vst v63  }
0x1e: {  	_ =	swait.ge [sflag:s14], $0x1400  }
0x1f: {  	[sflag:s14] =	ssyncset.done $0x0  }
0x20: {  	[sflag:s14] =	ssyncadd.s32 $0xFFFFEC00  }
0x21: {  	[tilespmem:s17], [sflag:$0x1] =	stream.indirect.gather [hbm4b:s4+s16], $0x80, s3, s16, $0xb8;
	[tilespmem:$0x1E800] =	vst v63  }
0x22: {  	s25 =	simm.s32 $0x80  }
0x23: {  	[tilespmem:s18], [sflag:$0x2] =	stream.indirect.gather [hbm4b:s4+s16], $0x80, s25, s16, $0xb8;
	[tilespmem:$0x1E800] =	vst v63  }
0x24: {  	_ =	swait.ge [sflag:s19], $0x4000  }
0x25: {  	[sflag:s19] =	ssyncset.done $0x0  }
0x26: {  	s29 =	simm.s32 $0x1400;
	[sflag:s19] =	ssyncadd.s32 $0xFFFFC000  }
0x27: {  	[spmem:s1] =	stream.indirect.scatter.add.f32 [tilespmem:s17], [sflag:$0x3], $0x80, s29, s16, $0xb8;
	[tilespmem:$0x1E800] =	vst v63  }
0x28: {  	_ =	swait.ge [sflag:s14], $0x4000  }
0x29: {  	[sflag:s14] =	ssyncset.done $0x0  }
0x2a: {  	s30 =	simm.s32 $0x100;
	[sflag:s14] =	ssyncadd.s32 $0xFFFFC000  }
0x2b: {  	[tilespmem:s17], [sflag:$0x1] =	stream.indirect.gather [hbm4b:s4+s16], $0x80, s30, s16, $0xb8;
	[tilespmem:$0x1E800] =	vst v63  }
0x2c: {  	_ =	swait.ge [sflag:s20], $0x4000  }
0x2d: {  	[sflag:s20] =	ssyncset.done $0x0  }
0x2e: {  	s31 =	simm.s32 $0x1480;
	[sflag:s20] =	ssyncadd.s32 $0xFFFFC000  }
0x2f: {  	[spmem:s1] =	stream.indirect.scatter.add.f32 [tilespmem:s18], [sflag:$0x3], $0x80, s31, s16, $0xb8;
	[tilespmem:$0x1E800] =	vst v63  }
0x30: {  	_ =	swait.ge [sflag:s14], $0x4000  }
0x31: {  	s26 =	simm.s32 $0x800;
	s25 =	simm.s32 $0x100;
	[sflag:s14] =	ssyncset.done $0x0  }
.LBB2_2:
0x32: {  	s28 =	sadd.s32 $0x80, s25  }
0x33: {  	[sflag:s14] =	ssyncadd.s32 $0xFFFFC000;
	s29 =	smov.u32 s26;
	s30 =	sadd.s32 $0x400, s26  }
0x34: {  	[tilespmem:s18], [sflag:$0x2] =	stream.indirect.gather [hbm4b:s4+s16], $0x80, s28, s16, $0xb8;
	[tilespmem:$0x1E800] =	vst v63  }
0x35: {  	p0 =	sne.s32 s26, $0x4800;
	_ =	swait.ge [sflag:s19], $0x4000  }
0x36: {  	[sflag:s19] =	ssyncset.done $0x0  }
0x37: {  	s26 =	sadd.s32 $0x1400, s25;
	[sflag:s19] =	ssyncadd.s32 $0xFFFFC000  }
0x38: {  	[spmem:s1] =	stream.indirect.scatter.add.f32 [tilespmem:s17], [sflag:$0x3], $0x80, s26, s16, $0xb8;
	[tilespmem:$0x1E800] =	vst v63  }
0x39: {  	_ =	swait.ge [sflag:s14], $0x4000  }
0x3a: {  	[sflag:s14] =	ssyncset.done $0x0  }
0x3b: {  	s26 =	sadd.s32 $0x100, s25;
	[sflag:s14] =	ssyncadd.s32 $0xFFFFC000  }
0x3c: {  	[tilespmem:s17], [sflag:$0x1] =	stream.indirect.gather [hbm4b:s4+s16], $0x80, s26, s16, $0xb8;
	[tilespmem:$0x1E800] =	vst v63  }
0x3d: {  	_ =	swait.ge [sflag:s20], $0x4000  }
.Ltmp0:
0x3e: {  	[sflag:s20] =	ssyncset.done $0x0;
	(pc) =	sbr.rel @p0 .LBB2_2-.Ltmp0, $4  }
0x3f: {  	s25 =	sadd.s32 $0x1480, s25;
	[sflag:s20] =	ssyncadd.s32 $0xFFFFC000  }
0x40: {  	[spmem:s1] =	stream.indirect.scatter.add.f32 [tilespmem:s18], [sflag:$0x3], $0x80, s25, s16, $0xb8;
	[tilespmem:$0x1E800] =	vst v63  }
0x41: {  	_ =	swait.ge [sflag:s14], $0x4000  }
0x42: {  	s26 =	smov.u32 s30;
	s25 =	sshra.s32 s29, $0x2;
	[sflag:s14] =	ssyncset.done $0x0  }
0x43: {  	s26 =	sadd.s32 $0x80, s25;
	[sflag:s14] =	ssyncadd.s32 $0xFFFFC000  }
0x44: {  	[tilespmem:s18], [sflag:$0x2] =	stream.indirect.gather [hbm4b:s4+s16], $0x80, s26, s16, $0xb8;
	[tilespmem:$0x1E800] =	vst v63  }
0x45: {  	_ =	swait.ge [sflag:s19], $0x4000  }
0x46: {  	[sflag:s19] =	ssyncset.done $0x0  }
0x47: {  	s29 =	sadd.s32 $0x1400, s25;
	[sflag:s19] =	ssyncadd.s32 $0xFFFFC000  }
0x48: {  	[spmem:s1] =	stream.indirect.scatter.add.f32 [tilespmem:s17], [sflag:$0x3], $0x80, s29, s16, $0xb8;
	[tilespmem:$0x1E800] =	vst v63  }
0x49: {  	_ =	swait.ge [sflag:s14], $0x4000  }
0x4a: {  	[sflag:s14] =	ssyncset.done $0x0  }
0x4b: {  	s30 =	sadd.s32 $0x100, s25;
	[sflag:s14] =	ssyncadd.s32 $0xFFFFC000  }
0x4c: {  	[tilespmem:s17], [sflag:$0x1] =	stream.indirect.gather [hbm4b:s4+s16], $0x80, s30, s16, $0xb8;
	[tilespmem:$0x1E800] =	vst v63  }
0x4d: {  	_ =	swait.ge [sflag:s20], $0x4000  }
0x4e: {  	[sflag:s20] =	ssyncset.done $0x0  }
0x4f: {  	s31 =	sadd.s32 $0x1480, s25;
	[sflag:s20] =	ssyncadd.s32 $0xFFFFC000  }
0x50: {  	[spmem:s1] =	stream.indirect.scatter.add.f32 [tilespmem:s18], [sflag:$0x3], $0x80, s31, s16, $0xb8;
	[tilespmem:$0x1E800] =	vst v63  }
0x51: {  	_ =	swait.ge [sflag:s14], $0x4000  }
0x52: {  	[sflag:s14] =	ssyncset.done $0x0  }
0x53: {  	[sflag:s14] =	ssyncadd.s32 $0xFFFFC000  }
0x54: {  	[tilespmem:s18], [sflag:$0x2] =	stream.indirect.gather [hbm4b:s4+s16], $0x80, s21, s16, $0xb8;
	[tilespmem:$0x1E800] =	vst v63  }
0x55: {  	_ =	swait.ge [sflag:s19], $0x4000  }
0x56: {  	[sflag:s19] =	ssyncset.done $0x0  }
0x57: {  	[sflag:s19] =	ssyncadd.s32 $0xFFFFC000  }
0x58: {  	[spmem:s1] =	stream.indirect.scatter.add.f32 [tilespmem:s17], [sflag:$0x3], $0x80, s22, s16, $0xb8;
	[tilespmem:$0x1E800] =	vst v63  }
0x59: {  	_ =	swait.ge [sflag:s14], $0x4000  }
0x5a: {  	[sflag:s14] =	ssyncset.done $0x0  }
0x5b: {  	[sflag:s14] =	ssyncadd.s32 $0xFFFFC000  }
0x5c: {  	_ =	swait.ge [sflag:s20], $0x4000  }
0x5d: {  	[sflag:s20] =	ssyncset.done $0x0  }
0x5e: {  	[sflag:s20] =	ssyncadd.s32 $0xFFFFC000  }
0x5f: {  	[spmem:s1] =	stream.indirect.scatter.add.f32 [tilespmem:s18], [sflag:$0x3], $0x80, s23, s16, $0xb8;
	[tilespmem:$0x1E800] =	vst v63  }
0x60: {  	_ =	swait.ge [sflag:s14], $0x4000  }
0x61: {  	[sflag:s14] =	ssyncset.done $0x0  }
0x62: {  	s26 =	simm.s32 $0x0;
	[sflag:s14] =	ssyncadd.s32 $0xFFFFC000  }
0x63: {  	[tilespmem:s26], [sflag:$0x3] =	stream.linear.gather [hbm4b:s9+s26], $0x1400, $0x38;
	[tilespmem:$0x1E800] =	vst v63  }
0x64: {  	_ =	swait.ge [sflag:s14], $0x1400  }
0x65: {  	[sflag:s14] =	ssyncset.done $0x0  }
0x66: {  	[sflag:s14] =	ssyncadd.s32 $0xFFFFEC00  }
0x67: {  	[tilespmem:s15], [sflag:$0x3] =	stream.linear.gather [hbm4b:s10+s26], $0x1400, $0x38;
	[tilespmem:$0x1E800] =	vst v63  }
0x68: {  	_ =	swait.ge [sflag:s14], $0x1400  }
0x69: {  	[sflag:s14] =	ssyncset.done $0x0  }
0x6a: {  	[sflag:s14] =	ssyncadd.s32 $0xFFFFEC00  }
0x6b: {  	[tilespmem:s17], [sflag:$0x1] =	stream.indirect.gather [hbm4b:s4+s16], $0x80, s26, s16, $0xb8;
	[tilespmem:$0x1E800] =	vst v63  }
0x6c: {  	s28 =	simm.s32 $0x80  }
0x6d: {  	[tilespmem:s18], [sflag:$0x2] =	stream.indirect.gather [hbm4b:s4+s16], $0x80, s28, s16, $0xb8;
	[tilespmem:$0x1E800] =	vst v63  }
0x6e: {  	_ =	swait.ge [sflag:s19], $0x4000  }
0x6f: {  	[sflag:s19] =	ssyncset.done $0x0  }
0x70: {  	s29 =	simm.s32 $0x1400;
	[sflag:s19] =	ssyncadd.s32 $0xFFFFC000  }
0x71: {  	[spmem:s1] =	stream.indirect.scatter.add.f32 [tilespmem:s17], [sflag:$0x3], $0x80, s29, s16, $0xb8;
	[tilespmem:$0x1E800] =	vst v63  }
0x72: {  	_ =	swait.ge [sflag:s14], $0x4000  }
0x73: {  	[sflag:s14] =	ssyncset.done $0x0  }
0x74: {  	s30 =	simm.s32 $0x100;
	[sflag:s14] =	ssyncadd.s32 $0xFFFFC000  }
0x75: {  	[tilespmem:s17], [sflag:$0x1] =	stream.indirect.gather [hbm4b:s4+s16], $0x80, s30, s16, $0xb8;
	[tilespmem:$0x1E800] =	vst v63  }
0x76: {  	_ =	swait.ge [sflag:s20], $0x4000  }
0x77: {  	[sflag:s20] =	ssyncset.done $0x0  }
0x78: {  	s31 =	simm.s32 $0x1480;
	[sflag:s20] =	ssyncadd.s32 $0xFFFFC000  }
0x79: {  	[spmem:s1] =	stream.indirect.scatter.add.f32 [tilespmem:s18], [sflag:$0x3], $0x80, s31, s16, $0xb8;
	[tilespmem:$0x1E800] =	vst v63  }
0x7a: {  	_ =	swait.ge [sflag:s14], $0x4000  }
0x7b: {  	s25 =	simm.s32 $0x100;
	s26 =	simm.s32 $0x800;
	[sflag:s14] =	ssyncset.done $0x0  }
.LBB2_4:
0x7c: {  	s28 =	sadd.s32 $0x80, s25  }
0x7d: {  	[sflag:s14] =	ssyncadd.s32 $0xFFFFC000;
	s29 =	smov.u32 s26;
	s30 =	sadd.s32 $0x400, s26  }
0x7e: {  	[tilespmem:s18], [sflag:$0x2] =	stream.indirect.gather [hbm4b:s4+s16], $0x80, s28, s16, $0xb8;
	[tilespmem:$0x1E800] =	vst v63  }
0x7f: {  	p0 =	sne.s32 s26, $0x4800;
	_ =	swait.ge [sflag:s19], $0x4000  }
0x80: {  	[sflag:s19] =	ssyncset.done $0x0  }
0x81: {  	s26 =	sadd.s32 $0x1400, s25;
	[sflag:s19] =	ssyncadd.s32 $0xFFFFC000  }
0x82: {  	[spmem:s1] =	stream.indirect.scatter.add.f32 [tilespmem:s17], [sflag:$0x3], $0x80, s26, s16, $0xb8;
	[tilespmem:$0x1E800] =	vst v63  }
0x83: {  	_ =	swait.ge [sflag:s14], $0x4000  }
0x84: {  	[sflag:s14] =	ssyncset.done $0x0  }
0x85: {  	s26 =	sadd.s32 $0x100, s25;
	[sflag:s14] =	ssyncadd.s32 $0xFFFFC000  }
0x86: {  	[tilespmem:s17], [sflag:$0x1] =	stream.indirect.gather [hbm4b:s4+s16], $0x80, s26, s16, $0xb8;
	[tilespmem:$0x1E800] =	vst v63  }
0x87: {  	_ =	swait.ge [sflag:s20], $0x4000  }
.Ltmp1:
0x88: {  	[sflag:s20] =	ssyncset.done $0x0;
	(pc) =	sbr.rel @p0 .LBB2_4-.Ltmp1, $4  }
0x89: {  	s25 =	sadd.s32 $0x1480, s25;
	[sflag:s20] =	ssyncadd.s32 $0xFFFFC000  }
0x8a: {  	[spmem:s1] =	stream.indirect.scatter.add.f32 [tilespmem:s18], [sflag:$0x3], $0x80, s25, s16, $0xb8;
	[tilespmem:$0x1E800] =	vst v63  }
0x8b: {  	_ =	swait.ge [sflag:s14], $0x4000  }
0x8c: {  	s26 =	smov.u32 s30;
	s25 =	sshra.s32 s29, $0x2;
	[sflag:s14] =	ssyncset.done $0x0  }
0x8d: {  	s26 =	sadd.s32 $0x80, s25;
	[sflag:s14] =	ssyncadd.s32 $0xFFFFC000  }
0x8e: {  	[tilespmem:s18], [sflag:$0x2] =	stream.indirect.gather [hbm4b:s4+s16], $0x80, s26, s16, $0xb8;
	[tilespmem:$0x1E800] =	vst v63  }
0x8f: {  	_ =	swait.ge [sflag:s19], $0x4000  }
0x90: {  	[sflag:s19] =	ssyncset.done $0x0  }
0x91: {  	s29 =	sadd.s32 $0x1400, s25;
	[sflag:s19] =	ssyncadd.s32 $0xFFFFC000  }
0x92: {  	[spmem:s1] =	stream.indirect.scatter.add.f32 [tilespmem:s17], [sflag:$0x3], $0x80, s29, s16, $0xb8;
	[tilespmem:$0x1E800] =	vst v63  }
0x93: {  	_ =	swait.ge [sflag:s14], $0x4000  }
0x94: {  	[sflag:s14] =	ssyncset.done $0x0  }
0x95: {  	s30 =	sadd.s32 $0x100, s25;
	[sflag:s14] =	ssyncadd.s32 $0xFFFFC000  }
0x96: {  	[tilespmem:s17], [sflag:$0x1] =	stream.indirect.gather [hbm4b:s4+s16], $0x80, s30, s16, $0xb8;
	[tilespmem:$0x1E800] =	vst v63  }
0x97: {  	_ =	swait.ge [sflag:s20], $0x4000  }
0x98: {  	[sflag:s20] =	ssyncset.done $0x0  }
0x99: {  	s31 =	sadd.s32 $0x1480, s25;
	[sflag:s20] =	ssyncadd.s32 $0xFFFFC000  }
0x9a: {  	[spmem:s1] =	stream.indirect.scatter.add.f32 [tilespmem:s18], [sflag:$0x3], $0x80, s31, s16, $0xb8;
	[tilespmem:$0x1E800] =	vst v63  }
0x9b: {  	_ =	swait.ge [sflag:s14], $0x4000  }
0x9c: {  	[sflag:s14] =	ssyncset.done $0x0  }
0x9d: {  	[sflag:s14] =	ssyncadd.s32 $0xFFFFC000  }
0x9e: {  	[tilespmem:s18], [sflag:$0x2] =	stream.indirect.gather [hbm4b:s4+s16], $0x80, s21, s16, $0xb8;
	[tilespmem:$0x1E800] =	vst v63  }
0x9f: {  	_ =	swait.ge [sflag:s19], $0x4000  }
0xa0: {  	[sflag:s19] =	ssyncset.done $0x0  }
0xa1: {  	[sflag:s19] =	ssyncadd.s32 $0xFFFFC000  }
0xa2: {  	[spmem:s1] =	stream.indirect.scatter.add.f32 [tilespmem:s17], [sflag:$0x3], $0x80, s22, s16, $0xb8;
	[tilespmem:$0x1E800] =	vst v63  }
0xa3: {  	_ =	swait.ge [sflag:s14], $0x4000  }
0xa4: {  	[sflag:s14] =	ssyncset.done $0x0  }
0xa5: {  	[sflag:s14] =	ssyncadd.s32 $0xFFFFC000  }
0xa6: {  	_ =	swait.ge [sflag:s20], $0x4000  }
0xa7: {  	[sflag:s20] =	ssyncset.done $0x0  }
0xa8: {  	[sflag:s20] =	ssyncadd.s32 $0xFFFFC000  }
0xa9: {  	[spmem:s1] =	stream.indirect.scatter.add.f32 [tilespmem:s18], [sflag:$0x3], $0x80, s23, s16, $0xb8;
	[tilespmem:$0x1E800] =	vst v63  }
0xaa: {  	_ =	swait.ge [sflag:s14], $0x4000  }
0xab: {  	s24 =	sadd.s32 $0x1, s24;
	[sflag:s14] =	ssyncset.done $0x0  }
0xac: {  	p0 =	sne.s32 s24, s12;
	[sflag:s14] =	ssyncadd.s32 $0xFFFFC000  }
.Ltmp2:
0xad: {  	[bflag:$0x0] =	sbarrier.arrive $0xFFFF;
	(pc) =	sbr.rel @p0 .LBB2_1-.Ltmp2, $4  }
0xae: {  	[hbm:s11], [sflag:s6] =	dma.local [spmem:s13], $0x2800  }
0xaf: {  	_ =	swait.ge [sflag:s14], $0x2800  }
0xb0: {  	[sflag:s14] =	ssyncset.done $0x0  }
0xb1: {  	[sflag:s14] =	ssyncadd.s32 $0xFFFFD800  }
0xb2: {  	_ =	sfence.sel $0x180000  }
0xb3: {  	[bflag:$0x0] =	sbarrier.arrive $0xFFFF  }
0xb4: {  	p0 =	sne.s32 s2, $0x0;
	_ =	strace $0x9000004A  }
0xb5: {  	s0 =	sadd.s32 @!p0 $0x100000, s0;
	[bflag:$0x2] =	sbarrier.arrive $0xFFFF  }
0xb6: {  	[sflag:s0] =	ssyncadd.tile.s32 @!p0 $0x1;
	_ =	shalt  }
.Lfunc_end2:
_tile_overlayer_lowered:
.L_overlay_start_2:
0xb7: {  	(tag) =	ssettag $0x2  }
0xb8: {  	s0 =	rddreg [dreg:$0x0];
	s2 =	stileid.u32  }
0xb9: {  	s1 =	rddreg [dreg:$0x1];
	p0 =	sne.s32 s2, $0x0  }
0xba: {  	s3 =	rddreg [dreg:$0x2];
	[bflag:$0x3] =	sbarrier.arrive $0xFFFF;
	s2 =	simm.s32 @!p0 $0x1C03  }
0xbb: {  	[timem:s3], [sflag:s2] =	dma.local @!p0 [hbm:s0], s1  }
0xbc: {  	s0 =	simm.s32 @!p0 $0x3  }
0xbd: {  	_ =	swait.ge @!p0 [sflag:s0], s1  }
0xbe: {  	s1 =	ssub.s32 @!p0 $0x0, s1;
	[sflag:s0] =	ssyncset.done @!p0 $0x0  }
0xbf: {  	[sflag:s0] =	ssyncadd.s32 @!p0 s1  }
0xc0: {  	[bflag:$0x3] =	sbarrier.arrive $0xFFFF  }
0xc1: {  	_ =	shalt  }

// kernel: kernel.19.cloned.1.call-start
scs
__scs_entry_jumppad:
0x0: {  	(pc) =	sbr.rel $0x88, $3  }
0x1: {  	(tag) =	ssettag $0x0;
	lr =	simm.s32 $0x1  }
0x2: {  	[smem:$0x3F97] =	sst lr;
	_ =	strace $0xD0000000  }
0x3: {  	_ = 	snop  }
0x4: {  	_ = 	snop  }
0x5: {  	_ = 	snop  }
0x6: {  	_ = 	snop  }
0x7: {  	_ = 	snop  }
__scs_overlays_trampoline_lowered:
0x8: {  	[smem:$0x3FA6] =	sst s0  }
0x9: {  	[smem:$0x3FA7] =	sst s1  }
0xa: {  	[smem:$0x3FA8] =	sst s2  }
0xb: {  	[smem:$0x3FA9] =	sst s3  }
0xc: {  	[smem:$0x3FAA] =	sst s4  }
0xd: {  	[smem:$0x3FAB] =	sst s5  }
0xe: {  	[smem:$0x3FAC] =	sst s6  }
0xf: {  	[smem:$0x3FAD] =	sst s7  }
0x10: {  	[smem:$0x3FAE] =	sst s8  }
0x11: {  	[smem:$0x3FAF] =	sst s9;
	s0 =	simm.s32 @!p0 $0x0  }
0x12: {  	s1 =	sld [smem:$0x3F95];
	s0 =	simm.s32 @p0 $0x1  }
0x13: {  	[smem:$0x3FB0] =	sst s0;
	s0 =	simm.s32 @!p1 $0x0  }
0x14: {  	s2 =	sld [smem:$0x3F94];
	s0 =	simm.s32 @p1 $0x1  }
0x15: {  	[smem:$0x3FB1] =	sst s0;
	s0 =	simm.s32 @!p2 $0x0  }
0x16: {  	s3 =	sld [smem:$0x3FDB];
	s0 =	simm.s32 @p2 $0x1  }
0x17: {  	s4 =	simm.s32 $0x1BF5;
	[smem:$0x3FB3] =	sst s0  }
0x18: {  	s0 =	sld [smem:$0x3F96];
	_ =	swait.ge [sflag:s4], $0x0  }
0x19: {  	s7 =	sld [smem:$0x3F97]  }
0x1a: {  	s8 =	sadd.s32 $0xFFFFE003, lr  }
0x1b: {  	s9 =	sadd.s32 $0xFFFFFEF7, lr;
	s5 =	simm.s32 $0xFFFFFFFF;
	p2 =	slt.u32 s8, $0xFFFFF086  }
0x1c: {  	p1 =	slt.u32 s9, $0xF7A;
	s5 =	simm.s32 @!p2 $0x0  }
0x1d: {  	s5 =	simm.s32 @p1 $0x1;
	p0 =	seq.s32 s7, s2  }
0x1e: {  	s7 =	smul.u32 @!p0 $0xF7A, s2;
	p2 =	seq.s32 @!p0 s5, $0x0  }
0x1f: {  	s9 =	smul.u32 $0xF7A, s1;
	s8 =	simm.s32 @!p0 $0x1BF5;
	p2 =	por !p2, p0  }
0x20: {  	[sflag:s8] =	ssyncset.s32 @!p0 $0xFFFFF086;
	s6 =	sadd.s32 @!p0 s3, s7;
	s7 =	simm.s32 @!p0 $0x108  }
0x21: {  	s3 =	sadd.s32 s3, s9;
	s6 =	sadd.s32 @!p0 $0x88, s6;
	s7 =	simm.s32 @p2 $0x1082  }
0x22: {  	[simem:s7], [sflag:s8] =	dma.local @!p0 [hbm:s6], $0xF7A  }
0x23: {  	s9 =	sor.u32 $0xD0000000, s2;
	s6 =	simm.s32 $0x108;
	_ =	swait.ge @!p0 [sflag:s8], $0x0  }
0x24: {  	s3 =	sadd.s32 $0x88, s3;
	s6 =	simm.s32 @!p1 $0x1082;
	[sflag:s4] =	ssyncset.s32 $0xFFFFF086  }
0x25: {  	[simem:s6], [sflag:s4] =	dma.local [hbm:s3], $0xF7A  }
0x26: {  	[smem:$0x3F97] =	sst s1;
	(tag) =	ssettag s2;
	_ =	strace s9  }
0x27: {  	s1 =	sld [smem:$0x3FA7]  }
0x28: {  	s2 =	sld [smem:$0x3FA8]  }
0x29: {  	s4 =	sld [smem:$0x3FAA]  }
0x2a: {  	p0 =	seq.s32 s5, $0x0;
	s5 =	sld [smem:$0x3FAB]  }
0x2b: {  	s6 =	sld [smem:$0x3FAC]  }
0x2c: {  	s7 =	sld [smem:$0x3FAD]  }
0x2d: {  	s3 =	simm.s32 $0x108;
	s8 =	sld [smem:$0x3FAE]  }
0x2e: {  	s3 =	simm.s32 @!p0 $0x1082;
	s9 =	sld [smem:$0x3FAF]  }
0x2f: {  	lr =	sadd.s32 s0, s3;
	s0 =	sld [smem:$0x3FA6]  }
0x30: {  	s3 =	sld [smem:$0x3FA9]  }
0x31: {  	[smem:$0x3FB2] =	sst s10  }
0x32: {  	s10 =	sld [smem:$0x3FB0];
	_ =	sdelay $0x3  }
0x33: {  	p0 =	seq.s32 s10, $0x1;
	s10 =	sld [smem:$0x3FB2];
	_ =	sdelay $0x3  }
0x34: {  	[smem:$0x3FB2] =	sst s10  }
0x35: {  	s10 =	sld [smem:$0x3FB1];
	_ =	sdelay $0x3  }
0x36: {  	p1 =	seq.s32 s10, $0x1;
	s10 =	sld [smem:$0x3FB2];
	_ =	sdelay $0x3  }
0x37: {  	[smem:$0x3FB2] =	sst s10  }
0x38: {  	s10 =	sld [smem:$0x3FB3]  }
0x39: {  	_ = 	snop;
	(pc) =	sbr.ind lr, $3  }
0x3a: {  	_ = 	snop  }
0x3b: {  	_ = 	snop  }
0x3c: {  	p2 =	seq.s32 s10, $0x1;
	s10 =	sld [smem:$0x3FB2]  }
0x3d: {  	_ =	shalt  }
0x3e: {  	_ =	shalt  }
0x3f: {  	_ =	shalt  }
0x40: {  	_ =	shalt  }
0x41: {  	_ =	shalt  }
0x42: {  	_ =	shalt  }
0x43: {  	_ =	shalt  }
0x44: {  	_ =	shalt  }
0x45: {  	_ =	shalt  }
0x46: {  	_ =	shalt  }
0x47: {  	_ =	shalt  }
0x48: {  	_ =	shalt  }
0x49: {  	_ =	shalt  }
0x4a: {  	_ =	shalt  }
0x4b: {  	_ =	shalt  }
0x4c: {  	_ =	shalt  }
0x4d: {  	_ =	shalt  }
0x4e: {  	_ =	shalt  }
0x4f: {  	_ =	shalt  }
0x50: {  	_ =	shalt  }
0x51: {  	_ =	shalt  }
0x52: {  	_ =	shalt  }
0x53: {  	_ =	shalt  }
0x54: {  	_ =	shalt  }
0x55: {  	_ =	shalt  }
0x56: {  	_ =	shalt  }
0x57: {  	_ =	shalt  }
0x58: {  	_ =	shalt  }
0x59: {  	_ =	shalt  }
0x5a: {  	_ =	shalt  }
0x5b: {  	_ =	shalt  }
0x5c: {  	_ =	shalt  }
0x5d: {  	_ =	shalt  }
0x5e: {  	_ =	shalt  }
0x5f: {  	_ =	shalt  }
0x60: {  	_ =	shalt  }
0x61: {  	_ =	shalt  }
0x62: {  	_ =	shalt  }
0x63: {  	_ =	shalt  }
0x64: {  	_ =	shalt  }
0x65: {  	_ =	shalt  }
0x66: {  	_ =	shalt  }
0x67: {  	_ =	shalt  }
0x68: {  	_ =	shalt  }
0x69: {  	_ =	shalt  }
0x6a: {  	_ =	shalt  }
0x6b: {  	_ =	shalt  }
0x6c: {  	_ =	shalt  }
0x6d: {  	_ =	shalt  }
0x6e: {  	_ =	shalt  }
0x6f: {  	_ =	shalt  }
0x70: {  	_ =	shalt  }
0x71: {  	_ =	shalt  }
0x72: {  	_ =	shalt  }
0x73: {  	_ =	shalt  }
0x74: {  	_ =	shalt  }
0x75: {  	_ =	shalt  }
0x76: {  	_ =	shalt  }
0x77: {  	_ =	shalt  }
0x78: {  	_ =	shalt  }
0x79: {  	_ =	shalt  }
0x7a: {  	_ =	shalt  }
0x7b: {  	_ =	shalt  }
0x7c: {  	_ =	shalt  }
0x7d: {  	_ =	shalt  }
0x7e: {  	_ =	shalt  }
0x7f: {  	_ =	shalt  }
0x80: {  	_ =	shalt  }
0x81: {  	_ =	shalt  }
0x82: {  	_ =	shalt  }
0x83: {  	_ =	shalt  }
0x84: {  	_ =	shalt  }
0x85: {  	_ =	shalt  }
0x86: {  	_ =	shalt  }
0x87: {  	_ =	shalt  }
.Lfunc_end0:
.L_simem_size_0:
called_computation.2_lowered:
.L_overlay_start_0:
0x88: {  	s2 =	sld [smem:$0x3FD9]  }
0x89: {  	s3 =	sld [smem:$0x3FFE];
	_ =	sdelay $0x1  }
0x8a: {  	s1 =	srdreg.scid  }
0x8b: {  	s0 =	sand.u32 $0x1, s1  }
0x8c: {  	s17 =	sshll.u32 s0, $0xA;
	s2 =	sadd.s32 s3, s2  }
0x8d: {  	s2 =	sadd.s32 s2, s17  }
0x8e: {  	[smem:$0x3FBE] =	sst s2  }
0x8f: {  	_ = 	snop  }
0x90: {  	s2 =	sld [smem:$0x3FD0];
	(tm) =	ssettm $0x1  }
0x91: {  	s18 =	sld [smem:$0x3FFB];
	_ =	sdelay $0x3  }
0x92: {  	_ =	strace s18  }
0x93: {  	s3 =	sld [smem:$0x3FFC];
	_ =	sdelay $0x3  }
0x94: {  	_ =	strace s3  }
0x95: {  	s3 =	sld [smem:$0x3FFD];
	_ =	sdelay $0x3  }
0x96: {  	_ =	strace s3  }
0x97: {  	_ =	strace $0x8FFFFFFF  }
0x98: {  	s19 =	sld [smem:$0x3FDB];
	_ =	sdelay $0x1  }
0x99: {  	s4 =	simm.s32 $_scs_section_size  }
0x9a: {  	s5 =	simm.s32 $_size__tile_overlayer_lowered;
	s6 =	simm.s32 $_tile_overlayer_lowered  }
0x9b: {  	s22 =	simm.s32 $0x1BFF;
	s21 =	sshll.u32 s6, $0x1;
	s3 =	sadd.s32 s4, s19  }
0x9c: {  	s7 =	simm.s32 $0x0;
	s20 =	sshll.u32 s5, $0x1;
	s5 =	sadd.s32 s21, s3  }
0x9d: {  	[timem:s7], [sflag:s22] =	dma.local [hbm:s5], s20  }
0x9e: {  	_ =	swait.ge [sflag:s22], s20  }
0x9f: {  	s4 =	ssub.s32 $0x0, s20;
	[sflag:s22] =	ssyncset.done $0x0  }
0xa0: {  	[sflag:s22] =	ssyncadd.s32 s4;
	_ =	sdelay $0x1  }
0xa1: {  	s23 =	simm.s32 $0x1B8B  }
0xa2: {  	_ =	swait.ge [sflag:s23], $0x1  }
0xa3: {  	[sflag:s23] =	ssyncset.done $0x0  }
0xa4: {  	s25 =	simm.s32 $0x1B8E;
	s24 =	sld [smem:$0x3FFE];
	[sflag:s23] =	ssyncadd.s32 $0xFFFFFFFF  }
0xa5: {  	s26 =	simm.s32 $execute0_lowered;
	[smem:$0x3FD2] =	sst s25  }
0xa6: {  	s5 =	sshll.u32 s26, $0x1;
	_ =	strace $0x8000004C;
	[dreg:$0x1] =	wrdreg $0xFFFFFFFF  }
0xa7: {  	s28 =	simm.s32 $_size_execute0_lowered;
	s3 =	sadd.s32 s3, s5;
	[dreg:$0x0] =	wrdreg $0x0  }
0xa8: {  	s5 =	sshll.u32 s28, $0x1;
	[dreg:$0x2] =	wrdreg s3  }
0xa9: {  	[dreg:$0x3] =	wrdreg s5  }
0xaa: {  	[dreg:$0x4] =	wrdreg $0xC0  }
0xab: {  	_ =	task [dreg:s7], $0x5FFFF  }
0xac: {  	[dreg:$0x1] =	wrdreg $0xFFFFFFFF  }
0xad: {  	[dreg:$0x0] =	wrdreg $0x60  }
0xae: {  	[dreg:$0x2] =	wrdreg s24  }
0xaf: {  	[dreg:$0x3] =	wrdreg s2  }
0xb0: {  	[dreg:$0x4] =	wrdreg $0xA8000  }
0xb1: {  	[dreg:$0x5] =	wrdreg $0x9  }
0xb2: {  	_ =	task.clear_ibuf [dreg:s7], $0x6FFFF;
	_ =	strace $0x9000004C  }
0xb3: {  	s29 =	simm.s32 $0x9;
	_ =	strace $0x8000004E  }
0xb4: {  	_ =	swait.ge [sflag:s29], $0x1  }
0xb5: {  	[sflag:s29] =	ssyncadd.s32 $0xFFFFFFFF  }
0xb6: {  	_ =	strace $0x9000004E  }
0xb7: {  	_ =	sfence  }
0xb8: {  	s30 =	sld [smem:$0x0];
	_ =	sdelay $0x2  }
0xb9: {  	s31 =	sshll.u32 s1, $0xD;
	s1 =	sshrl.u32 s1, $0x2  }
0xba: {  	s3 =	sand.u32 $0x4000, s31;
	s1 =	sadd.s32 s1, s30  }
0xbb: {  	s0 =	sor.u32 s3, s0;
	s1 =	sshll.u32 s1, $0x11  }
0xbc: {  	s0 =	sor.u32 s1, s0  }
0xbd: {  	s0 =	sadd.s32 $0x8F2B, s0  }
0xbe: {  	[sflag:s0] =	ssyncadd.remote.s32 $0x1  }
0xbf: {  	_ =	sfence.sel $0xFFFF  }
0xc0: {  	[dreg:$0x0] =	wrdreg $0xFFFFFFFF;
	(pc) =	sbr.abs _section_cstart, $3  }
0xc1: {  	[dreg:$0x1] =	wrdreg $0xFFFFFFFF  }
0xc2: {  	_ =	task.clear_ibuf [dreg:s7], $0x2FFFF;
	_ =	strace $0x9FFFFFFF  }
0xc3: {  	(tm) =	ssettm $0x7FFFFFFF  }
tec
execute0_lowered:
.L_overlay_start_1:
0x0: {  	(tag) =	ssettag $0x1  }
0x1: {  	s6 =	rddreg [dreg:$0x0]  }
0x2: {  	s10 =	rddreg [dreg:$0x1]  }
0x3: {  	s1 =	rddreg [dreg:$0x2]  }
0x4: {  	s2 =	srdreg.scid;
	s0 =	rddreg [dreg:$0x3]  }
0x5: {  	s3 =	simm.s32 $0x0;
	s16 =	simm.s32 $0x80;
	s17 =	simm.s32 $0x2800  }
0x6: {  	s18 =	simm.s32 $0x6800;
	s19 =	simm.s32 $0x1;
	s20 =	simm.s32 $0x2  }
0x7: {  	s21 =	simm.s32 $0x1380;
	s22 =	simm.s32 $0x2700;
	s23 =	simm.s32 $0x2780  }
0x8: {  	s7 =	sand.u32 $0x1, s2;
	s2 =	stileid.u32;
	[smem:$0x7FF] =	sst s3  }
0x9: {  	s4 =	sadd.s32 $0x61A00, s6;
	s11 =	sadd.s32 $0x4A00, s6;
	s8 =	smul.u32 $0x140000, s7  }
0xa: {  	s5 =	sadd.s32 $0xEA00, s6;
	s9 =	smul.u32 $0x14000, s2;
	_ =	strace $0x8000004D  }
0xb: {  	s24 =	sshll.u32 s2, $0x1;
	s12 =	ssub.s32 $0x2, s7;
	s25 =	smul.u32 $0x50000, s2  }
0xc: {  	s28 =	sshll.u32 s2, $0x6;
	s7 =	sor.u32 s7, s24;
	s13 =	sshrl.u32 s12, $0x1  }
0xd: {  	s24 =	simm.s32 $0x0;
	s8 =	sadd.s32 s9, s8;
	s14 =	smul.u32 $0x2800, s7  }
0xe: {  	s12 =	ssub.s32 s12, s13;
	s26 =	sshrl.u32 s25, $0x2;
	s29 =	smul.u32 $0x500, s7  }
0xf: {  	s8 =	sshrl.u32 s8, $0x3;
	s31 =	sadd.s32 s26, s1;
	s12 =	smax.u32 s12, $0x1  }
0x10: {  	s15 =	sadd.s32 s8, s6;
	s30 =	sshrl.u32 s14, $0x3;
	s6 =	sor.u32 $0x1C03, s28  }
0x11: {  	s7 =	sadd.s32 s11, s29;
	s8 =	sadd.s32 s10, s29;
	s14 =	sadd.s32 $0x280, s30  }
0x12: {  	s13 =	sshrl.u32 s31, $0x3;
	s9 =	sadd.s32 s11, s14;
	s10 =	sadd.s32 s10, s14  }
0x13: {  	s11 =	sadd.s32 $0x88C00, s15;
	s14 =	simm.s32 $0x3;
	s15 =	simm.s32 $0x1400  }
.LBB2_1:
0x14: {  	[spmem:s13], [sflag:s6] =	dma.local [hbm:s5], $0x2800  }
0x15: {  	_ =	swait.ge [sflag:s14], $0x2800  }
0x16: {  	[sflag:s14] =	ssyncset.done $0x0  }
0x17: {  	[sflag:s14] =	ssyncadd.s32 $0xFFFFD800  }
0x18: {  	[bflag:$0x0] =	sbarrier.arrive $0xFFFF  }
0x19: {  	[tilespmem:s3], [sflag:$0x3] =	stream.linear.gather [hbm4b:s7+s3], $0x1400, $0x38;
	[tilespmem:$0x1E800] =	vst v63  }
0x1a: {  	_ =	swait.ge [sflag:s14], $0x1400  }
0x1b: {  	[sflag:s14] =	ssyncset.done $0x0  }
0x1c: {  	[sflag:s14] =	ssyncadd.s32 $0xFFFFEC00  }
0x1d: {  	[tilespmem:s15], [sflag:$0x3] =	stream.linear.gather [hbm4b:s8+s3], $0x1400, $0x38;
	[tilespmem:$0x1E800] =	vst v63  }
0x1e: {  	_ =	swait.ge [sflag:s14], $0x1400  }
0x1f: {  	[sflag:s14] =	ssyncset.done $0x0  }
0x20: {  	[sflag:s14] =	ssyncadd.s32 $0xFFFFEC00  }
0x21: {  	[tilespmem:s17], [sflag:$0x1] =	stream.indirect.gather [hbm4b:s4+s16], $0x80, s3, s16, $0xb8;
	[tilespmem:$0x1E800] =	vst v63  }
0x22: {  	s25 =	simm.s32 $0x80  }
0x23: {  	[tilespmem:s18], [sflag:$0x2] =	stream.indirect.gather [hbm4b:s4+s16], $0x80, s25, s16, $0xb8;
	[tilespmem:$0x1E800] =	vst v63  }
0x24: {  	_ =	swait.ge [sflag:s19], $0x4000  }
0x25: {  	[sflag:s19] =	ssyncset.done $0x0  }
0x26: {  	s29 =	simm.s32 $0x1400;
	[sflag:s19] =	ssyncadd.s32 $0xFFFFC000  }
0x27: {  	[spmem:s1] =	stream.indirect.scatter.add.f32 [tilespmem:s17], [sflag:$0x3], $0x80, s29, s16, $0xb8;
	[tilespmem:$0x1E800] =	vst v63  }
0x28: {  	_ =	swait.ge [sflag:s14], $0x4000  }
0x29: {  	[sflag:s14] =	ssyncset.done $0x0  }
0x2a: {  	s30 =	simm.s32 $0x100;
	[sflag:s14] =	ssyncadd.s32 $0xFFFFC000  }
0x2b: {  	[tilespmem:s17], [sflag:$0x1] =	stream.indirect.gather [hbm4b:s4+s16], $0x80, s30, s16, $0xb8;
	[tilespmem:$0x1E800] =	vst v63  }
0x2c: {  	_ =	swait.ge [sflag:s20], $0x4000  }
0x2d: {  	[sflag:s20] =	ssyncset.done $0x0  }
0x2e: {  	s31 =	simm.s32 $0x1480;
	[sflag:s20] =	ssyncadd.s32 $0xFFFFC000  }
0x2f: {  	[spmem:s1] =	stream.indirect.scatter.add.f32 [tilespmem:s18], [sflag:$0x3], $0x80, s31, s16, $0xb8;
	[tilespmem:$0x1E800] =	vst v63  }
0x30: {  	_ =	swait.ge [sflag:s14], $0x4000  }
0x31: {  	s26 =	simm.s32 $0x800;
	s25 =	simm.s32 $0x100;
	[sflag:s14] =	ssyncset.done $0x0  }
.LBB2_2:
0x32: {  	s28 =	sadd.s32 $0x80, s25  }
0x33: {  	[sflag:s14] =	ssyncadd.s32 $0xFFFFC000;
	s29 =	smov.u32 s26;
	s30 =	sadd.s32 $0x400, s26  }
0x34: {  	[tilespmem:s18], [sflag:$0x2] =	stream.indirect.gather [hbm4b:s4+s16], $0x80, s28, s16, $0xb8;
	[tilespmem:$0x1E800] =	vst v63  }
0x35: {  	p0 =	sne.s32 s26, $0x4800;
	_ =	swait.ge [sflag:s19], $0x4000  }
0x36: {  	[sflag:s19] =	ssyncset.done $0x0  }
0x37: {  	s26 =	sadd.s32 $0x1400, s25;
	[sflag:s19] =	ssyncadd.s32 $0xFFFFC000  }
0x38: {  	[spmem:s1] =	stream.indirect.scatter.add.f32 [tilespmem:s17], [sflag:$0x3], $0x80, s26, s16, $0xb8;
	[tilespmem:$0x1E800] =	vst v63  }
0x39: {  	_ =	swait.ge [sflag:s14], $0x4000  }
0x3a: {  	[sflag:s14] =	ssyncset.done $0x0  }
0x3b: {  	s26 =	sadd.s32 $0x100, s25;
	[sflag:s14] =	ssyncadd.s32 $0xFFFFC000  }
0x3c: {  	[tilespmem:s17], [sflag:$0x1] =	stream.indirect.gather [hbm4b:s4+s16], $0x80, s26, s16, $0xb8;
	[tilespmem:$0x1E800] =	vst v63  }
0x3d: {  	_ =	swait.ge [sflag:s20], $0x4000  }
.Ltmp0:
0x3e: {  	[sflag:s20] =	ssyncset.done $0x0;
	(pc) =	sbr.rel @p0 .LBB2_2-.Ltmp0, $4  }
0x3f: {  	s25 =	sadd.s32 $0x1480, s25;
	[sflag:s20] =	ssyncadd.s32 $0xFFFFC000  }
0x40: {  	[spmem:s1] =	stream.indirect.scatter.add.f32 [tilespmem:s18], [sflag:$0x3], $0x80, s25, s16, $0xb8;
	[tilespmem:$0x1E800] =	vst v63  }
0x41: {  	_ =	swait.ge [sflag:s14], $0x4000  }
0x42: {  	s26 =	smov.u32 s30;
	s25 =	sshra.s32 s29, $0x2;
	[sflag:s14] =	ssyncset.done $0x0  }
0x43: {  	s26 =	sadd.s32 $0x80, s25;
	[sflag:s14] =	ssyncadd.s32 $0xFFFFC000  }
0x44: {  	[tilespmem:s18], [sflag:$0x2] =	stream.indirect.gather [hbm4b:s4+s16], $0x80, s26, s16, $0xb8;
	[tilespmem:$0x1E800] =	vst v63  }
0x45: {  	_ =	swait.ge [sflag:s19], $0x4000  }
0x46: {  	[sflag:s19] =	ssyncset.done $0x0  }
0x47: {  	s29 =	sadd.s32 $0x1400, s25;
	[sflag:s19] =	ssyncadd.s32 $0xFFFFC000  }
0x48: {  	[spmem:s1] =	stream.indirect.scatter.add.f32 [tilespmem:s17], [sflag:$0x3], $0x80, s29, s16, $0xb8;
	[tilespmem:$0x1E800] =	vst v63  }
0x49: {  	_ =	swait.ge [sflag:s14], $0x4000  }
0x4a: {  	[sflag:s14] =	ssyncset.done $0x0  }
0x4b: {  	s30 =	sadd.s32 $0x100, s25;
	[sflag:s14] =	ssyncadd.s32 $0xFFFFC000  }
0x4c: {  	[tilespmem:s17], [sflag:$0x1] =	stream.indirect.gather [hbm4b:s4+s16], $0x80, s30, s16, $0xb8;
	[tilespmem:$0x1E800] =	vst v63  }
0x4d: {  	_ =	swait.ge [sflag:s20], $0x4000  }
0x4e: {  	[sflag:s20] =	ssyncset.done $0x0  }
0x4f: {  	s31 =	sadd.s32 $0x1480, s25;
	[sflag:s20] =	ssyncadd.s32 $0xFFFFC000  }
0x50: {  	[spmem:s1] =	stream.indirect.scatter.add.f32 [tilespmem:s18], [sflag:$0x3], $0x80, s31, s16, $0xb8;
	[tilespmem:$0x1E800] =	vst v63  }
0x51: {  	_ =	swait.ge [sflag:s14], $0x4000  }
0x52: {  	[sflag:s14] =	ssyncset.done $0x0  }
0x53: {  	[sflag:s14] =	ssyncadd.s32 $0xFFFFC000  }
0x54: {  	[tilespmem:s18], [sflag:$0x2] =	stream.indirect.gather [hbm4b:s4+s16], $0x80, s21, s16, $0xb8;
	[tilespmem:$0x1E800] =	vst v63  }
0x55: {  	_ =	swait.ge [sflag:s19], $0x4000  }
0x56: {  	[sflag:s19] =	ssyncset.done $0x0  }
0x57: {  	[sflag:s19] =	ssyncadd.s32 $0xFFFFC000  }
0x58: {  	[spmem:s1] =	stream.indirect.scatter.add.f32 [tilespmem:s17], [sflag:$0x3], $0x80, s22, s16, $0xb8;
	[tilespmem:$0x1E800] =	vst v63  }
0x59: {  	_ =	swait.ge [sflag:s14], $0x4000  }
0x5a: {  	[sflag:s14] =	ssyncset.done $0x0  }
0x5b: {  	[sflag:s14] =	ssyncadd.s32 $0xFFFFC000  }
0x5c: {  	_ =	swait.ge [sflag:s20], $0x4000  }
0x5d: {  	[sflag:s20] =	ssyncset.done $0x0  }
0x5e: {  	[sflag:s20] =	ssyncadd.s32 $0xFFFFC000  }
0x5f: {  	[spmem:s1] =	stream.indirect.scatter.add.f32 [tilespmem:s18], [sflag:$0x3], $0x80, s23, s16, $0xb8;
	[tilespmem:$0x1E800] =	vst v63  }
0x60: {  	_ =	swait.ge [sflag:s14], $0x4000  }
0x61: {  	[sflag:s14] =	ssyncset.done $0x0  }
0x62: {  	s26 =	simm.s32 $0x0;
	[sflag:s14] =	ssyncadd.s32 $0xFFFFC000  }
0x63: {  	[tilespmem:s26], [sflag:$0x3] =	stream.linear.gather [hbm4b:s9+s26], $0x1400, $0x38;
	[tilespmem:$0x1E800] =	vst v63  }
0x64: {  	_ =	swait.ge [sflag:s14], $0x1400  }
0x65: {  	[sflag:s14] =	ssyncset.done $0x0  }
0x66: {  	[sflag:s14] =	ssyncadd.s32 $0xFFFFEC00  }
0x67: {  	[tilespmem:s15], [sflag:$0x3] =	stream.linear.gather [hbm4b:s10+s26], $0x1400, $0x38;
	[tilespmem:$0x1E800] =	vst v63  }
0x68: {  	_ =	swait.ge [sflag:s14], $0x1400  }
0x69: {  	[sflag:s14] =	ssyncset.done $0x0  }
0x6a: {  	[sflag:s14] =	ssyncadd.s32 $0xFFFFEC00  }
0x6b: {  	[tilespmem:s17], [sflag:$0x1] =	stream.indirect.gather [hbm4b:s4+s16], $0x80, s26, s16, $0xb8;
	[tilespmem:$0x1E800] =	vst v63  }
0x6c: {  	s28 =	simm.s32 $0x80  }
0x6d: {  	[tilespmem:s18], [sflag:$0x2] =	stream.indirect.gather [hbm4b:s4+s16], $0x80, s28, s16, $0xb8;
	[tilespmem:$0x1E800] =	vst v63  }
0x6e: {  	_ =	swait.ge [sflag:s19], $0x4000  }
0x6f: {  	[sflag:s19] =	ssyncset.done $0x0  }
0x70: {  	s29 =	simm.s32 $0x1400;
	[sflag:s19] =	ssyncadd.s32 $0xFFFFC000  }
0x71: {  	[spmem:s1] =	stream.indirect.scatter.add.f32 [tilespmem:s17], [sflag:$0x3], $0x80, s29, s16, $0xb8;
	[tilespmem:$0x1E800] =	vst v63  }
0x72: {  	_ =	swait.ge [sflag:s14], $0x4000  }
0x73: {  	[sflag:s14] =	ssyncset.done $0x0  }
0x74: {  	s30 =	simm.s32 $0x100;
	[sflag:s14] =	ssyncadd.s32 $0xFFFFC000  }
0x75: {  	[tilespmem:s17], [sflag:$0x1] =	stream.indirect.gather [hbm4b:s4+s16], $0x80, s30, s16, $0xb8;
	[tilespmem:$0x1E800] =	vst v63  }
0x76: {  	_ =	swait.ge [sflag:s20], $0x4000  }
0x77: {  	[sflag:s20] =	ssyncset.done $0x0  }
0x78: {  	s31 =	simm.s32 $0x1480;
	[sflag:s20] =	ssyncadd.s32 $0xFFFFC000  }
0x79: {  	[spmem:s1] =	stream.indirect.scatter.add.f32 [tilespmem:s18], [sflag:$0x3], $0x80, s31, s16, $0xb8;
	[tilespmem:$0x1E800] =	vst v63  }
0x7a: {  	_ =	swait.ge [sflag:s14], $0x4000  }
0x7b: {  	s25 =	simm.s32 $0x100;
	s26 =	simm.s32 $0x800;
	[sflag:s14] =	ssyncset.done $0x0  }
.LBB2_4:
0x7c: {  	s28 =	sadd.s32 $0x80, s25  }
0x7d: {  	[sflag:s14] =	ssyncadd.s32 $0xFFFFC000;
	s29 =	smov.u32 s26;
	s30 =	sadd.s32 $0x400, s26  }
0x7e: {  	[tilespmem:s18], [sflag:$0x2] =	stream.indirect.gather [hbm4b:s4+s16], $0x80, s28, s16, $0xb8;
	[tilespmem:$0x1E800] =	vst v63  }
0x7f: {  	p0 =	sne.s32 s26, $0x4800;
	_ =	swait.ge [sflag:s19], $0x4000  }
0x80: {  	[sflag:s19] =	ssyncset.done $0x0  }
0x81: {  	s26 =	sadd.s32 $0x1400, s25;
	[sflag:s19] =	ssyncadd.s32 $0xFFFFC000  }
0x82: {  	[spmem:s1] =	stream.indirect.scatter.add.f32 [tilespmem:s17], [sflag:$0x3], $0x80, s26, s16, $0xb8;
	[tilespmem:$0x1E800] =	vst v63  }
0x83: {  	_ =	swait.ge [sflag:s14], $0x4000  }
0x84: {  	[sflag:s14] =	ssyncset.done $0x0  }
0x85: {  	s26 =	sadd.s32 $0x100, s25;
	[sflag:s14] =	ssyncadd.s32 $0xFFFFC000  }
0x86: {  	[tilespmem:s17], [sflag:$0x1] =	stream.indirect.gather [hbm4b:s4+s16], $0x80, s26, s16, $0xb8;
	[tilespmem:$0x1E800] =	vst v63  }
0x87: {  	_ =	swait.ge [sflag:s20], $0x4000  }
.Ltmp1:
0x88: {  	[sflag:s20] =	ssyncset.done $0x0;
	(pc) =	sbr.rel @p0 .LBB2_4-.Ltmp1, $4  }
0x89: {  	s25 =	sadd.s32 $0x1480, s25;
	[sflag:s20] =	ssyncadd.s32 $0xFFFFC000  }
0x8a: {  	[spmem:s1] =	stream.indirect.scatter.add.f32 [tilespmem:s18], [sflag:$0x3], $0x80, s25, s16, $0xb8;
	[tilespmem:$0x1E800] =	vst v63  }
0x8b: {  	_ =	swait.ge [sflag:s14], $0x4000  }
0x8c: {  	s26 =	smov.u32 s30;
	s25 =	sshra.s32 s29, $0x2;
	[sflag:s14] =	ssyncset.done $0x0  }
0x8d: {  	s26 =	sadd.s32 $0x80, s25;
	[sflag:s14] =	ssyncadd.s32 $0xFFFFC000  }
0x8e: {  	[tilespmem:s18], [sflag:$0x2] =	stream.indirect.gather [hbm4b:s4+s16], $0x80, s26, s16, $0xb8;
	[tilespmem:$0x1E800] =	vst v63  }
0x8f: {  	_ =	swait.ge [sflag:s19], $0x4000  }
0x90: {  	[sflag:s19] =	ssyncset.done $0x0  }
0x91: {  	s29 =	sadd.s32 $0x1400, s25;
	[sflag:s19] =	ssyncadd.s32 $0xFFFFC000  }
0x92: {  	[spmem:s1] =	stream.indirect.scatter.add.f32 [tilespmem:s17], [sflag:$0x3], $0x80, s29, s16, $0xb8;
	[tilespmem:$0x1E800] =	vst v63  }
0x93: {  	_ =	swait.ge [sflag:s14], $0x4000  }
0x94: {  	[sflag:s14] =	ssyncset.done $0x0  }
0x95: {  	s30 =	sadd.s32 $0x100, s25;
	[sflag:s14] =	ssyncadd.s32 $0xFFFFC000  }
0x96: {  	[tilespmem:s17], [sflag:$0x1] =	stream.indirect.gather [hbm4b:s4+s16], $0x80, s30, s16, $0xb8;
	[tilespmem:$0x1E800] =	vst v63  }
0x97: {  	_ =	swait.ge [sflag:s20], $0x4000  }
0x98: {  	[sflag:s20] =	ssyncset.done $0x0  }
0x99: {  	s31 =	sadd.s32 $0x1480, s25;
	[sflag:s20] =	ssyncadd.s32 $0xFFFFC000  }
0x9a: {  	[spmem:s1] =	stream.indirect.scatter.add.f32 [tilespmem:s18], [sflag:$0x3], $0x80, s31, s16, $0xb8;
	[tilespmem:$0x1E800] =	vst v63  }
0x9b: {  	_ =	swait.ge [sflag:s14], $0x4000  }
0x9c: {  	[sflag:s14] =	ssyncset.done $0x0  }
0x9d: {  	[sflag:s14] =	ssyncadd.s32 $0xFFFFC000  }
0x9e: {  	[tilespmem:s18], [sflag:$0x2] =	stream.indirect.gather [hbm4b:s4+s16], $0x80, s21, s16, $0xb8;
	[tilespmem:$0x1E800] =	vst v63  }
0x9f: {  	_ =	swait.ge [sflag:s19], $0x4000  }
0xa0: {  	[sflag:s19] =	ssyncset.done $0x0  }
0xa1: {  	[sflag:s19] =	ssyncadd.s32 $0xFFFFC000  }
0xa2: {  	[spmem:s1] =	stream.indirect.scatter.add.f32 [tilespmem:s17], [sflag:$0x3], $0x80, s22, s16, $0xb8;
	[tilespmem:$0x1E800] =	vst v63  }
0xa3: {  	_ =	swait.ge [sflag:s14], $0x4000  }
0xa4: {  	[sflag:s14] =	ssyncset.done $0x0  }
0xa5: {  	[sflag:s14] =	ssyncadd.s32 $0xFFFFC000  }
0xa6: {  	_ =	swait.ge [sflag:s20], $0x4000  }
0xa7: {  	[sflag:s20] =	ssyncset.done $0x0  }
0xa8: {  	[sflag:s20] =	ssyncadd.s32 $0xFFFFC000  }
0xa9: {  	[spmem:s1] =	stream.indirect.scatter.add.f32 [tilespmem:s18], [sflag:$0x3], $0x80, s23, s16, $0xb8;
	[tilespmem:$0x1E800] =	vst v63  }
0xaa: {  	_ =	swait.ge [sflag:s14], $0x4000  }
0xab: {  	s24 =	sadd.s32 $0x1, s24;
	[sflag:s14] =	ssyncset.done $0x0  }
0xac: {  	p0 =	sne.s32 s24, s12;
	[sflag:s14] =	ssyncadd.s32 $0xFFFFC000  }
.Ltmp2:
0xad: {  	[bflag:$0x0] =	sbarrier.arrive $0xFFFF;
	(pc) =	sbr.rel @p0 .LBB2_1-.Ltmp2, $4  }
0xae: {  	[hbm:s11], [sflag:s6] =	dma.local [spmem:s13], $0x2800  }
0xaf: {  	_ =	swait.ge [sflag:s14], $0x2800  }
0xb0: {  	[sflag:s14] =	ssyncset.done $0x0  }
0xb1: {  	[sflag:s14] =	ssyncadd.s32 $0xFFFFD800  }
0xb2: {  	_ =	sfence.sel $0x180000  }
0xb3: {  	[bflag:$0x0] =	sbarrier.arrive $0xFFFF  }
0xb4: {  	p0 =	sne.s32 s2, $0x0;
	_ =	strace $0x9000004D  }
0xb5: {  	s0 =	sadd.s32 @!p0 $0x100000, s0;
	[bflag:$0x2] =	sbarrier.arrive $0xFFFF  }
0xb6: {  	[sflag:s0] =	ssyncadd.tile.s32 @!p0 $0x1;
	_ =	shalt  }
.Lfunc_end2:
_tile_overlayer_lowered:
.L_overlay_start_2:
0xb7: {  	(tag) =	ssettag $0x2  }
0xb8: {  	s0 =	rddreg [dreg:$0x0];
	s2 =	stileid.u32  }
0xb9: {  	s1 =	rddreg [dreg:$0x1];
	p0 =	sne.s32 s2, $0x0  }
0xba: {  	s3 =	rddreg [dreg:$0x2];
	[bflag:$0x3] =	sbarrier.arrive $0xFFFF;
	s2 =	simm.s32 @!p0 $0x1C03  }
0xbb: {  	[timem:s3], [sflag:s2] =	dma.local @!p0 [hbm:s0], s1  }
0xbc: {  	s0 =	simm.s32 @!p0 $0x3  }
0xbd: {  	_ =	swait.ge @!p0 [sflag:s0], s1  }
0xbe: {  	s1 =	ssub.s32 @!p0 $0x0, s1;
	[sflag:s0] =	ssyncset.done @!p0 $0x0  }
0xbf: {  	[sflag:s0] =	ssyncadd.s32 @!p0 s1  }
0xc0: {  	[bflag:$0x3] =	sbarrier.arrive $0xFFFF  }
0xc1: {  	_ =	shalt  }

// kernel: kernel.22.cloned.1.call-start
scs
__scs_entry_jumppad:
0x0: {  	(pc) =	sbr.rel $0x88, $3  }
0x1: {  	(tag) =	ssettag $0x0;
	lr =	simm.s32 $0x1  }
0x2: {  	[smem:$0x3F97] =	sst lr;
	_ =	strace $0xD0000000  }
0x3: {  	_ = 	snop  }
0x4: {  	_ = 	snop  }
0x5: {  	_ = 	snop  }
0x6: {  	_ = 	snop  }
0x7: {  	_ = 	snop  }
__scs_overlays_trampoline_lowered:
0x8: {  	[smem:$0x3FA6] =	sst s0  }
0x9: {  	[smem:$0x3FA7] =	sst s1  }
0xa: {  	[smem:$0x3FA8] =	sst s2  }
0xb: {  	[smem:$0x3FA9] =	sst s3  }
0xc: {  	[smem:$0x3FAA] =	sst s4  }
0xd: {  	[smem:$0x3FAB] =	sst s5  }
0xe: {  	[smem:$0x3FAC] =	sst s6  }
0xf: {  	[smem:$0x3FAD] =	sst s7  }
0x10: {  	[smem:$0x3FAE] =	sst s8  }
0x11: {  	[smem:$0x3FAF] =	sst s9;
	s0 =	simm.s32 @!p0 $0x0  }
0x12: {  	s1 =	sld [smem:$0x3F95];
	s0 =	simm.s32 @p0 $0x1  }
0x13: {  	[smem:$0x3FB0] =	sst s0;
	s0 =	simm.s32 @!p1 $0x0  }
0x14: {  	s2 =	sld [smem:$0x3F94];
	s0 =	simm.s32 @p1 $0x1  }
0x15: {  	[smem:$0x3FB1] =	sst s0;
	s0 =	simm.s32 @!p2 $0x0  }
0x16: {  	s3 =	sld [smem:$0x3FDB];
	s0 =	simm.s32 @p2 $0x1  }
0x17: {  	s4 =	simm.s32 $0x1BF5;
	[smem:$0x3FB3] =	sst s0  }
0x18: {  	s0 =	sld [smem:$0x3F96];
	_ =	swait.ge [sflag:s4], $0x0  }
0x19: {  	s7 =	sld [smem:$0x3F97]  }
0x1a: {  	s8 =	sadd.s32 $0xFFFFE003, lr  }
0x1b: {  	s9 =	sadd.s32 $0xFFFFFEF7, lr;
	s5 =	simm.s32 $0xFFFFFFFF;
	p2 =	slt.u32 s8, $0xFFFFF086  }
0x1c: {  	p1 =	slt.u32 s9, $0xF7A;
	s5 =	simm.s32 @!p2 $0x0  }
0x1d: {  	s5 =	simm.s32 @p1 $0x1;
	p0 =	seq.s32 s7, s2  }
0x1e: {  	s7 =	smul.u32 @!p0 $0xF7A, s2;
	p2 =	seq.s32 @!p0 s5, $0x0  }
0x1f: {  	s9 =	smul.u32 $0xF7A, s1;
	s8 =	simm.s32 @!p0 $0x1BF5;
	p2 =	por !p2, p0  }
0x20: {  	[sflag:s8] =	ssyncset.s32 @!p0 $0xFFFFF086;
	s6 =	sadd.s32 @!p0 s3, s7;
	s7 =	simm.s32 @!p0 $0x108  }
0x21: {  	s3 =	sadd.s32 s3, s9;
	s6 =	sadd.s32 @!p0 $0x88, s6;
	s7 =	simm.s32 @p2 $0x1082  }
0x22: {  	[simem:s7], [sflag:s8] =	dma.local @!p0 [hbm:s6], $0xF7A  }
0x23: {  	s9 =	sor.u32 $0xD0000000, s2;
	s6 =	simm.s32 $0x108;
	_ =	swait.ge @!p0 [sflag:s8], $0x0  }
0x24: {  	s3 =	sadd.s32 $0x88, s3;
	s6 =	simm.s32 @!p1 $0x1082;
	[sflag:s4] =	ssyncset.s32 $0xFFFFF086  }
0x25: {  	[simem:s6], [sflag:s4] =	dma.local [hbm:s3], $0xF7A  }
0x26: {  	[smem:$0x3F97] =	sst s1;
	(tag) =	ssettag s2;
	_ =	strace s9  }
0x27: {  	s1 =	sld [smem:$0x3FA7]  }
0x28: {  	s2 =	sld [smem:$0x3FA8]  }
0x29: {  	s4 =	sld [smem:$0x3FAA]  }
0x2a: {  	p0 =	seq.s32 s5, $0x0;
	s5 =	sld [smem:$0x3FAB]  }
0x2b: {  	s6 =	sld [smem:$0x3FAC]  }
0x2c: {  	s7 =	sld [smem:$0x3FAD]  }
0x2d: {  	s3 =	simm.s32 $0x108;
	s8 =	sld [smem:$0x3FAE]  }
0x2e: {  	s3 =	simm.s32 @!p0 $0x1082;
	s9 =	sld [smem:$0x3FAF]  }
0x2f: {  	lr =	sadd.s32 s0, s3;
	s0 =	sld [smem:$0x3FA6]  }
0x30: {  	s3 =	sld [smem:$0x3FA9]  }
0x31: {  	[smem:$0x3FB2] =	sst s10  }
0x32: {  	s10 =	sld [smem:$0x3FB0];
	_ =	sdelay $0x3  }
0x33: {  	p0 =	seq.s32 s10, $0x1;
	s10 =	sld [smem:$0x3FB2];
	_ =	sdelay $0x3  }
0x34: {  	[smem:$0x3FB2] =	sst s10  }
0x35: {  	s10 =	sld [smem:$0x3FB1];
	_ =	sdelay $0x3  }
0x36: {  	p1 =	seq.s32 s10, $0x1;
	s10 =	sld [smem:$0x3FB2];
	_ =	sdelay $0x3  }
0x37: {  	[smem:$0x3FB2] =	sst s10  }
0x38: {  	s10 =	sld [smem:$0x3FB3]  }
0x39: {  	_ = 	snop;
	(pc) =	sbr.ind lr, $3  }
0x3a: {  	_ = 	snop  }
0x3b: {  	_ = 	snop  }
0x3c: {  	p2 =	seq.s32 s10, $0x1;
	s10 =	sld [smem:$0x3FB2]  }
0x3d: {  	_ =	shalt  }
0x3e: {  	_ =	shalt  }
0x3f: {  	_ =	shalt  }
0x40: {  	_ =	shalt  }
0x41: {  	_ =	shalt  }
0x42: {  	_ =	shalt  }
0x43: {  	_ =	shalt  }
0x44: {  	_ =	shalt  }
0x45: {  	_ =	shalt  }
0x46: {  	_ =	shalt  }
0x47: {  	_ =	shalt  }
0x48: {  	_ =	shalt  }
0x49: {  	_ =	shalt  }
0x4a: {  	_ =	shalt  }
0x4b: {  	_ =	shalt  }
0x4c: {  	_ =	shalt  }
0x4d: {  	_ =	shalt  }
0x4e: {  	_ =	shalt  }
0x4f: {  	_ =	shalt  }
0x50: {  	_ =	shalt  }
0x51: {  	_ =	shalt  }
0x52: {  	_ =	shalt  }
0x53: {  	_ =	shalt  }
0x54: {  	_ =	shalt  }
0x55: {  	_ =	shalt  }
0x56: {  	_ =	shalt  }
0x57: {  	_ =	shalt  }
0x58: {  	_ =	shalt  }
0x59: {  	_ =	shalt  }
0x5a: {  	_ =	shalt  }
0x5b: {  	_ =	shalt  }
0x5c: {  	_ =	shalt  }
0x5d: {  	_ =	shalt  }
0x5e: {  	_ =	shalt  }
0x5f: {  	_ =	shalt  }
0x60: {  	_ =	shalt  }
0x61: {  	_ =	shalt  }
0x62: {  	_ =	shalt  }
0x63: {  	_ =	shalt  }
0x64: {  	_ =	shalt  }
0x65: {  	_ =	shalt  }
0x66: {  	_ =	shalt  }
0x67: {  	_ =	shalt  }
0x68: {  	_ =	shalt  }
0x69: {  	_ =	shalt  }
0x6a: {  	_ =	shalt  }
0x6b: {  	_ =	shalt  }
0x6c: {  	_ =	shalt  }
0x6d: {  	_ =	shalt  }
0x6e: {  	_ =	shalt  }
0x6f: {  	_ =	shalt  }
0x70: {  	_ =	shalt  }
0x71: {  	_ =	shalt  }
0x72: {  	_ =	shalt  }
0x73: {  	_ =	shalt  }
0x74: {  	_ =	shalt  }
0x75: {  	_ =	shalt  }
0x76: {  	_ =	shalt  }
0x77: {  	_ =	shalt  }
0x78: {  	_ =	shalt  }
0x79: {  	_ =	shalt  }
0x7a: {  	_ =	shalt  }
0x7b: {  	_ =	shalt  }
0x7c: {  	_ =	shalt  }
0x7d: {  	_ =	shalt  }
0x7e: {  	_ =	shalt  }
0x7f: {  	_ =	shalt  }
0x80: {  	_ =	shalt  }
0x81: {  	_ =	shalt  }
0x82: {  	_ =	shalt  }
0x83: {  	_ =	shalt  }
0x84: {  	_ =	shalt  }
0x85: {  	_ =	shalt  }
0x86: {  	_ =	shalt  }
0x87: {  	_ =	shalt  }
.Lfunc_end0:
.L_simem_size_0:
called_computation.3_lowered:
.L_overlay_start_0:
0x88: {  	s2 =	sld [smem:$0x3FD9]  }
0x89: {  	s3 =	sld [smem:$0x3FFE];
	_ =	sdelay $0x1  }
0x8a: {  	s1 =	srdreg.scid  }
0x8b: {  	s0 =	sand.u32 $0x1, s1  }
0x8c: {  	s17 =	sshll.u32 s0, $0xA;
	s2 =	sadd.s32 s3, s2  }
0x8d: {  	s2 =	sadd.s32 s2, s17  }
0x8e: {  	[smem:$0x3FBE] =	sst s2  }
0x8f: {  	_ = 	snop  }
0x90: {  	s2 =	sld [smem:$0x3FD0];
	(tm) =	ssettm $0x1  }
0x91: {  	s18 =	sld [smem:$0x3FFB];
	_ =	sdelay $0x3  }
0x92: {  	_ =	strace s18  }
0x93: {  	s3 =	sld [smem:$0x3FFC];
	_ =	sdelay $0x3  }
0x94: {  	_ =	strace s3  }
0x95: {  	s3 =	sld [smem:$0x3FFD];
	_ =	sdelay $0x3  }
0x96: {  	_ =	strace s3  }
0x97: {  	_ =	strace $0x8FFFFFFF  }
0x98: {  	s19 =	sld [smem:$0x3FDB];
	_ =	sdelay $0x1  }
0x99: {  	s4 =	simm.s32 $_scs_section_size  }
0x9a: {  	s5 =	simm.s32 $_size__tile_overlayer_lowered;
	s6 =	simm.s32 $_tile_overlayer_lowered  }
0x9b: {  	s22 =	simm.s32 $0x1BFF;
	s21 =	sshll.u32 s6, $0x1;
	s3 =	sadd.s32 s4, s19  }
0x9c: {  	s7 =	simm.s32 $0x0;
	s20 =	sshll.u32 s5, $0x1;
	s5 =	sadd.s32 s21, s3  }
0x9d: {  	[timem:s7], [sflag:s22] =	dma.local [hbm:s5], s20  }
0x9e: {  	_ =	swait.ge [sflag:s22], s20  }
0x9f: {  	s4 =	ssub.s32 $0x0, s20;
	[sflag:s22] =	ssyncset.done $0x0  }
0xa0: {  	[sflag:s22] =	ssyncadd.s32 s4;
	_ =	sdelay $0x1  }
0xa1: {  	s23 =	simm.s32 $0x1B8B  }
0xa2: {  	_ =	swait.ge [sflag:s23], $0x1  }
0xa3: {  	[sflag:s23] =	ssyncset.done $0x0  }
0xa4: {  	s25 =	simm.s32 $0x1B8E;
	s24 =	sld [smem:$0x3FFE];
	[sflag:s23] =	ssyncadd.s32 $0xFFFFFFFF  }
0xa5: {  	s26 =	simm.s32 $execute0_lowered;
	[smem:$0x3FD2] =	sst s25  }
0xa6: {  	s5 =	sshll.u32 s26, $0x1;
	_ =	strace $0x8000004F;
	[dreg:$0x1] =	wrdreg $0xFFFFFFFF  }
0xa7: {  	s28 =	simm.s32 $_size_execute0_lowered;
	s3 =	sadd.s32 s3, s5;
	[dreg:$0x0] =	wrdreg $0x0  }
0xa8: {  	s5 =	sshll.u32 s28, $0x1;
	[dreg:$0x2] =	wrdreg s3  }
0xa9: {  	[dreg:$0x3] =	wrdreg s5  }
0xaa: {  	[dreg:$0x4] =	wrdreg $0xC0  }
0xab: {  	_ =	task [dreg:s7], $0x5FFFF  }
0xac: {  	[dreg:$0x1] =	wrdreg $0xFFFFFFFF  }
0xad: {  	[dreg:$0x0] =	wrdreg $0x60  }
0xae: {  	[dreg:$0x2] =	wrdreg s24  }
0xaf: {  	[dreg:$0x3] =	wrdreg s2  }
0xb0: {  	[dreg:$0x4] =	wrdreg $0xA8000  }
0xb1: {  	[dreg:$0x5] =	wrdreg $0x9  }
0xb2: {  	_ =	task.clear_ibuf [dreg:s7], $0x6FFFF;
	_ =	strace $0x9000004F  }
0xb3: {  	s29 =	simm.s32 $0x9;
	_ =	strace $0x80000051  }
0xb4: {  	_ =	swait.ge [sflag:s29], $0x1  }
0xb5: {  	[sflag:s29] =	ssyncadd.s32 $0xFFFFFFFF  }
0xb6: {  	_ =	strace $0x90000051  }
0xb7: {  	_ =	sfence  }
0xb8: {  	s30 =	sld [smem:$0x0];
	_ =	sdelay $0x2  }
0xb9: {  	s31 =	sshll.u32 s1, $0xD;
	s1 =	sshrl.u32 s1, $0x2  }
0xba: {  	s3 =	sand.u32 $0x4000, s31;
	s1 =	sadd.s32 s1, s30  }
0xbb: {  	s0 =	sor.u32 s3, s0;
	s1 =	sshll.u32 s1, $0x11  }
0xbc: {  	s0 =	sor.u32 s1, s0  }
0xbd: {  	s0 =	sadd.s32 $0x8F2B, s0  }
0xbe: {  	[sflag:s0] =	ssyncadd.remote.s32 $0x1  }
0xbf: {  	_ =	sfence.sel $0xFFFF  }
0xc0: {  	[dreg:$0x0] =	wrdreg $0xFFFFFFFF;
	(pc) =	sbr.abs _section_cstart, $3  }
0xc1: {  	[dreg:$0x1] =	wrdreg $0xFFFFFFFF  }
0xc2: {  	_ =	task.clear_ibuf [dreg:s7], $0x2FFFF;
	_ =	strace $0x9FFFFFFF  }
0xc3: {  	(tm) =	ssettm $0x7FFFFFFF  }
tec
execute0_lowered:
.L_overlay_start_1:
0x0: {  	(tag) =	ssettag $0x1  }
0x1: {  	s6 =	rddreg [dreg:$0x0]  }
0x2: {  	s10 =	rddreg [dreg:$0x1]  }
0x3: {  	s1 =	rddreg [dreg:$0x2]  }
0x4: {  	s2 =	srdreg.scid;
	s0 =	rddreg [dreg:$0x3]  }
0x5: {  	s3 =	simm.s32 $0x0;
	s16 =	simm.s32 $0x80;
	s17 =	simm.s32 $0x2800  }
0x6: {  	s18 =	simm.s32 $0x6800;
	s19 =	simm.s32 $0x1;
	s20 =	simm.s32 $0x2  }
0x7: {  	s21 =	simm.s32 $0x1380;
	s22 =	simm.s32 $0x2700;
	s23 =	simm.s32 $0x2780  }
0x8: {  	s7 =	sand.u32 $0x1, s2;
	s2 =	stileid.u32;
	[smem:$0x7FF] =	sst s3  }
0x9: {  	s4 =	sadd.s32 $0x61A00, s6;
	s11 =	sadd.s32 $0x4A00, s6;
	s8 =	smul.u32 $0x140000, s7  }
0xa: {  	s5 =	sadd.s32 $0xEA00, s6;
	s9 =	smul.u32 $0x14000, s2;
	_ =	strace $0x80000050  }
0xb: {  	s24 =	sshll.u32 s2, $0x1;
	s12 =	ssub.s32 $0x2, s7;
	s25 =	smul.u32 $0x50000, s2  }
0xc: {  	s28 =	sshll.u32 s2, $0x6;
	s7 =	sor.u32 s7, s24;
	s13 =	sshrl.u32 s12, $0x1  }
0xd: {  	s24 =	simm.s32 $0x0;
	s8 =	sadd.s32 s9, s8;
	s14 =	smul.u32 $0x2800, s7  }
0xe: {  	s12 =	ssub.s32 s12, s13;
	s26 =	sshrl.u32 s25, $0x2;
	s29 =	smul.u32 $0x500, s7  }
0xf: {  	s8 =	sshrl.u32 s8, $0x3;
	s31 =	sadd.s32 s26, s1;
	s12 =	smax.u32 s12, $0x1  }
0x10: {  	s15 =	sadd.s32 s8, s6;
	s30 =	sshrl.u32 s14, $0x3;
	s6 =	sor.u32 $0x1C03, s28  }
0x11: {  	s7 =	sadd.s32 s11, s29;
	s8 =	sadd.s32 s10, s29;
	s14 =	sadd.s32 $0x280, s30  }
0x12: {  	s13 =	sshrl.u32 s31, $0x3;
	s9 =	sadd.s32 s11, s14;
	s10 =	sadd.s32 s10, s14  }
0x13: {  	s11 =	sadd.s32 $0x88C00, s15;
	s14 =	simm.s32 $0x3;
	s15 =	simm.s32 $0x1400  }
.LBB2_1:
0x14: {  	[spmem:s13], [sflag:s6] =	dma.local [hbm:s5], $0x2800  }
0x15: {  	_ =	swait.ge [sflag:s14], $0x2800  }
0x16: {  	[sflag:s14] =	ssyncset.done $0x0  }
0x17: {  	[sflag:s14] =	ssyncadd.s32 $0xFFFFD800  }
0x18: {  	[bflag:$0x0] =	sbarrier.arrive $0xFFFF  }
0x19: {  	[tilespmem:s3], [sflag:$0x3] =	stream.linear.gather [hbm4b:s7+s3], $0x1400, $0x38;
	[tilespmem:$0x1E800] =	vst v63  }
0x1a: {  	_ =	swait.ge [sflag:s14], $0x1400  }
0x1b: {  	[sflag:s14] =	ssyncset.done $0x0  }
0x1c: {  	[sflag:s14] =	ssyncadd.s32 $0xFFFFEC00  }
0x1d: {  	[tilespmem:s15], [sflag:$0x3] =	stream.linear.gather [hbm4b:s8+s3], $0x1400, $0x38;
	[tilespmem:$0x1E800] =	vst v63  }
0x1e: {  	_ =	swait.ge [sflag:s14], $0x1400  }
0x1f: {  	[sflag:s14] =	ssyncset.done $0x0  }
0x20: {  	[sflag:s14] =	ssyncadd.s32 $0xFFFFEC00  }
0x21: {  	[tilespmem:s17], [sflag:$0x1] =	stream.indirect.gather [hbm4b:s4+s16], $0x80, s3, s16, $0xb8;
	[tilespmem:$0x1E800] =	vst v63  }
0x22: {  	s25 =	simm.s32 $0x80  }
0x23: {  	[tilespmem:s18], [sflag:$0x2] =	stream.indirect.gather [hbm4b:s4+s16], $0x80, s25, s16, $0xb8;
	[tilespmem:$0x1E800] =	vst v63  }
0x24: {  	_ =	swait.ge [sflag:s19], $0x4000  }
0x25: {  	[sflag:s19] =	ssyncset.done $0x0  }
0x26: {  	s29 =	simm.s32 $0x1400;
	[sflag:s19] =	ssyncadd.s32 $0xFFFFC000  }
0x27: {  	[spmem:s1] =	stream.indirect.scatter.add.f32 [tilespmem:s17], [sflag:$0x3], $0x80, s29, s16, $0xb8;
	[tilespmem:$0x1E800] =	vst v63  }
0x28: {  	_ =	swait.ge [sflag:s14], $0x4000  }
0x29: {  	[sflag:s14] =	ssyncset.done $0x0  }
0x2a: {  	s30 =	simm.s32 $0x100;
	[sflag:s14] =	ssyncadd.s32 $0xFFFFC000  }
0x2b: {  	[tilespmem:s17], [sflag:$0x1] =	stream.indirect.gather [hbm4b:s4+s16], $0x80, s30, s16, $0xb8;
	[tilespmem:$0x1E800] =	vst v63  }
0x2c: {  	_ =	swait.ge [sflag:s20], $0x4000  }
0x2d: {  	[sflag:s20] =	ssyncset.done $0x0  }
0x2e: {  	s31 =	simm.s32 $0x1480;
	[sflag:s20] =	ssyncadd.s32 $0xFFFFC000  }
0x2f: {  	[spmem:s1] =	stream.indirect.scatter.add.f32 [tilespmem:s18], [sflag:$0x3], $0x80, s31, s16, $0xb8;
	[tilespmem:$0x1E800] =	vst v63  }
0x30: {  	_ =	swait.ge [sflag:s14], $0x4000  }
0x31: {  	s26 =	simm.s32 $0x800;
	s25 =	simm.s32 $0x100;
	[sflag:s14] =	ssyncset.done $0x0  }
.LBB2_2:
0x32: {  	s28 =	sadd.s32 $0x80, s25  }
0x33: {  	[sflag:s14] =	ssyncadd.s32 $0xFFFFC000;
	s29 =	smov.u32 s26;
	s30 =	sadd.s32 $0x400, s26  }
0x34: {  	[tilespmem:s18], [sflag:$0x2] =	stream.indirect.gather [hbm4b:s4+s16], $0x80, s28, s16, $0xb8;
	[tilespmem:$0x1E800] =	vst v63  }
0x35: {  	p0 =	sne.s32 s26, $0x4800;
	_ =	swait.ge [sflag:s19], $0x4000  }
0x36: {  	[sflag:s19] =	ssyncset.done $0x0  }
0x37: {  	s26 =	sadd.s32 $0x1400, s25;
	[sflag:s19] =	ssyncadd.s32 $0xFFFFC000  }
0x38: {  	[spmem:s1] =	stream.indirect.scatter.add.f32 [tilespmem:s17], [sflag:$0x3], $0x80, s26, s16, $0xb8;
	[tilespmem:$0x1E800] =	vst v63  }
0x39: {  	_ =	swait.ge [sflag:s14], $0x4000  }
0x3a: {  	[sflag:s14] =	ssyncset.done $0x0  }
0x3b: {  	s26 =	sadd.s32 $0x100, s25;
	[sflag:s14] =	ssyncadd.s32 $0xFFFFC000  }
0x3c: {  	[tilespmem:s17], [sflag:$0x1] =	stream.indirect.gather [hbm4b:s4+s16], $0x80, s26, s16, $0xb8;
	[tilespmem:$0x1E800] =	vst v63  }
0x3d: {  	_ =	swait.ge [sflag:s20], $0x4000  }
.Ltmp0:
0x3e: {  	[sflag:s20] =	ssyncset.done $0x0;
	(pc) =	sbr.rel @p0 .LBB2_2-.Ltmp0, $4  }
0x3f: {  	s25 =	sadd.s32 $0x1480, s25;
	[sflag:s20] =	ssyncadd.s32 $0xFFFFC000  }
0x40: {  	[spmem:s1] =	stream.indirect.scatter.add.f32 [tilespmem:s18], [sflag:$0x3], $0x80, s25, s16, $0xb8;
	[tilespmem:$0x1E800] =	vst v63  }
0x41: {  	_ =	swait.ge [sflag:s14], $0x4000  }
0x42: {  	s26 =	smov.u32 s30;
	s25 =	sshra.s32 s29, $0x2;
	[sflag:s14] =	ssyncset.done $0x0  }
0x43: {  	s26 =	sadd.s32 $0x80, s25;
	[sflag:s14] =	ssyncadd.s32 $0xFFFFC000  }
0x44: {  	[tilespmem:s18], [sflag:$0x2] =	stream.indirect.gather [hbm4b:s4+s16], $0x80, s26, s16, $0xb8;
	[tilespmem:$0x1E800] =	vst v63  }
0x45: {  	_ =	swait.ge [sflag:s19], $0x4000  }
0x46: {  	[sflag:s19] =	ssyncset.done $0x0  }
0x47: {  	s29 =	sadd.s32 $0x1400, s25;
	[sflag:s19] =	ssyncadd.s32 $0xFFFFC000  }
0x48: {  	[spmem:s1] =	stream.indirect.scatter.add.f32 [tilespmem:s17], [sflag:$0x3], $0x80, s29, s16, $0xb8;
	[tilespmem:$0x1E800] =	vst v63  }
0x49: {  	_ =	swait.ge [sflag:s14], $0x4000  }
0x4a: {  	[sflag:s14] =	ssyncset.done $0x0  }
0x4b: {  	s30 =	sadd.s32 $0x100, s25;
	[sflag:s14] =	ssyncadd.s32 $0xFFFFC000  }
0x4c: {  	[tilespmem:s17], [sflag:$0x1] =	stream.indirect.gather [hbm4b:s4+s16], $0x80, s30, s16, $0xb8;
	[tilespmem:$0x1E800] =	vst v63  }
0x4d: {  	_ =	swait.ge [sflag:s20], $0x4000  }
0x4e: {  	[sflag:s20] =	ssyncset.done $0x0  }
0x4f: {  	s31 =	sadd.s32 $0x1480, s25;
	[sflag:s20] =	ssyncadd.s32 $0xFFFFC000  }
0x50: {  	[spmem:s1] =	stream.indirect.scatter.add.f32 [tilespmem:s18], [sflag:$0x3], $0x80, s31, s16, $0xb8;
	[tilespmem:$0x1E800] =	vst v63  }
0x51: {  	_ =	swait.ge [sflag:s14], $0x4000  }
0x52: {  	[sflag:s14] =	ssyncset.done $0x0  }
0x53: {  	[sflag:s14] =	ssyncadd.s32 $0xFFFFC000  }
0x54: {  	[tilespmem:s18], [sflag:$0x2] =	stream.indirect.gather [hbm4b:s4+s16], $0x80, s21, s16, $0xb8;
	[tilespmem:$0x1E800] =	vst v63  }
0x55: {  	_ =	swait.ge [sflag:s19], $0x4000  }
0x56: {  	[sflag:s19] =	ssyncset.done $0x0  }
0x57: {  	[sflag:s19] =	ssyncadd.s32 $0xFFFFC000  }
0x58: {  	[spmem:s1] =	stream.indirect.scatter.add.f32 [tilespmem:s17], [sflag:$0x3], $0x80, s22, s16, $0xb8;
	[tilespmem:$0x1E800] =	vst v63  }
0x59: {  	_ =	swait.ge [sflag:s14], $0x4000  }
0x5a: {  	[sflag:s14] =	ssyncset.done $0x0  }
0x5b: {  	[sflag:s14] =	ssyncadd.s32 $0xFFFFC000  }
0x5c: {  	_ =	swait.ge [sflag:s20], $0x4000  }
0x5d: {  	[sflag:s20] =	ssyncset.done $0x0  }
0x5e: {  	[sflag:s20] =	ssyncadd.s32 $0xFFFFC000  }
0x5f: {  	[spmem:s1] =	stream.indirect.scatter.add.f32 [tilespmem:s18], [sflag:$0x3], $0x80, s23, s16, $0xb8;
	[tilespmem:$0x1E800] =	vst v63  }
0x60: {  	_ =	swait.ge [sflag:s14], $0x4000  }
0x61: {  	[sflag:s14] =	ssyncset.done $0x0  }
0x62: {  	s26 =	simm.s32 $0x0;
	[sflag:s14] =	ssyncadd.s32 $0xFFFFC000  }
0x63: {  	[tilespmem:s26], [sflag:$0x3] =	stream.linear.gather [hbm4b:s9+s26], $0x1400, $0x38;
	[tilespmem:$0x1E800] =	vst v63  }
0x64: {  	_ =	swait.ge [sflag:s14], $0x1400  }
0x65: {  	[sflag:s14] =	ssyncset.done $0x0  }
0x66: {  	[sflag:s14] =	ssyncadd.s32 $0xFFFFEC00  }
0x67: {  	[tilespmem:s15], [sflag:$0x3] =	stream.linear.gather [hbm4b:s10+s26], $0x1400, $0x38;
	[tilespmem:$0x1E800] =	vst v63  }
0x68: {  	_ =	swait.ge [sflag:s14], $0x1400  }
0x69: {  	[sflag:s14] =	ssyncset.done $0x0  }
0x6a: {  	[sflag:s14] =	ssyncadd.s32 $0xFFFFEC00  }
0x6b: {  	[tilespmem:s17], [sflag:$0x1] =	stream.indirect.gather [hbm4b:s4+s16], $0x80, s26, s16, $0xb8;
	[tilespmem:$0x1E800] =	vst v63  }
0x6c: {  	s28 =	simm.s32 $0x80  }
0x6d: {  	[tilespmem:s18], [sflag:$0x2] =	stream.indirect.gather [hbm4b:s4+s16], $0x80, s28, s16, $0xb8;
	[tilespmem:$0x1E800] =	vst v63  }
0x6e: {  	_ =	swait.ge [sflag:s19], $0x4000  }
0x6f: {  	[sflag:s19] =	ssyncset.done $0x0  }
0x70: {  	s29 =	simm.s32 $0x1400;
	[sflag:s19] =	ssyncadd.s32 $0xFFFFC000  }
0x71: {  	[spmem:s1] =	stream.indirect.scatter.add.f32 [tilespmem:s17], [sflag:$0x3], $0x80, s29, s16, $0xb8;
	[tilespmem:$0x1E800] =	vst v63  }
0x72: {  	_ =	swait.ge [sflag:s14], $0x4000  }
0x73: {  	[sflag:s14] =	ssyncset.done $0x0  }
0x74: {  	s30 =	simm.s32 $0x100;
	[sflag:s14] =	ssyncadd.s32 $0xFFFFC000  }
0x75: {  	[tilespmem:s17], [sflag:$0x1] =	stream.indirect.gather [hbm4b:s4+s16], $0x80, s30, s16, $0xb8;
	[tilespmem:$0x1E800] =	vst v63  }
0x76: {  	_ =	swait.ge [sflag:s20], $0x4000  }
0x77: {  	[sflag:s20] =	ssyncset.done $0x0  }
0x78: {  	s31 =	simm.s32 $0x1480;
	[sflag:s20] =	ssyncadd.s32 $0xFFFFC000  }
0x79: {  	[spmem:s1] =	stream.indirect.scatter.add.f32 [tilespmem:s18], [sflag:$0x3], $0x80, s31, s16, $0xb8;
	[tilespmem:$0x1E800] =	vst v63  }
0x7a: {  	_ =	swait.ge [sflag:s14], $0x4000  }
0x7b: {  	s25 =	simm.s32 $0x100;
	s26 =	simm.s32 $0x800;
	[sflag:s14] =	ssyncset.done $0x0  }
.LBB2_4:
0x7c: {  	s28 =	sadd.s32 $0x80, s25  }
0x7d: {  	[sflag:s14] =	ssyncadd.s32 $0xFFFFC000;
	s29 =	smov.u32 s26;
	s30 =	sadd.s32 $0x400, s26  }
0x7e: {  	[tilespmem:s18], [sflag:$0x2] =	stream.indirect.gather [hbm4b:s4+s16], $0x80, s28, s16, $0xb8;
	[tilespmem:$0x1E800] =	vst v63  }
0x7f: {  	p0 =	sne.s32 s26, $0x4800;
	_ =	swait.ge [sflag:s19], $0x4000  }
0x80: {  	[sflag:s19] =	ssyncset.done $0x0  }
0x81: {  	s26 =	sadd.s32 $0x1400, s25;
	[sflag:s19] =	ssyncadd.s32 $0xFFFFC000  }
0x82: {  	[spmem:s1] =	stream.indirect.scatter.add.f32 [tilespmem:s17], [sflag:$0x3], $0x80, s26, s16, $0xb8;
	[tilespmem:$0x1E800] =	vst v63  }
0x83: {  	_ =	swait.ge [sflag:s14], $0x4000  }
0x84: {  	[sflag:s14] =	ssyncset.done $0x0  }
0x85: {  	s26 =	sadd.s32 $0x100, s25;
	[sflag:s14] =	ssyncadd.s32 $0xFFFFC000  }
0x86: {  	[tilespmem:s17], [sflag:$0x1] =	stream.indirect.gather [hbm4b:s4+s16], $0x80, s26, s16, $0xb8;
	[tilespmem:$0x1E800] =	vst v63  }
0x87: {  	_ =	swait.ge [sflag:s20], $0x4000  }
.Ltmp1:
0x88: {  	[sflag:s20] =	ssyncset.done $0x0;
	(pc) =	sbr.rel @p0 .LBB2_4-.Ltmp1, $4  }
0x89: {  	s25 =	sadd.s32 $0x1480, s25;
	[sflag:s20] =	ssyncadd.s32 $0xFFFFC000  }
0x8a: {  	[spmem:s1] =	stream.indirect.scatter.add.f32 [tilespmem:s18], [sflag:$0x3], $0x80, s25, s16, $0xb8;
	[tilespmem:$0x1E800] =	vst v63  }
0x8b: {  	_ =	swait.ge [sflag:s14], $0x4000  }
0x8c: {  	s26 =	smov.u32 s30;
	s25 =	sshra.s32 s29, $0x2;
	[sflag:s14] =	ssyncset.done $0x0  }
0x8d: {  	s26 =	sadd.s32 $0x80, s25;
	[sflag:s14] =	ssyncadd.s32 $0xFFFFC000  }
0x8e: {  	[tilespmem:s18], [sflag:$0x2] =	stream.indirect.gather [hbm4b:s4+s16], $0x80, s26, s16, $0xb8;
	[tilespmem:$0x1E800] =	vst v63  }
0x8f: {  	_ =	swait.ge [sflag:s19], $0x4000  }
0x90: {  	[sflag:s19] =	ssyncset.done $0x0  }
0x91: {  	s29 =	sadd.s32 $0x1400, s25;
	[sflag:s19] =	ssyncadd.s32 $0xFFFFC000  }
0x92: {  	[spmem:s1] =	stream.indirect.scatter.add.f32 [tilespmem:s17], [sflag:$0x3], $0x80, s29, s16, $0xb8;
	[tilespmem:$0x1E800] =	vst v63  }
0x93: {  	_ =	swait.ge [sflag:s14], $0x4000  }
0x94: {  	[sflag:s14] =	ssyncset.done $0x0  }
0x95: {  	s30 =	sadd.s32 $0x100, s25;
	[sflag:s14] =	ssyncadd.s32 $0xFFFFC000  }
0x96: {  	[tilespmem:s17], [sflag:$0x1] =	stream.indirect.gather [hbm4b:s4+s16], $0x80, s30, s16, $0xb8;
	[tilespmem:$0x1E800] =	vst v63  }
0x97: {  	_ =	swait.ge [sflag:s20], $0x4000  }
0x98: {  	[sflag:s20] =	ssyncset.done $0x0  }
0x99: {  	s31 =	sadd.s32 $0x1480, s25;
	[sflag:s20] =	ssyncadd.s32 $0xFFFFC000  }
0x9a: {  	[spmem:s1] =	stream.indirect.scatter.add.f32 [tilespmem:s18], [sflag:$0x3], $0x80, s31, s16, $0xb8;
	[tilespmem:$0x1E800] =	vst v63  }
0x9b: {  	_ =	swait.ge [sflag:s14], $0x4000  }
0x9c: {  	[sflag:s14] =	ssyncset.done $0x0  }
0x9d: {  	[sflag:s14] =	ssyncadd.s32 $0xFFFFC000  }
0x9e: {  	[tilespmem:s18], [sflag:$0x2] =	stream.indirect.gather [hbm4b:s4+s16], $0x80, s21, s16, $0xb8;
	[tilespmem:$0x1E800] =	vst v63  }
0x9f: {  	_ =	swait.ge [sflag:s19], $0x4000  }
0xa0: {  	[sflag:s19] =	ssyncset.done $0x0  }
0xa1: {  	[sflag:s19] =	ssyncadd.s32 $0xFFFFC000  }
0xa2: {  	[spmem:s1] =	stream.indirect.scatter.add.f32 [tilespmem:s17], [sflag:$0x3], $0x80, s22, s16, $0xb8;
	[tilespmem:$0x1E800] =	vst v63  }
0xa3: {  	_ =	swait.ge [sflag:s14], $0x4000  }
0xa4: {  	[sflag:s14] =	ssyncset.done $0x0  }
0xa5: {  	[sflag:s14] =	ssyncadd.s32 $0xFFFFC000  }
0xa6: {  	_ =	swait.ge [sflag:s20], $0x4000  }
0xa7: {  	[sflag:s20] =	ssyncset.done $0x0  }
0xa8: {  	[sflag:s20] =	ssyncadd.s32 $0xFFFFC000  }
0xa9: {  	[spmem:s1] =	stream.indirect.scatter.add.f32 [tilespmem:s18], [sflag:$0x3], $0x80, s23, s16, $0xb8;
	[tilespmem:$0x1E800] =	vst v63  }
0xaa: {  	_ =	swait.ge [sflag:s14], $0x4000  }
0xab: {  	s24 =	sadd.s32 $0x1, s24;
	[sflag:s14] =	ssyncset.done $0x0  }
0xac: {  	p0 =	sne.s32 s24, s12;
	[sflag:s14] =	ssyncadd.s32 $0xFFFFC000  }
.Ltmp2:
0xad: {  	[bflag:$0x0] =	sbarrier.arrive $0xFFFF;
	(pc) =	sbr.rel @p0 .LBB2_1-.Ltmp2, $4  }
0xae: {  	[hbm:s11], [sflag:s6] =	dma.local [spmem:s13], $0x2800  }
0xaf: {  	_ =	swait.ge [sflag:s14], $0x2800  }
0xb0: {  	[sflag:s14] =	ssyncset.done $0x0  }
0xb1: {  	[sflag:s14] =	ssyncadd.s32 $0xFFFFD800  }
0xb2: {  	_ =	sfence.sel $0x180000  }
0xb3: {  	[bflag:$0x0] =	sbarrier.arrive $0xFFFF  }
0xb4: {  	p0 =	sne.s32 s2, $0x0;
	_ =	strace $0x90000050  }
0xb5: {  	s0 =	sadd.s32 @!p0 $0x100000, s0;
	[bflag:$0x2] =	sbarrier.arrive $0xFFFF  }
0xb6: {  	[sflag:s0] =	ssyncadd.tile.s32 @!p0 $0x1;
	_ =	shalt  }
.Lfunc_end2:
_tile_overlayer_lowered:
.L_overlay_start_2:
0xb7: {  	(tag) =	ssettag $0x2  }
0xb8: {  	s0 =	rddreg [dreg:$0x0];
	s2 =	stileid.u32  }
0xb9: {  	s1 =	rddreg [dreg:$0x1];
	p0 =	sne.s32 s2, $0x0  }
0xba: {  	s3 =	rddreg [dreg:$0x2];
	[bflag:$0x3] =	sbarrier.arrive $0xFFFF;
	s2 =	simm.s32 @!p0 $0x1C03  }
0xbb: {  	[timem:s3], [sflag:s2] =	dma.local @!p0 [hbm:s0], s1  }
0xbc: {  	s0 =	simm.s32 @!p0 $0x3  }
0xbd: {  	_ =	swait.ge @!p0 [sflag:s0], s1  }
0xbe: {  	s1 =	ssub.s32 @!p0 $0x0, s1;
	[sflag:s0] =	ssyncset.done @!p0 $0x0  }
0xbf: {  	[sflag:s0] =	ssyncadd.s32 @!p0 s1  }
0xc0: {  	[bflag:$0x3] =	sbarrier.arrive $0xFFFF  }
0xc1: {  	_ =	shalt  }

// kernel: kernel.25.cloned.1.call-start
scs
__scs_entry_jumppad:
0x0: {  	(pc) =	sbr.rel $0x88, $3  }
0x1: {  	(tag) =	ssettag $0x0;
	lr =	simm.s32 $0x1  }
0x2: {  	[smem:$0x3F97] =	sst lr;
	_ =	strace $0xD0000000  }
0x3: {  	_ = 	snop  }
0x4: {  	_ = 	snop  }
0x5: {  	_ = 	snop  }
0x6: {  	_ = 	snop  }
0x7: {  	_ = 	snop  }
__scs_overlays_trampoline_lowered:
0x8: {  	[smem:$0x3FA6] =	sst s0  }
0x9: {  	[smem:$0x3FA7] =	sst s1  }
0xa: {  	[smem:$0x3FA8] =	sst s2  }
0xb: {  	[smem:$0x3FA9] =	sst s3  }
0xc: {  	[smem:$0x3FAA] =	sst s4  }
0xd: {  	[smem:$0x3FAB] =	sst s5  }
0xe: {  	[smem:$0x3FAC] =	sst s6  }
0xf: {  	[smem:$0x3FAD] =	sst s7  }
0x10: {  	[smem:$0x3FAE] =	sst s8  }
0x11: {  	[smem:$0x3FAF] =	sst s9;
	s0 =	simm.s32 @!p0 $0x0  }
0x12: {  	s1 =	sld [smem:$0x3F95];
	s0 =	simm.s32 @p0 $0x1  }
0x13: {  	[smem:$0x3FB0] =	sst s0;
	s0 =	simm.s32 @!p1 $0x0  }
0x14: {  	s2 =	sld [smem:$0x3F94];
	s0 =	simm.s32 @p1 $0x1  }
0x15: {  	[smem:$0x3FB1] =	sst s0;
	s0 =	simm.s32 @!p2 $0x0  }
0x16: {  	s3 =	sld [smem:$0x3FDB];
	s0 =	simm.s32 @p2 $0x1  }
0x17: {  	s4 =	simm.s32 $0x1BF5;
	[smem:$0x3FB3] =	sst s0  }
0x18: {  	s0 =	sld [smem:$0x3F96];
	_ =	swait.ge [sflag:s4], $0x0  }
0x19: {  	s7 =	sld [smem:$0x3F97]  }
0x1a: {  	s8 =	sadd.s32 $0xFFFFE003, lr  }
0x1b: {  	s9 =	sadd.s32 $0xFFFFFEF7, lr;
	s5 =	simm.s32 $0xFFFFFFFF;
	p2 =	slt.u32 s8, $0xFFFFF086  }
0x1c: {  	p1 =	slt.u32 s9, $0xF7A;
	s5 =	simm.s32 @!p2 $0x0  }
0x1d: {  	s5 =	simm.s32 @p1 $0x1;
	p0 =	seq.s32 s7, s2  }
0x1e: {  	s7 =	smul.u32 @!p0 $0xF7A, s2;
	p2 =	seq.s32 @!p0 s5, $0x0  }
0x1f: {  	s9 =	smul.u32 $0xF7A, s1;
	s8 =	simm.s32 @!p0 $0x1BF5;
	p2 =	por !p2, p0  }
0x20: {  	[sflag:s8] =	ssyncset.s32 @!p0 $0xFFFFF086;
	s6 =	sadd.s32 @!p0 s3, s7;
	s7 =	simm.s32 @!p0 $0x108  }
0x21: {  	s3 =	sadd.s32 s3, s9;
	s6 =	sadd.s32 @!p0 $0x88, s6;
	s7 =	simm.s32 @p2 $0x1082  }
0x22: {  	[simem:s7], [sflag:s8] =	dma.local @!p0 [hbm:s6], $0xF7A  }
0x23: {  	s9 =	sor.u32 $0xD0000000, s2;
	s6 =	simm.s32 $0x108;
	_ =	swait.ge @!p0 [sflag:s8], $0x0  }
0x24: {  	s3 =	sadd.s32 $0x88, s3;
	s6 =	simm.s32 @!p1 $0x1082;
	[sflag:s4] =	ssyncset.s32 $0xFFFFF086  }
0x25: {  	[simem:s6], [sflag:s4] =	dma.local [hbm:s3], $0xF7A  }
0x26: {  	[smem:$0x3F97] =	sst s1;
	(tag) =	ssettag s2;
	_ =	strace s9  }
0x27: {  	s1 =	sld [smem:$0x3FA7]  }
0x28: {  	s2 =	sld [smem:$0x3FA8]  }
0x29: {  	s4 =	sld [smem:$0x3FAA]  }
0x2a: {  	p0 =	seq.s32 s5, $0x0;
	s5 =	sld [smem:$0x3FAB]  }
0x2b: {  	s6 =	sld [smem:$0x3FAC]  }
0x2c: {  	s7 =	sld [smem:$0x3FAD]  }
0x2d: {  	s3 =	simm.s32 $0x108;
	s8 =	sld [smem:$0x3FAE]  }
0x2e: {  	s3 =	simm.s32 @!p0 $0x1082;
	s9 =	sld [smem:$0x3FAF]  }
0x2f: {  	lr =	sadd.s32 s0, s3;
	s0 =	sld [smem:$0x3FA6]  }
0x30: {  	s3 =	sld [smem:$0x3FA9]  }
0x31: {  	[smem:$0x3FB2] =	sst s10  }
0x32: {  	s10 =	sld [smem:$0x3FB0];
	_ =	sdelay $0x3  }
0x33: {  	p0 =	seq.s32 s10, $0x1;
	s10 =	sld [smem:$0x3FB2];
	_ =	sdelay $0x3  }
0x34: {  	[smem:$0x3FB2] =	sst s10  }
0x35: {  	s10 =	sld [smem:$0x3FB1];
	_ =	sdelay $0x3  }
0x36: {  	p1 =	seq.s32 s10, $0x1;
	s10 =	sld [smem:$0x3FB2];
	_ =	sdelay $0x3  }
0x37: {  	[smem:$0x3FB2] =	sst s10  }
0x38: {  	s10 =	sld [smem:$0x3FB3]  }
0x39: {  	_ = 	snop;
	(pc) =	sbr.ind lr, $3  }
0x3a: {  	_ = 	snop  }
0x3b: {  	_ = 	snop  }
0x3c: {  	p2 =	seq.s32 s10, $0x1;
	s10 =	sld [smem:$0x3FB2]  }
0x3d: {  	_ =	shalt  }
0x3e: {  	_ =	shalt  }
0x3f: {  	_ =	shalt  }
0x40: {  	_ =	shalt  }
0x41: {  	_ =	shalt  }
0x42: {  	_ =	shalt  }
0x43: {  	_ =	shalt  }
0x44: {  	_ =	shalt  }
0x45: {  	_ =	shalt  }
0x46: {  	_ =	shalt  }
0x47: {  	_ =	shalt  }
0x48: {  	_ =	shalt  }
0x49: {  	_ =	shalt  }
0x4a: {  	_ =	shalt  }
0x4b: {  	_ =	shalt  }
0x4c: {  	_ =	shalt  }
0x4d: {  	_ =	shalt  }
0x4e: {  	_ =	shalt  }
0x4f: {  	_ =	shalt  }
0x50: {  	_ =	shalt  }
0x51: {  	_ =	shalt  }
0x52: {  	_ =	shalt  }
0x53: {  	_ =	shalt  }
0x54: {  	_ =	shalt  }
0x55: {  	_ =	shalt  }
0x56: {  	_ =	shalt  }
0x57: {  	_ =	shalt  }
0x58: {  	_ =	shalt  }
0x59: {  	_ =	shalt  }
0x5a: {  	_ =	shalt  }
0x5b: {  	_ =	shalt  }
0x5c: {  	_ =	shalt  }
0x5d: {  	_ =	shalt  }
0x5e: {  	_ =	shalt  }
0x5f: {  	_ =	shalt  }
0x60: {  	_ =	shalt  }
0x61: {  	_ =	shalt  }
0x62: {  	_ =	shalt  }
0x63: {  	_ =	shalt  }
0x64: {  	_ =	shalt  }
0x65: {  	_ =	shalt  }
0x66: {  	_ =	shalt  }
0x67: {  	_ =	shalt  }
0x68: {  	_ =	shalt  }
0x69: {  	_ =	shalt  }
0x6a: {  	_ =	shalt  }
0x6b: {  	_ =	shalt  }
0x6c: {  	_ =	shalt  }
0x6d: {  	_ =	shalt  }
0x6e: {  	_ =	shalt  }
0x6f: {  	_ =	shalt  }
0x70: {  	_ =	shalt  }
0x71: {  	_ =	shalt  }
0x72: {  	_ =	shalt  }
0x73: {  	_ =	shalt  }
0x74: {  	_ =	shalt  }
0x75: {  	_ =	shalt  }
0x76: {  	_ =	shalt  }
0x77: {  	_ =	shalt  }
0x78: {  	_ =	shalt  }
0x79: {  	_ =	shalt  }
0x7a: {  	_ =	shalt  }
0x7b: {  	_ =	shalt  }
0x7c: {  	_ =	shalt  }
0x7d: {  	_ =	shalt  }
0x7e: {  	_ =	shalt  }
0x7f: {  	_ =	shalt  }
0x80: {  	_ =	shalt  }
0x81: {  	_ =	shalt  }
0x82: {  	_ =	shalt  }
0x83: {  	_ =	shalt  }
0x84: {  	_ =	shalt  }
0x85: {  	_ =	shalt  }
0x86: {  	_ =	shalt  }
0x87: {  	_ =	shalt  }
.Lfunc_end0:
.L_simem_size_0:
called_computation.4_lowered:
.L_overlay_start_0:
0x88: {  	s2 =	sld [smem:$0x3FD9]  }
0x89: {  	s3 =	sld [smem:$0x3FFE];
	_ =	sdelay $0x1  }
0x8a: {  	s1 =	srdreg.scid  }
0x8b: {  	s0 =	sand.u32 $0x1, s1  }
0x8c: {  	s17 =	sshll.u32 s0, $0xA;
	s2 =	sadd.s32 s3, s2  }
0x8d: {  	s2 =	sadd.s32 s2, s17  }
0x8e: {  	[smem:$0x3FBE] =	sst s2  }
0x8f: {  	_ = 	snop  }
0x90: {  	s2 =	sld [smem:$0x3FD0];
	(tm) =	ssettm $0x1  }
0x91: {  	s18 =	sld [smem:$0x3FFB];
	_ =	sdelay $0x3  }
0x92: {  	_ =	strace s18  }
0x93: {  	s3 =	sld [smem:$0x3FFC];
	_ =	sdelay $0x3  }
0x94: {  	_ =	strace s3  }
0x95: {  	s3 =	sld [smem:$0x3FFD];
	_ =	sdelay $0x3  }
0x96: {  	_ =	strace s3  }
0x97: {  	_ =	strace $0x8FFFFFFF  }
0x98: {  	s19 =	sld [smem:$0x3FDB];
	_ =	sdelay $0x1  }
0x99: {  	s4 =	simm.s32 $_scs_section_size  }
0x9a: {  	s5 =	simm.s32 $_size__tile_overlayer_lowered;
	s6 =	simm.s32 $_tile_overlayer_lowered  }
0x9b: {  	s22 =	simm.s32 $0x1BFF;
	s21 =	sshll.u32 s6, $0x1;
	s3 =	sadd.s32 s4, s19  }
0x9c: {  	s7 =	simm.s32 $0x0;
	s20 =	sshll.u32 s5, $0x1;
	s5 =	sadd.s32 s21, s3  }
0x9d: {  	[timem:s7], [sflag:s22] =	dma.local [hbm:s5], s20  }
0x9e: {  	_ =	swait.ge [sflag:s22], s20  }
0x9f: {  	s4 =	ssub.s32 $0x0, s20;
	[sflag:s22] =	ssyncset.done $0x0  }
0xa0: {  	[sflag:s22] =	ssyncadd.s32 s4;
	_ =	sdelay $0x1  }
0xa1: {  	s23 =	simm.s32 $0x1B8B  }
0xa2: {  	_ =	swait.ge [sflag:s23], $0x1  }
0xa3: {  	[sflag:s23] =	ssyncset.done $0x0  }
0xa4: {  	s25 =	simm.s32 $0x1B8E;
	s24 =	sld [smem:$0x3FFE];
	[sflag:s23] =	ssyncadd.s32 $0xFFFFFFFF  }
0xa5: {  	s26 =	simm.s32 $execute0_lowered;
	[smem:$0x3FD2] =	sst s25  }
0xa6: {  	s5 =	sshll.u32 s26, $0x1;
	_ =	strace $0x80000052;
	[dreg:$0x1] =	wrdreg $0xFFFFFFFF  }
0xa7: {  	s28 =	simm.s32 $_size_execute0_lowered;
	s3 =	sadd.s32 s3, s5;
	[dreg:$0x0] =	wrdreg $0x0  }
0xa8: {  	s5 =	sshll.u32 s28, $0x1;
	[dreg:$0x2] =	wrdreg s3  }
0xa9: {  	[dreg:$0x3] =	wrdreg s5  }
0xaa: {  	[dreg:$0x4] =	wrdreg $0xC0  }
0xab: {  	_ =	task [dreg:s7], $0x5FFFF  }
0xac: {  	[dreg:$0x1] =	wrdreg $0xFFFFFFFF  }
0xad: {  	[dreg:$0x0] =	wrdreg $0x60  }
0xae: {  	[dreg:$0x2] =	wrdreg s24  }
0xaf: {  	[dreg:$0x3] =	wrdreg s2  }
0xb0: {  	[dreg:$0x4] =	wrdreg $0xA8000  }
0xb1: {  	[dreg:$0x5] =	wrdreg $0x9  }
0xb2: {  	_ =	task.clear_ibuf [dreg:s7], $0x6FFFF;
	_ =	strace $0x90000052  }
0xb3: {  	s29 =	simm.s32 $0x9;
	_ =	strace $0x80000054  }
0xb4: {  	_ =	swait.ge [sflag:s29], $0x1  }
0xb5: {  	[sflag:s29] =	ssyncadd.s32 $0xFFFFFFFF  }
0xb6: {  	_ =	strace $0x90000054  }
0xb7: {  	_ =	sfence  }
0xb8: {  	s30 =	sld [smem:$0x0];
	_ =	sdelay $0x2  }
0xb9: {  	s31 =	sshll.u32 s1, $0xD;
	s1 =	sshrl.u32 s1, $0x2  }
0xba: {  	s3 =	sand.u32 $0x4000, s31;
	s1 =	sadd.s32 s1, s30  }
0xbb: {  	s0 =	sor.u32 s3, s0;
	s1 =	sshll.u32 s1, $0x11  }
0xbc: {  	s0 =	sor.u32 s1, s0  }
0xbd: {  	s0 =	sadd.s32 $0x8F2B, s0  }
0xbe: {  	[sflag:s0] =	ssyncadd.remote.s32 $0x1  }
0xbf: {  	_ =	sfence.sel $0xFFFF  }
0xc0: {  	[dreg:$0x0] =	wrdreg $0xFFFFFFFF;
	(pc) =	sbr.abs _section_cstart, $3  }
0xc1: {  	[dreg:$0x1] =	wrdreg $0xFFFFFFFF  }
0xc2: {  	_ =	task.clear_ibuf [dreg:s7], $0x2FFFF;
	_ =	strace $0x9FFFFFFF  }
0xc3: {  	(tm) =	ssettm $0x7FFFFFFF  }
tec
execute0_lowered:
.L_overlay_start_1:
0x0: {  	(tag) =	ssettag $0x1  }
0x1: {  	s6 =	rddreg [dreg:$0x0]  }
0x2: {  	s10 =	rddreg [dreg:$0x1]  }
0x3: {  	s1 =	rddreg [dreg:$0x2]  }
0x4: {  	s2 =	srdreg.scid;
	s0 =	rddreg [dreg:$0x3]  }
0x5: {  	s3 =	simm.s32 $0x0;
	s16 =	simm.s32 $0x80;
	s17 =	simm.s32 $0x2800  }
0x6: {  	s18 =	simm.s32 $0x6800;
	s19 =	simm.s32 $0x1;
	s20 =	simm.s32 $0x2  }
0x7: {  	s21 =	simm.s32 $0x1380;
	s22 =	simm.s32 $0x2700;
	s23 =	simm.s32 $0x2780  }
0x8: {  	s7 =	sand.u32 $0x1, s2;
	s2 =	stileid.u32;
	[smem:$0x7FF] =	sst s3  }
0x9: {  	s4 =	sadd.s32 $0x61A00, s6;
	s11 =	sadd.s32 $0x4A00, s6;
	s8 =	smul.u32 $0x140000, s7  }
0xa: {  	s5 =	sadd.s32 $0xEA00, s6;
	s9 =	smul.u32 $0x14000, s2;
	_ =	strace $0x80000053  }
0xb: {  	s24 =	sshll.u32 s2, $0x1;
	s12 =	ssub.s32 $0x2, s7;
	s25 =	smul.u32 $0x50000, s2  }
0xc: {  	s28 =	sshll.u32 s2, $0x6;
	s7 =	sor.u32 s7, s24;
	s13 =	sshrl.u32 s12, $0x1  }
0xd: {  	s24 =	simm.s32 $0x0;
	s8 =	sadd.s32 s9, s8;
	s14 =	smul.u32 $0x2800, s7  }
0xe: {  	s12 =	ssub.s32 s12, s13;
	s26 =	sshrl.u32 s25, $0x2;
	s29 =	smul.u32 $0x500, s7  }
0xf: {  	s8 =	sshrl.u32 s8, $0x3;
	s31 =	sadd.s32 s26, s1;
	s12 =	smax.u32 s12, $0x1  }
0x10: {  	s15 =	sadd.s32 s8, s6;
	s30 =	sshrl.u32 s14, $0x3;
	s6 =	sor.u32 $0x1C03, s28  }
0x11: {  	s7 =	sadd.s32 s11, s29;
	s8 =	sadd.s32 s10, s29;
	s14 =	sadd.s32 $0x280, s30  }
0x12: {  	s13 =	sshrl.u32 s31, $0x3;
	s9 =	sadd.s32 s11, s14;
	s10 =	sadd.s32 s10, s14  }
0x13: {  	s11 =	sadd.s32 $0x88C00, s15;
	s14 =	simm.s32 $0x3;
	s15 =	simm.s32 $0x1400  }
.LBB2_1:
0x14: {  	[spmem:s13], [sflag:s6] =	dma.local [hbm:s5], $0x2800  }
0x15: {  	_ =	swait.ge [sflag:s14], $0x2800  }
0x16: {  	[sflag:s14] =	ssyncset.done $0x0  }
0x17: {  	[sflag:s14] =	ssyncadd.s32 $0xFFFFD800  }
0x18: {  	[bflag:$0x0] =	sbarrier.arrive $0xFFFF  }
0x19: {  	[tilespmem:s3], [sflag:$0x3] =	stream.linear.gather [hbm4b:s7+s3], $0x1400, $0x38;
	[tilespmem:$0x1E800] =	vst v63  }
0x1a: {  	_ =	swait.ge [sflag:s14], $0x1400  }
0x1b: {  	[sflag:s14] =	ssyncset.done $0x0  }
0x1c: {  	[sflag:s14] =	ssyncadd.s32 $0xFFFFEC00  }
0x1d: {  	[tilespmem:s15], [sflag:$0x3] =	stream.linear.gather [hbm4b:s8+s3], $0x1400, $0x38;
	[tilespmem:$0x1E800] =	vst v63  }
0x1e: {  	_ =	swait.ge [sflag:s14], $0x1400  }
0x1f: {  	[sflag:s14] =	ssyncset.done $0x0  }
0x20: {  	[sflag:s14] =	ssyncadd.s32 $0xFFFFEC00  }
0x21: {  	[tilespmem:s17], [sflag:$0x1] =	stream.indirect.gather [hbm4b:s4+s16], $0x80, s3, s16, $0xb8;
	[tilespmem:$0x1E800] =	vst v63  }
0x22: {  	s25 =	simm.s32 $0x80  }
0x23: {  	[tilespmem:s18], [sflag:$0x2] =	stream.indirect.gather [hbm4b:s4+s16], $0x80, s25, s16, $0xb8;
	[tilespmem:$0x1E800] =	vst v63  }
0x24: {  	_ =	swait.ge [sflag:s19], $0x4000  }
0x25: {  	[sflag:s19] =	ssyncset.done $0x0  }
0x26: {  	s29 =	simm.s32 $0x1400;
	[sflag:s19] =	ssyncadd.s32 $0xFFFFC000  }
0x27: {  	[spmem:s1] =	stream.indirect.scatter.add.f32 [tilespmem:s17], [sflag:$0x3], $0x80, s29, s16, $0xb8;
	[tilespmem:$0x1E800] =	vst v63  }
0x28: {  	_ =	swait.ge [sflag:s14], $0x4000  }
0x29: {  	[sflag:s14] =	ssyncset.done $0x0  }
0x2a: {  	s30 =	simm.s32 $0x100;
	[sflag:s14] =	ssyncadd.s32 $0xFFFFC000  }
0x2b: {  	[tilespmem:s17], [sflag:$0x1] =	stream.indirect.gather [hbm4b:s4+s16], $0x80, s30, s16, $0xb8;
	[tilespmem:$0x1E800] =	vst v63  }
0x2c: {  	_ =	swait.ge [sflag:s20], $0x4000  }
0x2d: {  	[sflag:s20] =	ssyncset.done $0x0  }
0x2e: {  	s31 =	simm.s32 $0x1480;
	[sflag:s20] =	ssyncadd.s32 $0xFFFFC000  }
0x2f: {  	[spmem:s1] =	stream.indirect.scatter.add.f32 [tilespmem:s18], [sflag:$0x3], $0x80, s31, s16, $0xb8;
	[tilespmem:$0x1E800] =	vst v63  }
0x30: {  	_ =	swait.ge [sflag:s14], $0x4000  }
0x31: {  	s26 =	simm.s32 $0x800;
	s25 =	simm.s32 $0x100;
	[sflag:s14] =	ssyncset.done $0x0  }
.LBB2_2:
0x32: {  	s28 =	sadd.s32 $0x80, s25  }
0x33: {  	[sflag:s14] =	ssyncadd.s32 $0xFFFFC000;
	s29 =	smov.u32 s26;
	s30 =	sadd.s32 $0x400, s26  }
0x34: {  	[tilespmem:s18], [sflag:$0x2] =	stream.indirect.gather [hbm4b:s4+s16], $0x80, s28, s16, $0xb8;
	[tilespmem:$0x1E800] =	vst v63  }
0x35: {  	p0 =	sne.s32 s26, $0x4800;
	_ =	swait.ge [sflag:s19], $0x4000  }
0x36: {  	[sflag:s19] =	ssyncset.done $0x0  }
0x37: {  	s26 =	sadd.s32 $0x1400, s25;
	[sflag:s19] =	ssyncadd.s32 $0xFFFFC000  }
0x38: {  	[spmem:s1] =	stream.indirect.scatter.add.f32 [tilespmem:s17], [sflag:$0x3], $0x80, s26, s16, $0xb8;
	[tilespmem:$0x1E800] =	vst v63  }
0x39: {  	_ =	swait.ge [sflag:s14], $0x4000  }
0x3a: {  	[sflag:s14] =	ssyncset.done $0x0  }
0x3b: {  	s26 =	sadd.s32 $0x100, s25;
	[sflag:s14] =	ssyncadd.s32 $0xFFFFC000  }
0x3c: {  	[tilespmem:s17], [sflag:$0x1] =	stream.indirect.gather [hbm4b:s4+s16], $0x80, s26, s16, $0xb8;
	[tilespmem:$0x1E800] =	vst v63  }
0x3d: {  	_ =	swait.ge [sflag:s20], $0x4000  }
.Ltmp0:
0x3e: {  	[sflag:s20] =	ssyncset.done $0x0;
	(pc) =	sbr.rel @p0 .LBB2_2-.Ltmp0, $4  }
0x3f: {  	s25 =	sadd.s32 $0x1480, s25;
	[sflag:s20] =	ssyncadd.s32 $0xFFFFC000  }
0x40: {  	[spmem:s1] =	stream.indirect.scatter.add.f32 [tilespmem:s18], [sflag:$0x3], $0x80, s25, s16, $0xb8;
	[tilespmem:$0x1E800] =	vst v63  }
0x41: {  	_ =	swait.ge [sflag:s14], $0x4000  }
0x42: {  	s26 =	smov.u32 s30;
	s25 =	sshra.s32 s29, $0x2;
	[sflag:s14] =	ssyncset.done $0x0  }
0x43: {  	s26 =	sadd.s32 $0x80, s25;
	[sflag:s14] =	ssyncadd.s32 $0xFFFFC000  }
0x44: {  	[tilespmem:s18], [sflag:$0x2] =	stream.indirect.gather [hbm4b:s4+s16], $0x80, s26, s16, $0xb8;
	[tilespmem:$0x1E800] =	vst v63  }
0x45: {  	_ =	swait.ge [sflag:s19], $0x4000  }
0x46: {  	[sflag:s19] =	ssyncset.done $0x0  }
0x47: {  	s29 =	sadd.s32 $0x1400, s25;
	[sflag:s19] =	ssyncadd.s32 $0xFFFFC000  }
0x48: {  	[spmem:s1] =	stream.indirect.scatter.add.f32 [tilespmem:s17], [sflag:$0x3], $0x80, s29, s16, $0xb8;
	[tilespmem:$0x1E800] =	vst v63  }
0x49: {  	_ =	swait.ge [sflag:s14], $0x4000  }
0x4a: {  	[sflag:s14] =	ssyncset.done $0x0  }
0x4b: {  	s30 =	sadd.s32 $0x100, s25;
	[sflag:s14] =	ssyncadd.s32 $0xFFFFC000  }
0x4c: {  	[tilespmem:s17], [sflag:$0x1] =	stream.indirect.gather [hbm4b:s4+s16], $0x80, s30, s16, $0xb8;
	[tilespmem:$0x1E800] =	vst v63  }
0x4d: {  	_ =	swait.ge [sflag:s20], $0x4000  }
0x4e: {  	[sflag:s20] =	ssyncset.done $0x0  }
0x4f: {  	s31 =	sadd.s32 $0x1480, s25;
	[sflag:s20] =	ssyncadd.s32 $0xFFFFC000  }
0x50: {  	[spmem:s1] =	stream.indirect.scatter.add.f32 [tilespmem:s18], [sflag:$0x3], $0x80, s31, s16, $0xb8;
	[tilespmem:$0x1E800] =	vst v63  }
0x51: {  	_ =	swait.ge [sflag:s14], $0x4000  }
0x52: {  	[sflag:s14] =	ssyncset.done $0x0  }
0x53: {  	[sflag:s14] =	ssyncadd.s32 $0xFFFFC000  }
0x54: {  	[tilespmem:s18], [sflag:$0x2] =	stream.indirect.gather [hbm4b:s4+s16], $0x80, s21, s16, $0xb8;
	[tilespmem:$0x1E800] =	vst v63  }
0x55: {  	_ =	swait.ge [sflag:s19], $0x4000  }
0x56: {  	[sflag:s19] =	ssyncset.done $0x0  }
0x57: {  	[sflag:s19] =	ssyncadd.s32 $0xFFFFC000  }
0x58: {  	[spmem:s1] =	stream.indirect.scatter.add.f32 [tilespmem:s17], [sflag:$0x3], $0x80, s22, s16, $0xb8;
	[tilespmem:$0x1E800] =	vst v63  }
0x59: {  	_ =	swait.ge [sflag:s14], $0x4000  }
0x5a: {  	[sflag:s14] =	ssyncset.done $0x0  }
0x5b: {  	[sflag:s14] =	ssyncadd.s32 $0xFFFFC000  }
0x5c: {  	_ =	swait.ge [sflag:s20], $0x4000  }
0x5d: {  	[sflag:s20] =	ssyncset.done $0x0  }
0x5e: {  	[sflag:s20] =	ssyncadd.s32 $0xFFFFC000  }
0x5f: {  	[spmem:s1] =	stream.indirect.scatter.add.f32 [tilespmem:s18], [sflag:$0x3], $0x80, s23, s16, $0xb8;
	[tilespmem:$0x1E800] =	vst v63  }
0x60: {  	_ =	swait.ge [sflag:s14], $0x4000  }
0x61: {  	[sflag:s14] =	ssyncset.done $0x0  }
0x62: {  	s26 =	simm.s32 $0x0;
	[sflag:s14] =	ssyncadd.s32 $0xFFFFC000  }
0x63: {  	[tilespmem:s26], [sflag:$0x3] =	stream.linear.gather [hbm4b:s9+s26], $0x1400, $0x38;
	[tilespmem:$0x1E800] =	vst v63  }
0x64: {  	_ =	swait.ge [sflag:s14], $0x1400  }
0x65: {  	[sflag:s14] =	ssyncset.done $0x0  }
0x66: {  	[sflag:s14] =	ssyncadd.s32 $0xFFFFEC00  }
0x67: {  	[tilespmem:s15], [sflag:$0x3] =	stream.linear.gather [hbm4b:s10+s26], $0x1400, $0x38;
	[tilespmem:$0x1E800] =	vst v63  }
0x68: {  	_ =	swait.ge [sflag:s14], $0x1400  }
0x69: {  	[sflag:s14] =	ssyncset.done $0x0  }
0x6a: {  	[sflag:s14] =	ssyncadd.s32 $0xFFFFEC00  }
0x6b: {  	[tilespmem:s17], [sflag:$0x1] =	stream.indirect.gather [hbm4b:s4+s16], $0x80, s26, s16, $0xb8;
	[tilespmem:$0x1E800] =	vst v63  }
0x6c: {  	s28 =	simm.s32 $0x80  }
0x6d: {  	[tilespmem:s18], [sflag:$0x2] =	stream.indirect.gather [hbm4b:s4+s16], $0x80, s28, s16, $0xb8;
	[tilespmem:$0x1E800] =	vst v63  }
0x6e: {  	_ =	swait.ge [sflag:s19], $0x4000  }
0x6f: {  	[sflag:s19] =	ssyncset.done $0x0  }
0x70: {  	s29 =	simm.s32 $0x1400;
	[sflag:s19] =	ssyncadd.s32 $0xFFFFC000  }
0x71: {  	[spmem:s1] =	stream.indirect.scatter.add.f32 [tilespmem:s17], [sflag:$0x3], $0x80, s29, s16, $0xb8;
	[tilespmem:$0x1E800] =	vst v63  }
0x72: {  	_ =	swait.ge [sflag:s14], $0x4000  }
0x73: {  	[sflag:s14] =	ssyncset.done $0x0  }
0x74: {  	s30 =	simm.s32 $0x100;
	[sflag:s14] =	ssyncadd.s32 $0xFFFFC000  }
0x75: {  	[tilespmem:s17], [sflag:$0x1] =	stream.indirect.gather [hbm4b:s4+s16], $0x80, s30, s16, $0xb8;
	[tilespmem:$0x1E800] =	vst v63  }
0x76: {  	_ =	swait.ge [sflag:s20], $0x4000  }
0x77: {  	[sflag:s20] =	ssyncset.done $0x0  }
0x78: {  	s31 =	simm.s32 $0x1480;
	[sflag:s20] =	ssyncadd.s32 $0xFFFFC000  }
0x79: {  	[spmem:s1] =	stream.indirect.scatter.add.f32 [tilespmem:s18], [sflag:$0x3], $0x80, s31, s16, $0xb8;
	[tilespmem:$0x1E800] =	vst v63  }
0x7a: {  	_ =	swait.ge [sflag:s14], $0x4000  }
0x7b: {  	s25 =	simm.s32 $0x100;
	s26 =	simm.s32 $0x800;
	[sflag:s14] =	ssyncset.done $0x0  }
.LBB2_4:
0x7c: {  	s28 =	sadd.s32 $0x80, s25  }
0x7d: {  	[sflag:s14] =	ssyncadd.s32 $0xFFFFC000;
	s29 =	smov.u32 s26;
	s30 =	sadd.s32 $0x400, s26  }
0x7e: {  	[tilespmem:s18], [sflag:$0x2] =	stream.indirect.gather [hbm4b:s4+s16], $0x80, s28, s16, $0xb8;
	[tilespmem:$0x1E800] =	vst v63  }
0x7f: {  	p0 =	sne.s32 s26, $0x4800;
	_ =	swait.ge [sflag:s19], $0x4000  }
0x80: {  	[sflag:s19] =	ssyncset.done $0x0  }
0x81: {  	s26 =	sadd.s32 $0x1400, s25;
	[sflag:s19] =	ssyncadd.s32 $0xFFFFC000  }
0x82: {  	[spmem:s1] =	stream.indirect.scatter.add.f32 [tilespmem:s17], [sflag:$0x3], $0x80, s26, s16, $0xb8;
	[tilespmem:$0x1E800] =	vst v63  }
0x83: {  	_ =	swait.ge [sflag:s14], $0x4000  }
0x84: {  	[sflag:s14] =	ssyncset.done $0x0  }
0x85: {  	s26 =	sadd.s32 $0x100, s25;
	[sflag:s14] =	ssyncadd.s32 $0xFFFFC000  }
0x86: {  	[tilespmem:s17], [sflag:$0x1] =	stream.indirect.gather [hbm4b:s4+s16], $0x80, s26, s16, $0xb8;
	[tilespmem:$0x1E800] =	vst v63  }
0x87: {  	_ =	swait.ge [sflag:s20], $0x4000  }
.Ltmp1:
0x88: {  	[sflag:s20] =	ssyncset.done $0x0;
	(pc) =	sbr.rel @p0 .LBB2_4-.Ltmp1, $4  }
0x89: {  	s25 =	sadd.s32 $0x1480, s25;
	[sflag:s20] =	ssyncadd.s32 $0xFFFFC000  }
0x8a: {  	[spmem:s1] =	stream.indirect.scatter.add.f32 [tilespmem:s18], [sflag:$0x3], $0x80, s25, s16, $0xb8;
	[tilespmem:$0x1E800] =	vst v63  }
0x8b: {  	_ =	swait.ge [sflag:s14], $0x4000  }
0x8c: {  	s26 =	smov.u32 s30;
	s25 =	sshra.s32 s29, $0x2;
	[sflag:s14] =	ssyncset.done $0x0  }
0x8d: {  	s26 =	sadd.s32 $0x80, s25;
	[sflag:s14] =	ssyncadd.s32 $0xFFFFC000  }
0x8e: {  	[tilespmem:s18], [sflag:$0x2] =	stream.indirect.gather [hbm4b:s4+s16], $0x80, s26, s16, $0xb8;
	[tilespmem:$0x1E800] =	vst v63  }
0x8f: {  	_ =	swait.ge [sflag:s19], $0x4000  }
0x90: {  	[sflag:s19] =	ssyncset.done $0x0  }
0x91: {  	s29 =	sadd.s32 $0x1400, s25;
	[sflag:s19] =	ssyncadd.s32 $0xFFFFC000  }
0x92: {  	[spmem:s1] =	stream.indirect.scatter.add.f32 [tilespmem:s17], [sflag:$0x3], $0x80, s29, s16, $0xb8;
	[tilespmem:$0x1E800] =	vst v63  }
0x93: {  	_ =	swait.ge [sflag:s14], $0x4000  }
0x94: {  	[sflag:s14] =	ssyncset.done $0x0  }
0x95: {  	s30 =	sadd.s32 $0x100, s25;
	[sflag:s14] =	ssyncadd.s32 $0xFFFFC000  }
0x96: {  	[tilespmem:s17], [sflag:$0x1] =	stream.indirect.gather [hbm4b:s4+s16], $0x80, s30, s16, $0xb8;
	[tilespmem:$0x1E800] =	vst v63  }
0x97: {  	_ =	swait.ge [sflag:s20], $0x4000  }
0x98: {  	[sflag:s20] =	ssyncset.done $0x0  }
0x99: {  	s31 =	sadd.s32 $0x1480, s25;
	[sflag:s20] =	ssyncadd.s32 $0xFFFFC000  }
0x9a: {  	[spmem:s1] =	stream.indirect.scatter.add.f32 [tilespmem:s18], [sflag:$0x3], $0x80, s31, s16, $0xb8;
	[tilespmem:$0x1E800] =	vst v63  }
0x9b: {  	_ =	swait.ge [sflag:s14], $0x4000  }
0x9c: {  	[sflag:s14] =	ssyncset.done $0x0  }
0x9d: {  	[sflag:s14] =	ssyncadd.s32 $0xFFFFC000  }
0x9e: {  	[tilespmem:s18], [sflag:$0x2] =	stream.indirect.gather [hbm4b:s4+s16], $0x80, s21, s16, $0xb8;
	[tilespmem:$0x1E800] =	vst v63  }
0x9f: {  	_ =	swait.ge [sflag:s19], $0x4000  }
0xa0: {  	[sflag:s19] =	ssyncset.done $0x0  }
0xa1: {  	[sflag:s19] =	ssyncadd.s32 $0xFFFFC000  }
0xa2: {  	[spmem:s1] =	stream.indirect.scatter.add.f32 [tilespmem:s17], [sflag:$0x3], $0x80, s22, s16, $0xb8;
	[tilespmem:$0x1E800] =	vst v63  }
0xa3: {  	_ =	swait.ge [sflag:s14], $0x4000  }
0xa4: {  	[sflag:s14] =	ssyncset.done $0x0  }
0xa5: {  	[sflag:s14] =	ssyncadd.s32 $0xFFFFC000  }
0xa6: {  	_ =	swait.ge [sflag:s20], $0x4000  }
0xa7: {  	[sflag:s20] =	ssyncset.done $0x0  }
0xa8: {  	[sflag:s20] =	ssyncadd.s32 $0xFFFFC000  }
0xa9: {  	[spmem:s1] =	stream.indirect.scatter.add.f32 [tilespmem:s18], [sflag:$0x3], $0x80, s23, s16, $0xb8;
	[tilespmem:$0x1E800] =	vst v63  }
0xaa: {  	_ =	swait.ge [sflag:s14], $0x4000  }
0xab: {  	s24 =	sadd.s32 $0x1, s24;
	[sflag:s14] =	ssyncset.done $0x0  }
0xac: {  	p0 =	sne.s32 s24, s12;
	[sflag:s14] =	ssyncadd.s32 $0xFFFFC000  }
.Ltmp2:
0xad: {  	[bflag:$0x0] =	sbarrier.arrive $0xFFFF;
	(pc) =	sbr.rel @p0 .LBB2_1-.Ltmp2, $4  }
0xae: {  	[hbm:s11], [sflag:s6] =	dma.local [spmem:s13], $0x2800  }
0xaf: {  	_ =	swait.ge [sflag:s14], $0x2800  }
0xb0: {  	[sflag:s14] =	ssyncset.done $0x0  }
0xb1: {  	[sflag:s14] =	ssyncadd.s32 $0xFFFFD800  }
0xb2: {  	_ =	sfence.sel $0x180000  }
0xb3: {  	[bflag:$0x0] =	sbarrier.arrive $0xFFFF  }
0xb4: {  	p0 =	sne.s32 s2, $0x0;
	_ =	strace $0x90000053  }
0xb5: {  	s0 =	sadd.s32 @!p0 $0x100000, s0;
	[bflag:$0x2] =	sbarrier.arrive $0xFFFF  }
0xb6: {  	[sflag:s0] =	ssyncadd.tile.s32 @!p0 $0x1;
	_ =	shalt  }
.Lfunc_end2:
_tile_overlayer_lowered:
.L_overlay_start_2:
0xb7: {  	(tag) =	ssettag $0x2  }
0xb8: {  	s0 =	rddreg [dreg:$0x0];
	s2 =	stileid.u32  }
0xb9: {  	s1 =	rddreg [dreg:$0x1];
	p0 =	sne.s32 s2, $0x0  }
0xba: {  	s3 =	rddreg [dreg:$0x2];
	[bflag:$0x3] =	sbarrier.arrive $0xFFFF;
	s2 =	simm.s32 @!p0 $0x1C03  }
0xbb: {  	[timem:s3], [sflag:s2] =	dma.local @!p0 [hbm:s0], s1  }
0xbc: {  	s0 =	simm.s32 @!p0 $0x3  }
0xbd: {  	_ =	swait.ge @!p0 [sflag:s0], s1  }
0xbe: {  	s1 =	ssub.s32 @!p0 $0x0, s1;
	[sflag:s0] =	ssyncset.done @!p0 $0x0  }
0xbf: {  	[sflag:s0] =	ssyncadd.s32 @!p0 s1  }
0xc0: {  	[bflag:$0x3] =	sbarrier.arrive $0xFFFF  }
0xc1: {  	_ =	shalt  }

</sc_bundles>
